<compile_context>
chip_gen: v7x
topology: tpu7x:2x2x1
jax: 0.10.2.dev20260603
libtpu: 0.0.44.dev20260713+nightly
codegen_flags: <defaults>
</compile_context>

<pallas_src>
import jax
import jax.numpy as jnp
from jax import lax
from jax.experimental import pallas as pl
from jax.experimental.pallas import tpu as pltpu
from jax.experimental.pallas import tpu_sc as plsc

VOCAB = 1000000
K = 64
N_CLASSES = 2
B = 4096
L = 200

NC = 2
NS = 16
NW = NC * NS
ROWS = B // NW
VBLK = 32768
DEPTH = 10


def _proj_body(w_ref, embt_ref, pp_ref):
  pt = jnp.dot(w_ref[...], embt_ref[...], preferred_element_type=jnp.float32)
  lo = lax.bitcast_convert_type(
      pt[0].astype(jnp.bfloat16), jnp.uint16).astype(jnp.uint32)
  hi = lax.bitcast_convert_type(
      pt[1].astype(jnp.bfloat16), jnp.uint16).astype(jnp.uint32)
  pp_ref[...] = lo | (hi << 16)


def _project(w, embt):
  grid = (VOCAB + VBLK - 1) // VBLK
  return pl.pallas_call(
      _proj_body,
      grid=(grid,),
      in_specs=[
          pl.BlockSpec((N_CLASSES, K), lambda i: (0, 0)),
          pl.BlockSpec((K, VBLK), lambda i: (0, i)),
      ],
      out_specs=pl.BlockSpec((VBLK,), lambda i: (i,)),
      out_shape=jax.ShapeDtypeStruct((VOCAB,), jnp.uint32),
  )(w, embt)


def _pool_body(xt_hbm, pp_hbm, bt_hbm, out_hbm, xv, v, b_v, ob, shared,
               *sems):
  sid = lax.axis_index("s")
  wid = sid * NC + lax.axis_index("c")
  base = wid * ROWS

  for c in range(NS):
    off = c * 64000
    n = 64000 if c < NS - 1 else VOCAB - 15 * 64000

    @pl.when(sid == c)
    def _():
      pltpu.sync_copy(pp_hbm.at[pl.ds(off, n)], shared.at[pl.ds(off, n)])

  pltpu.sync_copy(xt_hbm.at[:, pl.ds(base, ROWS)], xv)
  pltpu.sync_copy(bt_hbm, b_v)
  plsc.subcore_barrier()

  def fire(l, s):
    pltpu.async_copy(shared.at[xv.at[l]], v.at[s], sems[s])

  def wait(l, s):
    pltpu.make_async_copy(shared.at[xv.at[l]], v.at[s], sems[s]).wait()

  for s in range(DEPTH):
    fire(s, s)

  zero = jnp.zeros((16,), jnp.float32)
  himask = jnp.full((16,), 0xFFFF0000, jnp.uint32)

  def grp_step(g, accs):
    accs = list(accs)
    for s in range(DEPTH):
      l = g * DEPTH + s
      wait(l, s)
      vals = []
      for k in range(8):
        packed = v[s, pl.ds(16 * k, 16)]
        vals.append(lax.bitcast_convert_type(packed << 16, jnp.float32))
        vals.append(lax.bitcast_convert_type(packed & himask, jnp.float32))

      @pl.when(l + DEPTH < L)
      def _():
        fire(l + DEPTH, s)

      for k in range(16):
        accs[k] = accs[k] + vals[k]
    return tuple(accs)

  accs = lax.fori_loop(0, L // DEPTH, grp_step, (zero,) * 16)

  b0 = b_v[pl.ds(0, 16)]
  b1 = b_v[pl.ds(16, 16)]
  lanes = jnp.arange(16, dtype=jnp.int32)
  inv_l = jnp.float32(1.0 / L)
  ones = jnp.ones((16,), jnp.bool_)
  for k in range(8):
    pos = 32 * k + 2 * lanes
    plsc.store_scatter(ob, [pos], accs[2 * k] * inv_l + b0, mask=ones)
    plsc.store_scatter(ob, [pos + 1], accs[2 * k + 1] * inv_l + b1, mask=ones)

  pltpu.sync_copy(ob, out_hbm.at[pl.ds(base * N_CLASSES, ROWS * N_CLASSES)])


def _pool(xt, pp, bt):
  mesh = plsc.VectorSubcoreMesh(core_axis_name="c", subcore_axis_name="s")
  return pl.kernel(
      _pool_body,
      out_type=jax.ShapeDtypeStruct((B * N_CLASSES,), jnp.float32),
      mesh=mesh,
      scratch_types=[
          pltpu.VMEM((L, ROWS), jnp.int32),
          pltpu.VMEM((DEPTH, ROWS), jnp.uint32),
          pltpu.VMEM((2 * 16,), jnp.float32),
          pltpu.VMEM((ROWS * N_CLASSES,), jnp.float32),
          pltpu.VMEM_SHARED((VOCAB,), jnp.uint32),
      ] + [pltpu.SemaphoreType.DMA] * DEPTH,
      compiler_params=pltpu.CompilerParams(
          needs_layout_passes=False, use_tc_tiling_on_sc=False),
  )(xt, pp, bt)


@jax.jit
def _run(xt, embt, w, bt):
  pp = _project(w, embt)
  return _pool(xt, pp, bt).reshape(B, N_CLASSES)


def kernel(x, emb, W, b):
  bt = jnp.repeat(b, 16)
  return _run(x.astype(jnp.int32).T, emb.T, W, bt)

# --- scband reference (transcript-rebuilt; emitter-appended) ---
"""Pipeline reference for scband-base-clf-8065948581993 (READ-ONLY COPY).

The authoritative reference and input builder live on the scoring server;
editing this copy changes nothing except your own understanding.
"""

import jax, jax.numpy as jnp
import numpy as np

VOCAB = 1000000
K = 64
N_CLASSES = 2
B = 4096
L = 200


def setup_inputs(seed: int = 0) -> dict:
    key = jax.random.key(seed)
    k1, k2, k3 = jax.random.split(key, 3)
    x = jax.random.randint(k1, (B, L), 0, VOCAB, dtype=jnp.int64) if jax.config.read('jax_enable_x64') else jax.random.randint(k1, (B, L), 0, VOCAB, dtype=jnp.int32)
    emb = jax.random.normal(k2, (VOCAB, K), dtype=jnp.float32) * 0.02
    W = jax.random.normal(k3, (N_CLASSES, K), dtype=jnp.float32) * (1.0 / np.sqrt(K))
    b = jnp.zeros((N_CLASSES,), dtype=jnp.float32)
    return {"x": x, "emb": emb, "W": W, "b": b}


def reference(x, emb, W, b):
    # nn.Embedding lookup: [B, L] -> [B, L, K]
    embedded = jnp.take(emb, x, axis=0)
    # permute(0, 2, 1) + AdaptiveAvgPool1d(1) + squeeze == mean over sequence dim
    pooled = jnp.mean(embedded, axis=1)  # [B, K]
    # Linear(k, n_classes, bias=True)
    return pooled @ W.T + b

if __name__ == "__main__":
    import jax
    _d = setup_inputs()
    print(jax.jit(kernel)(*tuple(_d.values())))

</pallas_src>

<mosaic_0001>
#map = affine_map<(d0, d1) -> (0, 0)>
#map1 = affine_map<(d0, d1) -> (0)>
module attributes {stable_mosaic.version = 14 : i64} {
  func.func @_pool_body(%arg0: i32, %arg1: i32, %arg2: memref<200x4096xi32, #tpu.memory_space<hbm>>, %arg3: memref<1000000xi32, #tpu.memory_space<hbm>>, %arg4: memref<32xf32, #tpu.memory_space<hbm>>, %arg5: memref<8192xf32, #tpu.memory_space<hbm>>, %arg6: memref<200x128xi32, #tpu.memory_space<vmem>>, %arg7: memref<10x128xi32, #tpu.memory_space<vmem>>, %arg8: memref<32xf32, #tpu.memory_space<vmem>>, %arg9: memref<256xf32, #tpu.memory_space<vmem>>, %arg10: memref<1000000xi32, #tpu.memory_space<vmem_shared>>, %arg11: memref<!tpu.dma_semaphore, #tpu.memory_space<semaphore_mem>>, %arg12: memref<!tpu.dma_semaphore, #tpu.memory_space<semaphore_mem>>, %arg13: memref<!tpu.dma_semaphore, #tpu.memory_space<semaphore_mem>>, %arg14: memref<!tpu.dma_semaphore, #tpu.memory_space<semaphore_mem>>, %arg15: memref<!tpu.dma_semaphore, #tpu.memory_space<semaphore_mem>>, %arg16: memref<!tpu.dma_semaphore, #tpu.memory_space<semaphore_mem>>, %arg17: memref<!tpu.dma_semaphore, #tpu.memory_space<semaphore_mem>>, %arg18: memref<!tpu.dma_semaphore, #tpu.memory_space<semaphore_mem>>, %arg19: memref<!tpu.dma_semaphore, #tpu.memory_space<semaphore_mem>>, %arg20: memref<!tpu.dma_semaphore, #tpu.memory_space<semaphore_mem>>) attributes {dimension_semantics = [#tpu.dimension_semantics<core_parallel>, #tpu.dimension_semantics<subcore_parallel>], iteration_bounds = array<i64: 2, 16>, scalar_prefetch = 0 : i64, scratch_operands = 15 : i64, tpu.core_type = #tpu.core_type<sc_vector_subcore>, window_params = [{transform_indices = #map}, {transform_indices = #map1}, {transform_indices = #map1}, {transform_indices = #map1}]} {
    %mul3A = arith.constant 2 : i32
    %mul3A_0 = arith.muli %arg1, %mul3A : i32
    %add3A = arith.addi %mul3A_0, %arg0 : i32
    %mul3A_1 = arith.constant 128 : i32
    %mul3A_2 = arith.muli %add3A, %mul3A_1 : i32
    %eq3A = arith.constant 0 : i32
    %eq3A_3 = arith.cmpi eq, %arg1, %eq3A : i32
    %convert_element_type3A = arith.extui %eq3A_3 : i1 to i32
    %cond3A = arith.constant 0 : i32
    %cond3A_4 = arith.cmpi ne, %convert_element_type3A, %cond3A : i32
    scf.if %cond3A_4 {
      "tpu.region"() ({
        %run_scoped3A = tpu.sem_alloc : memref<!tpu.dma_semaphore, #tpu.memory_space<semaphore_mem>>
        %dma_start3A_330 = arith.constant 0 : i32
        %dma_start3A_331 = tpu.memref_slice %arg10[%dma_start3A_330] : memref<1000000xi32, #tpu.memory_space<vmem_shared>> -> memref<64000xi32, #tpu.memory_space<vmem_shared>>
        %dma_start3A_332 = arith.constant 0 : i32
        %dma_start3A_333 = tpu.memref_slice %arg3[%dma_start3A_332] : memref<1000000xi32, #tpu.memory_space<hbm>> -> memref<64000xi32, #tpu.memory_space<hbm>>
        tpu.enqueue_dma source(%dma_start3A_333 : memref<64000xi32, #tpu.memory_space<hbm>>) target(%dma_start3A_331 : memref<64000xi32, #tpu.memory_space<vmem_shared>>) target_semaphore(%run_scoped3A : memref<!tpu.dma_semaphore, #tpu.memory_space<semaphore_mem>>)
        %dma_wait3A = arith.constant 0 : i32
        %dma_wait3A_334 = tpu.memref_slice %arg10[%dma_wait3A] : memref<1000000xi32, #tpu.memory_space<vmem_shared>> -> memref<64000xi32, #tpu.memory_space<vmem_shared>>
        %dma_wait3A_335 = arith.constant 0 : i32
        %dma_wait3A_336 = tpu.memref_slice %arg3[%dma_wait3A_335] : memref<1000000xi32, #tpu.memory_space<hbm>> -> memref<64000xi32, #tpu.memory_space<hbm>>
        tpu.wait_dma2 semaphore(%run_scoped3A : memref<!tpu.dma_semaphore, #tpu.memory_space<semaphore_mem>>) src(%dma_wait3A_336 : memref<64000xi32, #tpu.memory_space<hbm>>) dst(%dma_wait3A_334 : memref<64000xi32, #tpu.memory_space<vmem_shared>>)
        tpu.yield
      }) : () -> ()
    } else {
    }
    %eq3A_5 = arith.constant 1 : i32
    %eq3A_6 = arith.cmpi eq, %arg1, %eq3A_5 : i32
    %convert_element_type3A_7 = arith.extui %eq3A_6 : i1 to i32
    %cond3A_8 = arith.constant 0 : i32
    %cond3A_9 = arith.cmpi ne, %convert_element_type3A_7, %cond3A_8 : i32
    scf.if %cond3A_9 {
      "tpu.region"() ({
        %run_scoped3A = tpu.sem_alloc : memref<!tpu.dma_semaphore, #tpu.memory_space<semaphore_mem>>
        %dma_start3A_330 = arith.constant 64000 : i32
        %dma_start3A_331 = tpu.memref_slice %arg10[%dma_start3A_330] : memref<1000000xi32, #tpu.memory_space<vmem_shared>> -> memref<64000xi32, #tpu.memory_space<vmem_shared>>
        %dma_start3A_332 = arith.constant 64000 : i32
        %dma_start3A_333 = tpu.memref_slice %arg3[%dma_start3A_332] : memref<1000000xi32, #tpu.memory_space<hbm>> -> memref<64000xi32, #tpu.memory_space<hbm>>
        tpu.enqueue_dma source(%dma_start3A_333 : memref<64000xi32, #tpu.memory_space<hbm>>) target(%dma_start3A_331 : memref<64000xi32, #tpu.memory_space<vmem_shared>>) target_semaphore(%run_scoped3A : memref<!tpu.dma_semaphore, #tpu.memory_space<semaphore_mem>>)
        %dma_wait3A = arith.constant 64000 : i32
        %dma_wait3A_334 = tpu.memref_slice %arg10[%dma_wait3A] : memref<1000000xi32, #tpu.memory_space<vmem_shared>> -> memref<64000xi32, #tpu.memory_space<vmem_shared>>
        %dma_wait3A_335 = arith.constant 64000 : i32
        %dma_wait3A_336 = tpu.memref_slice %arg3[%dma_wait3A_335] : memref<1000000xi32, #tpu.memory_space<hbm>> -> memref<64000xi32, #tpu.memory_space<hbm>>
        tpu.wait_dma2 semaphore(%run_scoped3A : memref<!tpu.dma_semaphore, #tpu.memory_space<semaphore_mem>>) src(%dma_wait3A_336 : memref<64000xi32, #tpu.memory_space<hbm>>) dst(%dma_wait3A_334 : memref<64000xi32, #tpu.memory_space<vmem_shared>>)
        tpu.yield
      }) : () -> ()
    } else {
    }
    %eq3A_10 = arith.constant 2 : i32
    %eq3A_11 = arith.cmpi eq, %arg1, %eq3A_10 : i32
    %convert_element_type3A_12 = arith.extui %eq3A_11 : i1 to i32
    %cond3A_13 = arith.constant 0 : i32
    %cond3A_14 = arith.cmpi ne, %convert_element_type3A_12, %cond3A_13 : i32
    scf.if %cond3A_14 {
      "tpu.region"() ({
        %run_scoped3A = tpu.sem_alloc : memref<!tpu.dma_semaphore, #tpu.memory_space<semaphore_mem>>
        %dma_start3A_330 = arith.constant 128000 : i32
        %dma_start3A_331 = tpu.memref_slice %arg10[%dma_start3A_330] : memref<1000000xi32, #tpu.memory_space<vmem_shared>> -> memref<64000xi32, #tpu.memory_space<vmem_shared>>
        %dma_start3A_332 = arith.constant 128000 : i32
        %dma_start3A_333 = tpu.memref_slice %arg3[%dma_start3A_332] : memref<1000000xi32, #tpu.memory_space<hbm>> -> memref<64000xi32, #tpu.memory_space<hbm>>
        tpu.enqueue_dma source(%dma_start3A_333 : memref<64000xi32, #tpu.memory_space<hbm>>) target(%dma_start3A_331 : memref<64000xi32, #tpu.memory_space<vmem_shared>>) target_semaphore(%run_scoped3A : memref<!tpu.dma_semaphore, #tpu.memory_space<semaphore_mem>>)
        %dma_wait3A = arith.constant 128000 : i32
        %dma_wait3A_334 = tpu.memref_slice %arg10[%dma_wait3A] : memref<1000000xi32, #tpu.memory_space<vmem_shared>> -> memref<64000xi32, #tpu.memory_space<vmem_shared>>
        %dma_wait3A_335 = arith.constant 128000 : i32
        %dma_wait3A_336 = tpu.memref_slice %arg3[%dma_wait3A_335] : memref<1000000xi32, #tpu.memory_space<hbm>> -> memref<64000xi32, #tpu.memory_space<hbm>>
        tpu.wait_dma2 semaphore(%run_scoped3A : memref<!tpu.dma_semaphore, #tpu.memory_space<semaphore_mem>>) src(%dma_wait3A_336 : memref<64000xi32, #tpu.memory_space<hbm>>) dst(%dma_wait3A_334 : memref<64000xi32, #tpu.memory_space<vmem_shared>>)
        tpu.yield
      }) : () -> ()
    } else {
    }
    %eq3A_15 = arith.constant 3 : i32
    %eq3A_16 = arith.cmpi eq, %arg1, %eq3A_15 : i32
    %convert_element_type3A_17 = arith.extui %eq3A_16 : i1 to i32
    %cond3A_18 = arith.constant 0 : i32
    %cond3A_19 = arith.cmpi ne, %convert_element_type3A_17, %cond3A_18 : i32
    scf.if %cond3A_19 {
      "tpu.region"() ({
        %run_scoped3A = tpu.sem_alloc : memref<!tpu.dma_semaphore, #tpu.memory_space<semaphore_mem>>
        %dma_start3A_330 = arith.constant 192000 : i32
        %dma_start3A_331 = tpu.memref_slice %arg10[%dma_start3A_330] : memref<1000000xi32, #tpu.memory_space<vmem_shared>> -> memref<64000xi32, #tpu.memory_space<vmem_shared>>
        %dma_start3A_332 = arith.constant 192000 : i32
        %dma_start3A_333 = tpu.memref_slice %arg3[%dma_start3A_332] : memref<1000000xi32, #tpu.memory_space<hbm>> -> memref<64000xi32, #tpu.memory_space<hbm>>
        tpu.enqueue_dma source(%dma_start3A_333 : memref<64000xi32, #tpu.memory_space<hbm>>) target(%dma_start3A_331 : memref<64000xi32, #tpu.memory_space<vmem_shared>>) target_semaphore(%run_scoped3A : memref<!tpu.dma_semaphore, #tpu.memory_space<semaphore_mem>>)
        %dma_wait3A = arith.constant 192000 : i32
        %dma_wait3A_334 = tpu.memref_slice %arg10[%dma_wait3A] : memref<1000000xi32, #tpu.memory_space<vmem_shared>> -> memref<64000xi32, #tpu.memory_space<vmem_shared>>
        %dma_wait3A_335 = arith.constant 192000 : i32
        %dma_wait3A_336 = tpu.memref_slice %arg3[%dma_wait3A_335] : memref<1000000xi32, #tpu.memory_space<hbm>> -> memref<64000xi32, #tpu.memory_space<hbm>>
        tpu.wait_dma2 semaphore(%run_scoped3A : memref<!tpu.dma_semaphore, #tpu.memory_space<semaphore_mem>>) src(%dma_wait3A_336 : memref<64000xi32, #tpu.memory_space<hbm>>) dst(%dma_wait3A_334 : memref<64000xi32, #tpu.memory_space<vmem_shared>>)
        tpu.yield
      }) : () -> ()
    } else {
    }
    %eq3A_20 = arith.constant 4 : i32
    %eq3A_21 = arith.cmpi eq, %arg1, %eq3A_20 : i32
    %convert_element_type3A_22 = arith.extui %eq3A_21 : i1 to i32
    %cond3A_23 = arith.constant 0 : i32
    %cond3A_24 = arith.cmpi ne, %convert_element_type3A_22, %cond3A_23 : i32
    scf.if %cond3A_24 {
      "tpu.region"() ({
        %run_scoped3A = tpu.sem_alloc : memref<!tpu.dma_semaphore, #tpu.memory_space<semaphore_mem>>
        %dma_start3A_330 = arith.constant 256000 : i32
        %dma_start3A_331 = tpu.memref_slice %arg10[%dma_start3A_330] : memref<1000000xi32, #tpu.memory_space<vmem_shared>> -> memref<64000xi32, #tpu.memory_space<vmem_shared>>
        %dma_start3A_332 = arith.constant 256000 : i32
        %dma_start3A_333 = tpu.memref_slice %arg3[%dma_start3A_332] : memref<1000000xi32, #tpu.memory_space<hbm>> -> memref<64000xi32, #tpu.memory_space<hbm>>
        tpu.enqueue_dma source(%dma_start3A_333 : memref<64000xi32, #tpu.memory_space<hbm>>) target(%dma_start3A_331 : memref<64000xi32, #tpu.memory_space<vmem_shared>>) target_semaphore(%run_scoped3A : memref<!tpu.dma_semaphore, #tpu.memory_space<semaphore_mem>>)
        %dma_wait3A = arith.constant 256000 : i32
        %dma_wait3A_334 = tpu.memref_slice %arg10[%dma_wait3A] : memref<1000000xi32, #tpu.memory_space<vmem_shared>> -> memref<64000xi32, #tpu.memory_space<vmem_shared>>
        %dma_wait3A_335 = arith.constant 256000 : i32
        %dma_wait3A_336 = tpu.memref_slice %arg3[%dma_wait3A_335] : memref<1000000xi32, #tpu.memory_space<hbm>> -> memref<64000xi32, #tpu.memory_space<hbm>>
        tpu.wait_dma2 semaphore(%run_scoped3A : memref<!tpu.dma_semaphore, #tpu.memory_space<semaphore_mem>>) src(%dma_wait3A_336 : memref<64000xi32, #tpu.memory_space<hbm>>) dst(%dma_wait3A_334 : memref<64000xi32, #tpu.memory_space<vmem_shared>>)
        tpu.yield
      }) : () -> ()
    } else {
    }
    %eq3A_25 = arith.constant 5 : i32
    %eq3A_26 = arith.cmpi eq, %arg1, %eq3A_25 : i32
    %convert_element_type3A_27 = arith.extui %eq3A_26 : i1 to i32
    %cond3A_28 = arith.constant 0 : i32
    %cond3A_29 = arith.cmpi ne, %convert_element_type3A_27, %cond3A_28 : i32
    scf.if %cond3A_29 {
      "tpu.region"() ({
        %run_scoped3A = tpu.sem_alloc : memref<!tpu.dma_semaphore, #tpu.memory_space<semaphore_mem>>
        %dma_start3A_330 = arith.constant 320000 : i32
        %dma_start3A_331 = tpu.memref_slice %arg10[%dma_start3A_330] : memref<1000000xi32, #tpu.memory_space<vmem_shared>> -> memref<64000xi32, #tpu.memory_space<vmem_shared>>
        %dma_start3A_332 = arith.constant 320000 : i32
        %dma_start3A_333 = tpu.memref_slice %arg3[%dma_start3A_332] : memref<1000000xi32, #tpu.memory_space<hbm>> -> memref<64000xi32, #tpu.memory_space<hbm>>
        tpu.enqueue_dma source(%dma_start3A_333 : memref<64000xi32, #tpu.memory_space<hbm>>) target(%dma_start3A_331 : memref<64000xi32, #tpu.memory_space<vmem_shared>>) target_semaphore(%run_scoped3A : memref<!tpu.dma_semaphore, #tpu.memory_space<semaphore_mem>>)
        %dma_wait3A = arith.constant 320000 : i32
        %dma_wait3A_334 = tpu.memref_slice %arg10[%dma_wait3A] : memref<1000000xi32, #tpu.memory_space<vmem_shared>> -> memref<64000xi32, #tpu.memory_space<vmem_shared>>
        %dma_wait3A_335 = arith.constant 320000 : i32
        %dma_wait3A_336 = tpu.memref_slice %arg3[%dma_wait3A_335] : memref<1000000xi32, #tpu.memory_space<hbm>> -> memref<64000xi32, #tpu.memory_space<hbm>>
        tpu.wait_dma2 semaphore(%run_scoped3A : memref<!tpu.dma_semaphore, #tpu.memory_space<semaphore_mem>>) src(%dma_wait3A_336 : memref<64000xi32, #tpu.memory_space<hbm>>) dst(%dma_wait3A_334 : memref<64000xi32, #tpu.memory_space<vmem_shared>>)
        tpu.yield
      }) : () -> ()
    } else {
    }
    %eq3A_30 = arith.constant 6 : i32
    %eq3A_31 = arith.cmpi eq, %arg1, %eq3A_30 : i32
    %convert_element_type3A_32 = arith.extui %eq3A_31 : i1 to i32
    %cond3A_33 = arith.constant 0 : i32
    %cond3A_34 = arith.cmpi ne, %convert_element_type3A_32, %cond3A_33 : i32
    scf.if %cond3A_34 {
      "tpu.region"() ({
        %run_scoped3A = tpu.sem_alloc : memref<!tpu.dma_semaphore, #tpu.memory_space<semaphore_mem>>
        %dma_start3A_330 = arith.constant 384000 : i32
        %dma_start3A_331 = tpu.memref_slice %arg10[%dma_start3A_330] : memref<1000000xi32, #tpu.memory_space<vmem_shared>> -> memref<64000xi32, #tpu.memory_space<vmem_shared>>
        %dma_start3A_332 = arith.constant 384000 : i32
        %dma_start3A_333 = tpu.memref_slice %arg3[%dma_start3A_332] : memref<1000000xi32, #tpu.memory_space<hbm>> -> memref<64000xi32, #tpu.memory_space<hbm>>
        tpu.enqueue_dma source(%dma_start3A_333 : memref<64000xi32, #tpu.memory_space<hbm>>) target(%dma_start3A_331 : memref<64000xi32, #tpu.memory_space<vmem_shared>>) target_semaphore(%run_scoped3A : memref<!tpu.dma_semaphore, #tpu.memory_space<semaphore_mem>>)
        %dma_wait3A = arith.constant 384000 : i32
        %dma_wait3A_334 = tpu.memref_slice %arg10[%dma_wait3A] : memref<1000000xi32, #tpu.memory_space<vmem_shared>> -> memref<64000xi32, #tpu.memory_space<vmem_shared>>
        %dma_wait3A_335 = arith.constant 384000 : i32
        %dma_wait3A_336 = tpu.memref_slice %arg3[%dma_wait3A_335] : memref<1000000xi32, #tpu.memory_space<hbm>> -> memref<64000xi32, #tpu.memory_space<hbm>>
        tpu.wait_dma2 semaphore(%run_scoped3A : memref<!tpu.dma_semaphore, #tpu.memory_space<semaphore_mem>>) src(%dma_wait3A_336 : memref<64000xi32, #tpu.memory_space<hbm>>) dst(%dma_wait3A_334 : memref<64000xi32, #tpu.memory_space<vmem_shared>>)
        tpu.yield
      }) : () -> ()
    } else {
    }
    %eq3A_35 = arith.constant 7 : i32
    %eq3A_36 = arith.cmpi eq, %arg1, %eq3A_35 : i32
    %convert_element_type3A_37 = arith.extui %eq3A_36 : i1 to i32
    %cond3A_38 = arith.constant 0 : i32
    %cond3A_39 = arith.cmpi ne, %convert_element_type3A_37, %cond3A_38 : i32
    scf.if %cond3A_39 {
      "tpu.region"() ({
        %run_scoped3A = tpu.sem_alloc : memref<!tpu.dma_semaphore, #tpu.memory_space<semaphore_mem>>
        %dma_start3A_330 = arith.constant 448000 : i32
        %dma_start3A_331 = tpu.memref_slice %arg10[%dma_start3A_330] : memref<1000000xi32, #tpu.memory_space<vmem_shared>> -> memref<64000xi32, #tpu.memory_space<vmem_shared>>
        %dma_start3A_332 = arith.constant 448000 : i32
        %dma_start3A_333 = tpu.memref_slice %arg3[%dma_start3A_332] : memref<1000000xi32, #tpu.memory_space<hbm>> -> memref<64000xi32, #tpu.memory_space<hbm>>
        tpu.enqueue_dma source(%dma_start3A_333 : memref<64000xi32, #tpu.memory_space<hbm>>) target(%dma_start3A_331 : memref<64000xi32, #tpu.memory_space<vmem_shared>>) target_semaphore(%run_scoped3A : memref<!tpu.dma_semaphore, #tpu.memory_space<semaphore_mem>>)
        %dma_wait3A = arith.constant 448000 : i32
        %dma_wait3A_334 = tpu.memref_slice %arg10[%dma_wait3A] : memref<1000000xi32, #tpu.memory_space<vmem_shared>> -> memref<64000xi32, #tpu.memory_space<vmem_shared>>
        %dma_wait3A_335 = arith.constant 448000 : i32
        %dma_wait3A_336 = tpu.memref_slice %arg3[%dma_wait3A_335] : memref<1000000xi32, #tpu.memory_space<hbm>> -> memref<64000xi32, #tpu.memory_space<hbm>>
        tpu.wait_dma2 semaphore(%run_scoped3A : memref<!tpu.dma_semaphore, #tpu.memory_space<semaphore_mem>>) src(%dma_wait3A_336 : memref<64000xi32, #tpu.memory_space<hbm>>) dst(%dma_wait3A_334 : memref<64000xi32, #tpu.memory_space<vmem_shared>>)
        tpu.yield
      }) : () -> ()
    } else {
    }
    %eq3A_40 = arith.constant 8 : i32
    %eq3A_41 = arith.cmpi eq, %arg1, %eq3A_40 : i32
    %convert_element_type3A_42 = arith.extui %eq3A_41 : i1 to i32
    %cond3A_43 = arith.constant 0 : i32
    %cond3A_44 = arith.cmpi ne, %convert_element_type3A_42, %cond3A_43 : i32
    scf.if %cond3A_44 {
      "tpu.region"() ({
        %run_scoped3A = tpu.sem_alloc : memref<!tpu.dma_semaphore, #tpu.memory_space<semaphore_mem>>
        %dma_start3A_330 = arith.constant 512000 : i32
        %dma_start3A_331 = tpu.memref_slice %arg10[%dma_start3A_330] : memref<1000000xi32, #tpu.memory_space<vmem_shared>> -> memref<64000xi32, #tpu.memory_space<vmem_shared>>
        %dma_start3A_332 = arith.constant 512000 : i32
        %dma_start3A_333 = tpu.memref_slice %arg3[%dma_start3A_332] : memref<1000000xi32, #tpu.memory_space<hbm>> -> memref<64000xi32, #tpu.memory_space<hbm>>
        tpu.enqueue_dma source(%dma_start3A_333 : memref<64000xi32, #tpu.memory_space<hbm>>) target(%dma_start3A_331 : memref<64000xi32, #tpu.memory_space<vmem_shared>>) target_semaphore(%run_scoped3A : memref<!tpu.dma_semaphore, #tpu.memory_space<semaphore_mem>>)
        %dma_wait3A = arith.constant 512000 : i32
        %dma_wait3A_334 = tpu.memref_slice %arg10[%dma_wait3A] : memref<1000000xi32, #tpu.memory_space<vmem_shared>> -> memref<64000xi32, #tpu.memory_space<vmem_shared>>
        %dma_wait3A_335 = arith.constant 512000 : i32
        %dma_wait3A_336 = tpu.memref_slice %arg3[%dma_wait3A_335] : memref<1000000xi32, #tpu.memory_space<hbm>> -> memref<64000xi32, #tpu.memory_space<hbm>>
        tpu.wait_dma2 semaphore(%run_scoped3A : memref<!tpu.dma_semaphore, #tpu.memory_space<semaphore_mem>>) src(%dma_wait3A_336 : memref<64000xi32, #tpu.memory_space<hbm>>) dst(%dma_wait3A_334 : memref<64000xi32, #tpu.memory_space<vmem_shared>>)
        tpu.yield
      }) : () -> ()
    } else {
    }
    %eq3A_45 = arith.constant 9 : i32
    %eq3A_46 = arith.cmpi eq, %arg1, %eq3A_45 : i32
    %convert_element_type3A_47 = arith.extui %eq3A_46 : i1 to i32
    %cond3A_48 = arith.constant 0 : i32
    %cond3A_49 = arith.cmpi ne, %convert_element_type3A_47, %cond3A_48 : i32
    scf.if %cond3A_49 {
      "tpu.region"() ({
        %run_scoped3A = tpu.sem_alloc : memref<!tpu.dma_semaphore, #tpu.memory_space<semaphore_mem>>
        %dma_start3A_330 = arith.constant 576000 : i32
        %dma_start3A_331 = tpu.memref_slice %arg10[%dma_start3A_330] : memref<1000000xi32, #tpu.memory_space<vmem_shared>> -> memref<64000xi32, #tpu.memory_space<vmem_shared>>
        %dma_start3A_332 = arith.constant 576000 : i32
        %dma_start3A_333 = tpu.memref_slice %arg3[%dma_start3A_332] : memref<1000000xi32, #tpu.memory_space<hbm>> -> memref<64000xi32, #tpu.memory_space<hbm>>
        tpu.enqueue_dma source(%dma_start3A_333 : memref<64000xi32, #tpu.memory_space<hbm>>) target(%dma_start3A_331 : memref<64000xi32, #tpu.memory_space<vmem_shared>>) target_semaphore(%run_scoped3A : memref<!tpu.dma_semaphore, #tpu.memory_space<semaphore_mem>>)
        %dma_wait3A = arith.constant 576000 : i32
        %dma_wait3A_334 = tpu.memref_slice %arg10[%dma_wait3A] : memref<1000000xi32, #tpu.memory_space<vmem_shared>> -> memref<64000xi32, #tpu.memory_space<vmem_shared>>
        %dma_wait3A_335 = arith.constant 576000 : i32
        %dma_wait3A_336 = tpu.memref_slice %arg3[%dma_wait3A_335] : memref<1000000xi32, #tpu.memory_space<hbm>> -> memref<64000xi32, #tpu.memory_space<hbm>>
        tpu.wait_dma2 semaphore(%run_scoped3A : memref<!tpu.dma_semaphore, #tpu.memory_space<semaphore_mem>>) src(%dma_wait3A_336 : memref<64000xi32, #tpu.memory_space<hbm>>) dst(%dma_wait3A_334 : memref<64000xi32, #tpu.memory_space<vmem_shared>>)
        tpu.yield
      }) : () -> ()
    } else {
    }
    %eq3A_50 = arith.constant 10 : i32
    %eq3A_51 = arith.cmpi eq, %arg1, %eq3A_50 : i32
    %convert_element_type3A_52 = arith.extui %eq3A_51 : i1 to i32
    %cond3A_53 = arith.constant 0 : i32
    %cond3A_54 = arith.cmpi ne, %convert_element_type3A_52, %cond3A_53 : i32
    scf.if %cond3A_54 {
      "tpu.region"() ({
        %run_scoped3A = tpu.sem_alloc : memref<!tpu.dma_semaphore, #tpu.memory_space<semaphore_mem>>
        %dma_start3A_330 = arith.constant 640000 : i32
        %dma_start3A_331 = tpu.memref_slice %arg10[%dma_start3A_330] : memref<1000000xi32, #tpu.memory_space<vmem_shared>> -> memref<64000xi32, #tpu.memory_space<vmem_shared>>
        %dma_start3A_332 = arith.constant 640000 : i32
        %dma_start3A_333 = tpu.memref_slice %arg3[%dma_start3A_332] : memref<1000000xi32, #tpu.memory_space<hbm>> -> memref<64000xi32, #tpu.memory_space<hbm>>
        tpu.enqueue_dma source(%dma_start3A_333 : memref<64000xi32, #tpu.memory_space<hbm>>) target(%dma_start3A_331 : memref<64000xi32, #tpu.memory_space<vmem_shared>>) target_semaphore(%run_scoped3A : memref<!tpu.dma_semaphore, #tpu.memory_space<semaphore_mem>>)
        %dma_wait3A = arith.constant 640000 : i32
        %dma_wait3A_334 = tpu.memref_slice %arg10[%dma_wait3A] : memref<1000000xi32, #tpu.memory_space<vmem_shared>> -> memref<64000xi32, #tpu.memory_space<vmem_shared>>
        %dma_wait3A_335 = arith.constant 640000 : i32
        %dma_wait3A_336 = tpu.memref_slice %arg3[%dma_wait3A_335] : memref<1000000xi32, #tpu.memory_space<hbm>> -> memref<64000xi32, #tpu.memory_space<hbm>>
        tpu.wait_dma2 semaphore(%run_scoped3A : memref<!tpu.dma_semaphore, #tpu.memory_space<semaphore_mem>>) src(%dma_wait3A_336 : memref<64000xi32, #tpu.memory_space<hbm>>) dst(%dma_wait3A_334 : memref<64000xi32, #tpu.memory_space<vmem_shared>>)
        tpu.yield
      }) : () -> ()
    } else {
    }
    %eq3A_55 = arith.constant 11 : i32
    %eq3A_56 = arith.cmpi eq, %arg1, %eq3A_55 : i32
    %convert_element_type3A_57 = arith.extui %eq3A_56 : i1 to i32
    %cond3A_58 = arith.constant 0 : i32
    %cond3A_59 = arith.cmpi ne, %convert_element_type3A_57, %cond3A_58 : i32
    scf.if %cond3A_59 {
      "tpu.region"() ({
        %run_scoped3A = tpu.sem_alloc : memref<!tpu.dma_semaphore, #tpu.memory_space<semaphore_mem>>
        %dma_start3A_330 = arith.constant 704000 : i32
        %dma_start3A_331 = tpu.memref_slice %arg10[%dma_start3A_330] : memref<1000000xi32, #tpu.memory_space<vmem_shared>> -> memref<64000xi32, #tpu.memory_space<vmem_shared>>
        %dma_start3A_332 = arith.constant 704000 : i32
        %dma_start3A_333 = tpu.memref_slice %arg3[%dma_start3A_332] : memref<1000000xi32, #tpu.memory_space<hbm>> -> memref<64000xi32, #tpu.memory_space<hbm>>
        tpu.enqueue_dma source(%dma_start3A_333 : memref<64000xi32, #tpu.memory_space<hbm>>) target(%dma_start3A_331 : memref<64000xi32, #tpu.memory_space<vmem_shared>>) target_semaphore(%run_scoped3A : memref<!tpu.dma_semaphore, #tpu.memory_space<semaphore_mem>>)
        %dma_wait3A = arith.constant 704000 : i32
        %dma_wait3A_334 = tpu.memref_slice %arg10[%dma_wait3A] : memref<1000000xi32, #tpu.memory_space<vmem_shared>> -> memref<64000xi32, #tpu.memory_space<vmem_shared>>
        %dma_wait3A_335 = arith.constant 704000 : i32
        %dma_wait3A_336 = tpu.memref_slice %arg3[%dma_wait3A_335] : memref<1000000xi32, #tpu.memory_space<hbm>> -> memref<64000xi32, #tpu.memory_space<hbm>>
        tpu.wait_dma2 semaphore(%run_scoped3A : memref<!tpu.dma_semaphore, #tpu.memory_space<semaphore_mem>>) src(%dma_wait3A_336 : memref<64000xi32, #tpu.memory_space<hbm>>) dst(%dma_wait3A_334 : memref<64000xi32, #tpu.memory_space<vmem_shared>>)
        tpu.yield
      }) : () -> ()
    } else {
    }
    %eq3A_60 = arith.constant 12 : i32
    %eq3A_61 = arith.cmpi eq, %arg1, %eq3A_60 : i32
    %convert_element_type3A_62 = arith.extui %eq3A_61 : i1 to i32
    %cond3A_63 = arith.constant 0 : i32
    %cond3A_64 = arith.cmpi ne, %convert_element_type3A_62, %cond3A_63 : i32
    scf.if %cond3A_64 {
      "tpu.region"() ({
        %run_scoped3A = tpu.sem_alloc : memref<!tpu.dma_semaphore, #tpu.memory_space<semaphore_mem>>
        %dma_start3A_330 = arith.constant 768000 : i32
        %dma_start3A_331 = tpu.memref_slice %arg10[%dma_start3A_330] : memref<1000000xi32, #tpu.memory_space<vmem_shared>> -> memref<64000xi32, #tpu.memory_space<vmem_shared>>
        %dma_start3A_332 = arith.constant 768000 : i32
        %dma_start3A_333 = tpu.memref_slice %arg3[%dma_start3A_332] : memref<1000000xi32, #tpu.memory_space<hbm>> -> memref<64000xi32, #tpu.memory_space<hbm>>
        tpu.enqueue_dma source(%dma_start3A_333 : memref<64000xi32, #tpu.memory_space<hbm>>) target(%dma_start3A_331 : memref<64000xi32, #tpu.memory_space<vmem_shared>>) target_semaphore(%run_scoped3A : memref<!tpu.dma_semaphore, #tpu.memory_space<semaphore_mem>>)
        %dma_wait3A = arith.constant 768000 : i32
        %dma_wait3A_334 = tpu.memref_slice %arg10[%dma_wait3A] : memref<1000000xi32, #tpu.memory_space<vmem_shared>> -> memref<64000xi32, #tpu.memory_space<vmem_shared>>
        %dma_wait3A_335 = arith.constant 768000 : i32
        %dma_wait3A_336 = tpu.memref_slice %arg3[%dma_wait3A_335] : memref<1000000xi32, #tpu.memory_space<hbm>> -> memref<64000xi32, #tpu.memory_space<hbm>>
        tpu.wait_dma2 semaphore(%run_scoped3A : memref<!tpu.dma_semaphore, #tpu.memory_space<semaphore_mem>>) src(%dma_wait3A_336 : memref<64000xi32, #tpu.memory_space<hbm>>) dst(%dma_wait3A_334 : memref<64000xi32, #tpu.memory_space<vmem_shared>>)
        tpu.yield
      }) : () -> ()
    } else {
    }
    %eq3A_65 = arith.constant 13 : i32
    %eq3A_66 = arith.cmpi eq, %arg1, %eq3A_65 : i32
    %convert_element_type3A_67 = arith.extui %eq3A_66 : i1 to i32
    %cond3A_68 = arith.constant 0 : i32
    %cond3A_69 = arith.cmpi ne, %convert_element_type3A_67, %cond3A_68 : i32
    scf.if %cond3A_69 {
      "tpu.region"() ({
        %run_scoped3A = tpu.sem_alloc : memref<!tpu.dma_semaphore, #tpu.memory_space<semaphore_mem>>
        %dma_start3A_330 = arith.constant 832000 : i32
        %dma_start3A_331 = tpu.memref_slice %arg10[%dma_start3A_330] : memref<1000000xi32, #tpu.memory_space<vmem_shared>> -> memref<64000xi32, #tpu.memory_space<vmem_shared>>
        %dma_start3A_332 = arith.constant 832000 : i32
        %dma_start3A_333 = tpu.memref_slice %arg3[%dma_start3A_332] : memref<1000000xi32, #tpu.memory_space<hbm>> -> memref<64000xi32, #tpu.memory_space<hbm>>
        tpu.enqueue_dma source(%dma_start3A_333 : memref<64000xi32, #tpu.memory_space<hbm>>) target(%dma_start3A_331 : memref<64000xi32, #tpu.memory_space<vmem_shared>>) target_semaphore(%run_scoped3A : memref<!tpu.dma_semaphore, #tpu.memory_space<semaphore_mem>>)
        %dma_wait3A = arith.constant 832000 : i32
        %dma_wait3A_334 = tpu.memref_slice %arg10[%dma_wait3A] : memref<1000000xi32, #tpu.memory_space<vmem_shared>> -> memref<64000xi32, #tpu.memory_space<vmem_shared>>
        %dma_wait3A_335 = arith.constant 832000 : i32
        %dma_wait3A_336 = tpu.memref_slice %arg3[%dma_wait3A_335] : memref<1000000xi32, #tpu.memory_space<hbm>> -> memref<64000xi32, #tpu.memory_space<hbm>>
        tpu.wait_dma2 semaphore(%run_scoped3A : memref<!tpu.dma_semaphore, #tpu.memory_space<semaphore_mem>>) src(%dma_wait3A_336 : memref<64000xi32, #tpu.memory_space<hbm>>) dst(%dma_wait3A_334 : memref<64000xi32, #tpu.memory_space<vmem_shared>>)
        tpu.yield
      }) : () -> ()
    } else {
    }
    %eq3A_70 = arith.constant 14 : i32
    %eq3A_71 = arith.cmpi eq, %arg1, %eq3A_70 : i32
    %convert_element_type3A_72 = arith.extui %eq3A_71 : i1 to i32
    %cond3A_73 = arith.constant 0 : i32
    %cond3A_74 = arith.cmpi ne, %convert_element_type3A_72, %cond3A_73 : i32
    scf.if %cond3A_74 {
      "tpu.region"() ({
        %run_scoped3A = tpu.sem_alloc : memref<!tpu.dma_semaphore, #tpu.memory_space<semaphore_mem>>
        %dma_start3A_330 = arith.constant 896000 : i32
        %dma_start3A_331 = tpu.memref_slice %arg10[%dma_start3A_330] : memref<1000000xi32, #tpu.memory_space<vmem_shared>> -> memref<64000xi32, #tpu.memory_space<vmem_shared>>
        %dma_start3A_332 = arith.constant 896000 : i32
        %dma_start3A_333 = tpu.memref_slice %arg3[%dma_start3A_332] : memref<1000000xi32, #tpu.memory_space<hbm>> -> memref<64000xi32, #tpu.memory_space<hbm>>
        tpu.enqueue_dma source(%dma_start3A_333 : memref<64000xi32, #tpu.memory_space<hbm>>) target(%dma_start3A_331 : memref<64000xi32, #tpu.memory_space<vmem_shared>>) target_semaphore(%run_scoped3A : memref<!tpu.dma_semaphore, #tpu.memory_space<semaphore_mem>>)
        %dma_wait3A = arith.constant 896000 : i32
        %dma_wait3A_334 = tpu.memref_slice %arg10[%dma_wait3A] : memref<1000000xi32, #tpu.memory_space<vmem_shared>> -> memref<64000xi32, #tpu.memory_space<vmem_shared>>
        %dma_wait3A_335 = arith.constant 896000 : i32
        %dma_wait3A_336 = tpu.memref_slice %arg3[%dma_wait3A_335] : memref<1000000xi32, #tpu.memory_space<hbm>> -> memref<64000xi32, #tpu.memory_space<hbm>>
        tpu.wait_dma2 semaphore(%run_scoped3A : memref<!tpu.dma_semaphore, #tpu.memory_space<semaphore_mem>>) src(%dma_wait3A_336 : memref<64000xi32, #tpu.memory_space<hbm>>) dst(%dma_wait3A_334 : memref<64000xi32, #tpu.memory_space<vmem_shared>>)
        tpu.yield
      }) : () -> ()
    } else {
    }
    %eq3A_75 = arith.constant 15 : i32
    %eq3A_76 = arith.cmpi eq, %arg1, %eq3A_75 : i32
    %convert_element_type3A_77 = arith.extui %eq3A_76 : i1 to i32
    %cond3A_78 = arith.constant 0 : i32
    %cond3A_79 = arith.cmpi ne, %convert_element_type3A_77, %cond3A_78 : i32
    scf.if %cond3A_79 {
      "tpu.region"() ({
        %run_scoped3A = tpu.sem_alloc : memref<!tpu.dma_semaphore, #tpu.memory_space<semaphore_mem>>
        %dma_start3A_330 = arith.constant 960000 : i32
        %dma_start3A_331 = tpu.memref_slice %arg10[%dma_start3A_330] : memref<1000000xi32, #tpu.memory_space<vmem_shared>> -> memref<40000xi32, #tpu.memory_space<vmem_shared>>
        %dma_start3A_332 = arith.constant 960000 : i32
        %dma_start3A_333 = tpu.memref_slice %arg3[%dma_start3A_332] : memref<1000000xi32, #tpu.memory_space<hbm>> -> memref<40000xi32, #tpu.memory_space<hbm>>
        tpu.enqueue_dma source(%dma_start3A_333 : memref<40000xi32, #tpu.memory_space<hbm>>) target(%dma_start3A_331 : memref<40000xi32, #tpu.memory_space<vmem_shared>>) target_semaphore(%run_scoped3A : memref<!tpu.dma_semaphore, #tpu.memory_space<semaphore_mem>>)
        %dma_wait3A = arith.constant 960000 : i32
        %dma_wait3A_334 = tpu.memref_slice %arg10[%dma_wait3A] : memref<1000000xi32, #tpu.memory_space<vmem_shared>> -> memref<40000xi32, #tpu.memory_space<vmem_shared>>
        %dma_wait3A_335 = arith.constant 960000 : i32
        %dma_wait3A_336 = tpu.memref_slice %arg3[%dma_wait3A_335] : memref<1000000xi32, #tpu.memory_space<hbm>> -> memref<40000xi32, #tpu.memory_space<hbm>>
        tpu.wait_dma2 semaphore(%run_scoped3A : memref<!tpu.dma_semaphore, #tpu.memory_space<semaphore_mem>>) src(%dma_wait3A_336 : memref<40000xi32, #tpu.memory_space<hbm>>) dst(%dma_wait3A_334 : memref<40000xi32, #tpu.memory_space<vmem_shared>>)
        tpu.yield
      }) : () -> ()
    } else {
    }
    "tpu.region"() ({
      %run_scoped3A = tpu.sem_alloc : memref<!tpu.dma_semaphore, #tpu.memory_space<semaphore_mem>>
      %dma_start3A_330 = arith.constant 0 : i32
      %dma_start3A_331 = tpu.memref_slice %arg2[%dma_start3A_330, %mul3A_2] : memref<200x4096xi32, #tpu.memory_space<hbm>> -> memref<200x128xi32, #tpu.memory_space<hbm>>
      %dma_start3A_332 = arith.constant 0 : i32
      %dma_start3A_333 = tpu.memref_slice %arg2[%dma_start3A_332, %mul3A_2] : memref<200x4096xi32, #tpu.memory_space<hbm>> -> memref<200x128xi32, #tpu.memory_space<hbm>>
      tpu.enqueue_dma source(%dma_start3A_333 : memref<200x128xi32, #tpu.memory_space<hbm>>) target(%arg6 : memref<200x128xi32, #tpu.memory_space<vmem>>) target_semaphore(%run_scoped3A : memref<!tpu.dma_semaphore, #tpu.memory_space<semaphore_mem>>)
      %dma_wait3A = arith.constant 0 : i32
      %dma_wait3A_334 = tpu.memref_slice %arg2[%dma_wait3A, %mul3A_2] : memref<200x4096xi32, #tpu.memory_space<hbm>> -> memref<200x128xi32, #tpu.memory_space<hbm>>
      %dma_wait3A_335 = arith.constant 0 : i32
      %dma_wait3A_336 = tpu.memref_slice %arg2[%dma_wait3A_335, %mul3A_2] : memref<200x4096xi32, #tpu.memory_space<hbm>> -> memref<200x128xi32, #tpu.memory_space<hbm>>
      tpu.wait_dma2 semaphore(%run_scoped3A : memref<!tpu.dma_semaphore, #tpu.memory_space<semaphore_mem>>) src(%dma_wait3A_336 : memref<200x128xi32, #tpu.memory_space<hbm>>) dst(%arg6 : memref<200x128xi32, #tpu.memory_space<vmem>>)
      tpu.yield
    }) : () -> ()
    "tpu.region"() ({
      %run_scoped3A = tpu.sem_alloc : memref<!tpu.dma_semaphore, #tpu.memory_space<semaphore_mem>>
      tpu.enqueue_dma source(%arg4 : memref<32xf32, #tpu.memory_space<hbm>>) target(%arg8 : memref<32xf32, #tpu.memory_space<vmem>>) target_semaphore(%run_scoped3A : memref<!tpu.dma_semaphore, #tpu.memory_space<semaphore_mem>>)
      tpu.wait_dma2 semaphore(%run_scoped3A : memref<!tpu.dma_semaphore, #tpu.memory_space<semaphore_mem>>) src(%arg4 : memref<32xf32, #tpu.memory_space<hbm>>) dst(%arg8 : memref<32xf32, #tpu.memory_space<vmem>>)
      tpu.yield
    }) : () -> ()
    %barrier3A = arith.constant 0 : index
    tpu.barrier barrier_id(%barrier3A)
    %dma_start3A = arith.constant 0 : i32
    %dma_start3A_80 = arith.constant 0 : i32
    %dma_start3A_81 = arith.constant 0 : i32
    %dma_start3A_82 = tpu.memref_slice %arg7[%dma_start3A_80, %dma_start3A_81] : memref<10x128xi32, #tpu.memory_space<vmem>> -> memref<1x128xi32, #tpu.memory_space<vmem>>
    %dma_start3A_83 = tpu.memref_squeeze %dma_start3A_82 : memref<1x128xi32, #tpu.memory_space<vmem>> -> memref<128xi32, #tpu.memory_space<vmem>>
    %dma_start3A_84 = arith.constant 0 : i32
    %dma_start3A_85 = tpu.memref_slice %arg6[%dma_start3A, %dma_start3A_84] : memref<200x128xi32, #tpu.memory_space<vmem>> -> memref<1x128xi32, #tpu.memory_space<vmem>>
    %dma_start3A_86 = tpu.memref_squeeze %dma_start3A_85 : memref<1x128xi32, #tpu.memory_space<vmem>> -> memref<128xi32, #tpu.memory_space<vmem>>
    %dma_start3A_87 = arith.constant 0 : i32
    %dma_start3A_88 = tpu.memref_slice %arg10[%dma_start3A_87] : memref<1000000xi32, #tpu.memory_space<vmem_shared>> -> memref<1000000xi32, #tpu.memory_space<vmem_shared>>
    tpu.enqueue_indirect_dma source(%dma_start3A_88 : memref<1000000xi32, #tpu.memory_space<vmem_shared>>) target(%dma_start3A_83 : memref<128xi32, #tpu.memory_space<vmem>>) offsets(%dma_start3A_86 : memref<128xi32, #tpu.memory_space<vmem>>) semaphore(%arg11 : memref<!tpu.dma_semaphore, #tpu.memory_space<semaphore_mem>>)
    %dma_start3A_89 = arith.constant 1 : i32
    %dma_start3A_90 = arith.constant 1 : i32
    %dma_start3A_91 = arith.constant 0 : i32
    %dma_start3A_92 = tpu.memref_slice %arg7[%dma_start3A_90, %dma_start3A_91] : memref<10x128xi32, #tpu.memory_space<vmem>> -> memref<1x128xi32, #tpu.memory_space<vmem>>
    %dma_start3A_93 = tpu.memref_squeeze %dma_start3A_92 : memref<1x128xi32, #tpu.memory_space<vmem>> -> memref<128xi32, #tpu.memory_space<vmem>>
    %dma_start3A_94 = arith.constant 0 : i32
    %dma_start3A_95 = tpu.memref_slice %arg6[%dma_start3A_89, %dma_start3A_94] : memref<200x128xi32, #tpu.memory_space<vmem>> -> memref<1x128xi32, #tpu.memory_space<vmem>>
    %dma_start3A_96 = tpu.memref_squeeze %dma_start3A_95 : memref<1x128xi32, #tpu.memory_space<vmem>> -> memref<128xi32, #tpu.memory_space<vmem>>
    %dma_start3A_97 = arith.constant 0 : i32
    %dma_start3A_98 = tpu.memref_slice %arg10[%dma_start3A_97] : memref<1000000xi32, #tpu.memory_space<vmem_shared>> -> memref<1000000xi32, #tpu.memory_space<vmem_shared>>
    tpu.enqueue_indirect_dma source(%dma_start3A_98 : memref<1000000xi32, #tpu.memory_space<vmem_shared>>) target(%dma_start3A_93 : memref<128xi32, #tpu.memory_space<vmem>>) offsets(%dma_start3A_96 : memref<128xi32, #tpu.memory_space<vmem>>) semaphore(%arg12 : memref<!tpu.dma_semaphore, #tpu.memory_space<semaphore_mem>>)
    %dma_start3A_99 = arith.constant 2 : i32
    %dma_start3A_100 = arith.constant 2 : i32
    %dma_start3A_101 = arith.constant 0 : i32
    %dma_start3A_102 = tpu.memref_slice %arg7[%dma_start3A_100, %dma_start3A_101] : memref<10x128xi32, #tpu.memory_space<vmem>> -> memref<1x128xi32, #tpu.memory_space<vmem>>
    %dma_start3A_103 = tpu.memref_squeeze %dma_start3A_102 : memref<1x128xi32, #tpu.memory_space<vmem>> -> memref<128xi32, #tpu.memory_space<vmem>>
    %dma_start3A_104 = arith.constant 0 : i32
    %dma_start3A_105 = tpu.memref_slice %arg6[%dma_start3A_99, %dma_start3A_104] : memref<200x128xi32, #tpu.memory_space<vmem>> -> memref<1x128xi32, #tpu.memory_space<vmem>>
    %dma_start3A_106 = tpu.memref_squeeze %dma_start3A_105 : memref<1x128xi32, #tpu.memory_space<vmem>> -> memref<128xi32, #tpu.memory_space<vmem>>
    %dma_start3A_107 = arith.constant 0 : i32
    %dma_start3A_108 = tpu.memref_slice %arg10[%dma_start3A_107] : memref<1000000xi32, #tpu.memory_space<vmem_shared>> -> memref<1000000xi32, #tpu.memory_space<vmem_shared>>
    tpu.enqueue_indirect_dma source(%dma_start3A_108 : memref<1000000xi32, #tpu.memory_space<vmem_shared>>) target(%dma_start3A_103 : memref<128xi32, #tpu.memory_space<vmem>>) offsets(%dma_start3A_106 : memref<128xi32, #tpu.memory_space<vmem>>) semaphore(%arg13 : memref<!tpu.dma_semaphore, #tpu.memory_space<semaphore_mem>>)
    %dma_start3A_109 = arith.constant 3 : i32
    %dma_start3A_110 = arith.constant 3 : i32
    %dma_start3A_111 = arith.constant 0 : i32
    %dma_start3A_112 = tpu.memref_slice %arg7[%dma_start3A_110, %dma_start3A_111] : memref<10x128xi32, #tpu.memory_space<vmem>> -> memref<1x128xi32, #tpu.memory_space<vmem>>
    %dma_start3A_113 = tpu.memref_squeeze %dma_start3A_112 : memref<1x128xi32, #tpu.memory_space<vmem>> -> memref<128xi32, #tpu.memory_space<vmem>>
    %dma_start3A_114 = arith.constant 0 : i32
    %dma_start3A_115 = tpu.memref_slice %arg6[%dma_start3A_109, %dma_start3A_114] : memref<200x128xi32, #tpu.memory_space<vmem>> -> memref<1x128xi32, #tpu.memory_space<vmem>>
    %dma_start3A_116 = tpu.memref_squeeze %dma_start3A_115 : memref<1x128xi32, #tpu.memory_space<vmem>> -> memref<128xi32, #tpu.memory_space<vmem>>
    %dma_start3A_117 = arith.constant 0 : i32
    %dma_start3A_118 = tpu.memref_slice %arg10[%dma_start3A_117] : memref<1000000xi32, #tpu.memory_space<vmem_shared>> -> memref<1000000xi32, #tpu.memory_space<vmem_shared>>
    tpu.enqueue_indirect_dma source(%dma_start3A_118 : memref<1000000xi32, #tpu.memory_space<vmem_shared>>) target(%dma_start3A_113 : memref<128xi32, #tpu.memory_space<vmem>>) offsets(%dma_start3A_116 : memref<128xi32, #tpu.memory_space<vmem>>) semaphore(%arg14 : memref<!tpu.dma_semaphore, #tpu.memory_space<semaphore_mem>>)
    %dma_start3A_119 = arith.constant 4 : i32
    %dma_start3A_120 = arith.constant 4 : i32
    %dma_start3A_121 = arith.constant 0 : i32
    %dma_start3A_122 = tpu.memref_slice %arg7[%dma_start3A_120, %dma_start3A_121] : memref<10x128xi32, #tpu.memory_space<vmem>> -> memref<1x128xi32, #tpu.memory_space<vmem>>
    %dma_start3A_123 = tpu.memref_squeeze %dma_start3A_122 : memref<1x128xi32, #tpu.memory_space<vmem>> -> memref<128xi32, #tpu.memory_space<vmem>>
    %dma_start3A_124 = arith.constant 0 : i32
    %dma_start3A_125 = tpu.memref_slice %arg6[%dma_start3A_119, %dma_start3A_124] : memref<200x128xi32, #tpu.memory_space<vmem>> -> memref<1x128xi32, #tpu.memory_space<vmem>>
    %dma_start3A_126 = tpu.memref_squeeze %dma_start3A_125 : memref<1x128xi32, #tpu.memory_space<vmem>> -> memref<128xi32, #tpu.memory_space<vmem>>
    %dma_start3A_127 = arith.constant 0 : i32
    %dma_start3A_128 = tpu.memref_slice %arg10[%dma_start3A_127] : memref<1000000xi32, #tpu.memory_space<vmem_shared>> -> memref<1000000xi32, #tpu.memory_space<vmem_shared>>
    tpu.enqueue_indirect_dma source(%dma_start3A_128 : memref<1000000xi32, #tpu.memory_space<vmem_shared>>) target(%dma_start3A_123 : memref<128xi32, #tpu.memory_space<vmem>>) offsets(%dma_start3A_126 : memref<128xi32, #tpu.memory_space<vmem>>) semaphore(%arg15 : memref<!tpu.dma_semaphore, #tpu.memory_space<semaphore_mem>>)
    %dma_start3A_129 = arith.constant 5 : i32
    %dma_start3A_130 = arith.constant 5 : i32
    %dma_start3A_131 = arith.constant 0 : i32
    %dma_start3A_132 = tpu.memref_slice %arg7[%dma_start3A_130, %dma_start3A_131] : memref<10x128xi32, #tpu.memory_space<vmem>> -> memref<1x128xi32, #tpu.memory_space<vmem>>
    %dma_start3A_133 = tpu.memref_squeeze %dma_start3A_132 : memref<1x128xi32, #tpu.memory_space<vmem>> -> memref<128xi32, #tpu.memory_space<vmem>>
    %dma_start3A_134 = arith.constant 0 : i32
    %dma_start3A_135 = tpu.memref_slice %arg6[%dma_start3A_129, %dma_start3A_134] : memref<200x128xi32, #tpu.memory_space<vmem>> -> memref<1x128xi32, #tpu.memory_space<vmem>>
    %dma_start3A_136 = tpu.memref_squeeze %dma_start3A_135 : memref<1x128xi32, #tpu.memory_space<vmem>> -> memref<128xi32, #tpu.memory_space<vmem>>
    %dma_start3A_137 = arith.constant 0 : i32
    %dma_start3A_138 = tpu.memref_slice %arg10[%dma_start3A_137] : memref<1000000xi32, #tpu.memory_space<vmem_shared>> -> memref<1000000xi32, #tpu.memory_space<vmem_shared>>
    tpu.enqueue_indirect_dma source(%dma_start3A_138 : memref<1000000xi32, #tpu.memory_space<vmem_shared>>) target(%dma_start3A_133 : memref<128xi32, #tpu.memory_space<vmem>>) offsets(%dma_start3A_136 : memref<128xi32, #tpu.memory_space<vmem>>) semaphore(%arg16 : memref<!tpu.dma_semaphore, #tpu.memory_space<semaphore_mem>>)
    %dma_start3A_139 = arith.constant 6 : i32
    %dma_start3A_140 = arith.constant 6 : i32
    %dma_start3A_141 = arith.constant 0 : i32
    %dma_start3A_142 = tpu.memref_slice %arg7[%dma_start3A_140, %dma_start3A_141] : memref<10x128xi32, #tpu.memory_space<vmem>> -> memref<1x128xi32, #tpu.memory_space<vmem>>
    %dma_start3A_143 = tpu.memref_squeeze %dma_start3A_142 : memref<1x128xi32, #tpu.memory_space<vmem>> -> memref<128xi32, #tpu.memory_space<vmem>>
    %dma_start3A_144 = arith.constant 0 : i32
    %dma_start3A_145 = tpu.memref_slice %arg6[%dma_start3A_139, %dma_start3A_144] : memref<200x128xi32, #tpu.memory_space<vmem>> -> memref<1x128xi32, #tpu.memory_space<vmem>>
    %dma_start3A_146 = tpu.memref_squeeze %dma_start3A_145 : memref<1x128xi32, #tpu.memory_space<vmem>> -> memref<128xi32, #tpu.memory_space<vmem>>
    %dma_start3A_147 = arith.constant 0 : i32
    %dma_start3A_148 = tpu.memref_slice %arg10[%dma_start3A_147] : memref<1000000xi32, #tpu.memory_space<vmem_shared>> -> memref<1000000xi32, #tpu.memory_space<vmem_shared>>
    tpu.enqueue_indirect_dma source(%dma_start3A_148 : memref<1000000xi32, #tpu.memory_space<vmem_shared>>) target(%dma_start3A_143 : memref<128xi32, #tpu.memory_space<vmem>>) offsets(%dma_start3A_146 : memref<128xi32, #tpu.memory_space<vmem>>) semaphore(%arg17 : memref<!tpu.dma_semaphore, #tpu.memory_space<semaphore_mem>>)
    %dma_start3A_149 = arith.constant 7 : i32
    %dma_start3A_150 = arith.constant 7 : i32
    %dma_start3A_151 = arith.constant 0 : i32
    %dma_start3A_152 = tpu.memref_slice %arg7[%dma_start3A_150, %dma_start3A_151] : memref<10x128xi32, #tpu.memory_space<vmem>> -> memref<1x128xi32, #tpu.memory_space<vmem>>
    %dma_start3A_153 = tpu.memref_squeeze %dma_start3A_152 : memref<1x128xi32, #tpu.memory_space<vmem>> -> memref<128xi32, #tpu.memory_space<vmem>>
    %dma_start3A_154 = arith.constant 0 : i32
    %dma_start3A_155 = tpu.memref_slice %arg6[%dma_start3A_149, %dma_start3A_154] : memref<200x128xi32, #tpu.memory_space<vmem>> -> memref<1x128xi32, #tpu.memory_space<vmem>>
    %dma_start3A_156 = tpu.memref_squeeze %dma_start3A_155 : memref<1x128xi32, #tpu.memory_space<vmem>> -> memref<128xi32, #tpu.memory_space<vmem>>
    %dma_start3A_157 = arith.constant 0 : i32
    %dma_start3A_158 = tpu.memref_slice %arg10[%dma_start3A_157] : memref<1000000xi32, #tpu.memory_space<vmem_shared>> -> memref<1000000xi32, #tpu.memory_space<vmem_shared>>
    tpu.enqueue_indirect_dma source(%dma_start3A_158 : memref<1000000xi32, #tpu.memory_space<vmem_shared>>) target(%dma_start3A_153 : memref<128xi32, #tpu.memory_space<vmem>>) offsets(%dma_start3A_156 : memref<128xi32, #tpu.memory_space<vmem>>) semaphore(%arg18 : memref<!tpu.dma_semaphore, #tpu.memory_space<semaphore_mem>>)
    %dma_start3A_159 = arith.constant 8 : i32
    %dma_start3A_160 = arith.constant 8 : i32
    %dma_start3A_161 = arith.constant 0 : i32
    %dma_start3A_162 = tpu.memref_slice %arg7[%dma_start3A_160, %dma_start3A_161] : memref<10x128xi32, #tpu.memory_space<vmem>> -> memref<1x128xi32, #tpu.memory_space<vmem>>
    %dma_start3A_163 = tpu.memref_squeeze %dma_start3A_162 : memref<1x128xi32, #tpu.memory_space<vmem>> -> memref<128xi32, #tpu.memory_space<vmem>>
    %dma_start3A_164 = arith.constant 0 : i32
    %dma_start3A_165 = tpu.memref_slice %arg6[%dma_start3A_159, %dma_start3A_164] : memref<200x128xi32, #tpu.memory_space<vmem>> -> memref<1x128xi32, #tpu.memory_space<vmem>>
    %dma_start3A_166 = tpu.memref_squeeze %dma_start3A_165 : memref<1x128xi32, #tpu.memory_space<vmem>> -> memref<128xi32, #tpu.memory_space<vmem>>
    %dma_start3A_167 = arith.constant 0 : i32
    %dma_start3A_168 = tpu.memref_slice %arg10[%dma_start3A_167] : memref<1000000xi32, #tpu.memory_space<vmem_shared>> -> memref<1000000xi32, #tpu.memory_space<vmem_shared>>
    tpu.enqueue_indirect_dma source(%dma_start3A_168 : memref<1000000xi32, #tpu.memory_space<vmem_shared>>) target(%dma_start3A_163 : memref<128xi32, #tpu.memory_space<vmem>>) offsets(%dma_start3A_166 : memref<128xi32, #tpu.memory_space<vmem>>) semaphore(%arg19 : memref<!tpu.dma_semaphore, #tpu.memory_space<semaphore_mem>>)
    %dma_start3A_169 = arith.constant 9 : i32
    %dma_start3A_170 = arith.constant 9 : i32
    %dma_start3A_171 = arith.constant 0 : i32
    %dma_start3A_172 = tpu.memref_slice %arg7[%dma_start3A_170, %dma_start3A_171] : memref<10x128xi32, #tpu.memory_space<vmem>> -> memref<1x128xi32, #tpu.memory_space<vmem>>
    %dma_start3A_173 = tpu.memref_squeeze %dma_start3A_172 : memref<1x128xi32, #tpu.memory_space<vmem>> -> memref<128xi32, #tpu.memory_space<vmem>>
    %dma_start3A_174 = arith.constant 0 : i32
    %dma_start3A_175 = tpu.memref_slice %arg6[%dma_start3A_169, %dma_start3A_174] : memref<200x128xi32, #tpu.memory_space<vmem>> -> memref<1x128xi32, #tpu.memory_space<vmem>>
    %dma_start3A_176 = tpu.memref_squeeze %dma_start3A_175 : memref<1x128xi32, #tpu.memory_space<vmem>> -> memref<128xi32, #tpu.memory_space<vmem>>
    %dma_start3A_177 = arith.constant 0 : i32
    %dma_start3A_178 = tpu.memref_slice %arg10[%dma_start3A_177] : memref<1000000xi32, #tpu.memory_space<vmem_shared>> -> memref<1000000xi32, #tpu.memory_space<vmem_shared>>
    tpu.enqueue_indirect_dma source(%dma_start3A_178 : memref<1000000xi32, #tpu.memory_space<vmem_shared>>) target(%dma_start3A_173 : memref<128xi32, #tpu.memory_space<vmem>>) offsets(%dma_start3A_176 : memref<128xi32, #tpu.memory_space<vmem>>) semaphore(%arg20 : memref<!tpu.dma_semaphore, #tpu.memory_space<semaphore_mem>>)
    %broadcast_in_dim3A = arith.constant 0.000000e+00 : f32
    %broadcast_in_dim3A_179 = vector.broadcast %broadcast_in_dim3A : f32 to vector<16xf32>
    %broadcast_in_dim3A_180 = arith.constant -65536 : i32
    %broadcast_in_dim3A_181 = vector.broadcast %broadcast_in_dim3A_180 : i32 to vector<16xi32>
    %scan3A = arith.constant 0 : i32
    %scan3A_182 = arith.constant 20 : i32
    %scan3A_183 = arith.addi %scan3A, %scan3A_182 : i32
    %scan3A_184 = arith.constant 1 : i32
    %scan3A_185:16 = scf.for %scan3A_330 = %scan3A to %scan3A_183 step %scan3A_184 iter_args(%scan3A_331 = %broadcast_in_dim3A_179, %scan3A_332 = %broadcast_in_dim3A_179, %scan3A_333 = %broadcast_in_dim3A_179, %scan3A_334 = %broadcast_in_dim3A_179, %scan3A_335 = %broadcast_in_dim3A_179, %scan3A_336 = %broadcast_in_dim3A_179, %scan3A_337 = %broadcast_in_dim3A_179, %scan3A_338 = %broadcast_in_dim3A_179, %scan3A_339 = %broadcast_in_dim3A_179, %scan3A_340 = %broadcast_in_dim3A_179, %scan3A_341 = %broadcast_in_dim3A_179, %scan3A_342 = %broadcast_in_dim3A_179, %scan3A_343 = %broadcast_in_dim3A_179, %scan3A_344 = %broadcast_in_dim3A_179, %scan3A_345 = %broadcast_in_dim3A_179, %scan3A_346 = %broadcast_in_dim3A_179) -> (vector<16xf32>, vector<16xf32>, vector<16xf32>, vector<16xf32>, vector<16xf32>, vector<16xf32>, vector<16xf32>, vector<16xf32>, vector<16xf32>, vector<16xf32>, vector<16xf32>, vector<16xf32>, vector<16xf32>, vector<16xf32>, vector<16xf32>, vector<16xf32>)  : i32 {
      %mul3A_347 = arith.constant 10 : i32
      %mul3A_348 = arith.muli %scan3A_330, %mul3A_347 : i32
      %add3A_349 = arith.constant 0 : i32
      %add3A_350 = arith.addi %mul3A_348, %add3A_349 : i32
      %dma_wait3A = arith.constant 0 : i32
      %dma_wait3A_351 = arith.constant 0 : i32
      %dma_wait3A_352 = tpu.memref_slice %arg7[%dma_wait3A, %dma_wait3A_351] : memref<10x128xi32, #tpu.memory_space<vmem>> -> memref<1x128xi32, #tpu.memory_space<vmem>>
      %dma_wait3A_353 = tpu.memref_squeeze %dma_wait3A_352 : memref<1x128xi32, #tpu.memory_space<vmem>> -> memref<128xi32, #tpu.memory_space<vmem>>
      %dma_wait3A_354 = arith.constant 0 : i32
      %dma_wait3A_355 = tpu.memref_slice %arg6[%add3A_350, %dma_wait3A_354] : memref<200x128xi32, #tpu.memory_space<vmem>> -> memref<1x128xi32, #tpu.memory_space<vmem>>
      %dma_wait3A_356 = tpu.memref_squeeze %dma_wait3A_355 : memref<1x128xi32, #tpu.memory_space<vmem>> -> memref<128xi32, #tpu.memory_space<vmem>>
      %dma_wait3A_357 = arith.constant 0 : i32
      %dma_wait3A_358 = tpu.memref_slice %arg10[%dma_wait3A_357] : memref<1000000xi32, #tpu.memory_space<vmem_shared>> -> memref<1000000xi32, #tpu.memory_space<vmem_shared>>
      tpu.wait_indirect_dma semaphore(%arg11 : memref<!tpu.dma_semaphore, #tpu.memory_space<semaphore_mem>>) src(%dma_wait3A_358 : memref<1000000xi32, #tpu.memory_space<vmem_shared>>) dst(%dma_wait3A_353 : memref<128xi32, #tpu.memory_space<vmem>>)
      %get3A_359 = arith.constant 0 : i32
      %get3A_360 = arith.index_cast %get3A_359 : i32 to index
      %get3A_361 = arith.constant 0 : index
      %get3A_362 = tpu.vector_load %arg7[%get3A_360, %get3A_361] {strides = array<i32>} : memref<10x128xi32, #tpu.memory_space<vmem>>, vector<16xi32>,
      %shift_left3A = arith.constant 16 : i32
      %shift_left3A_363 = vector.broadcast %shift_left3A : i32 to vector<16xi32>
      %shift_left3A_364 = arith.shli %get3A_362, %shift_left3A_363 : vector<16xi32>
      %bitcast_convert_type3A = tpu.bitcast %shift_left3A_364 : vector<16xi32> -> vector<16xf32>
      %and3A = arith.andi %get3A_362, %broadcast_in_dim3A_181 : vector<16xi32>
      %bitcast_convert_type3A_365 = tpu.bitcast %and3A : vector<16xi32> -> vector<16xf32>
      %get3A_366 = arith.constant 0 : i32
      %get3A_367 = arith.index_cast %get3A_366 : i32 to index
      %get3A_368 = arith.constant 16 : index
      %get3A_369 = tpu.vector_load %arg7[%get3A_367, %get3A_368] {strides = array<i32>} : memref<10x128xi32, #tpu.memory_space<vmem>>, vector<16xi32>,
      %shift_left3A_370 = arith.constant 16 : i32
      %shift_left3A_371 = vector.broadcast %shift_left3A_370 : i32 to vector<16xi32>
      %shift_left3A_372 = arith.shli %get3A_369, %shift_left3A_371 : vector<16xi32>
      %bitcast_convert_type3A_373 = tpu.bitcast %shift_left3A_372 : vector<16xi32> -> vector<16xf32>
      %and3A_374 = arith.andi %get3A_369, %broadcast_in_dim3A_181 : vector<16xi32>
      %bitcast_convert_type3A_375 = tpu.bitcast %and3A_374 : vector<16xi32> -> vector<16xf32>
      %get3A_376 = arith.constant 0 : i32
      %get3A_377 = arith.index_cast %get3A_376 : i32 to index
      %get3A_378 = arith.constant 32 : index
      %get3A_379 = tpu.vector_load %arg7[%get3A_377, %get3A_378] {strides = array<i32>} : memref<10x128xi32, #tpu.memory_space<vmem>>, vector<16xi32>,
      %shift_left3A_380 = arith.constant 16 : i32
      %shift_left3A_381 = vector.broadcast %shift_left3A_380 : i32 to vector<16xi32>
      %shift_left3A_382 = arith.shli %get3A_379, %shift_left3A_381 : vector<16xi32>
      %bitcast_convert_type3A_383 = tpu.bitcast %shift_left3A_382 : vector<16xi32> -> vector<16xf32>
      %and3A_384 = arith.andi %get3A_379, %broadcast_in_dim3A_181 : vector<16xi32>
      %bitcast_convert_type3A_385 = tpu.bitcast %and3A_384 : vector<16xi32> -> vector<16xf32>
      %get3A_386 = arith.constant 0 : i32
      %get3A_387 = arith.index_cast %get3A_386 : i32 to index
      %get3A_388 = arith.constant 48 : index
      %get3A_389 = tpu.vector_load %arg7[%get3A_387, %get3A_388] {strides = array<i32>} : memref<10x128xi32, #tpu.memory_space<vmem>>, vector<16xi32>,
      %shift_left3A_390 = arith.constant 16 : i32
      %shift_left3A_391 = vector.broadcast %shift_left3A_390 : i32 to vector<16xi32>
      %shift_left3A_392 = arith.shli %get3A_389, %shift_left3A_391 : vector<16xi32>
      %bitcast_convert_type3A_393 = tpu.bitcast %shift_left3A_392 : vector<16xi32> -> vector<16xf32>
      %and3A_394 = arith.andi %get3A_389, %broadcast_in_dim3A_181 : vector<16xi32>
      %bitcast_convert_type3A_395 = tpu.bitcast %and3A_394 : vector<16xi32> -> vector<16xf32>
      %get3A_396 = arith.constant 0 : i32
      %get3A_397 = arith.index_cast %get3A_396 : i32 to index
      %get3A_398 = arith.constant 64 : index
      %get3A_399 = tpu.vector_load %arg7[%get3A_397, %get3A_398] {strides = array<i32>} : memref<10x128xi32, #tpu.memory_space<vmem>>, vector<16xi32>,
      %shift_left3A_400 = arith.constant 16 : i32
      %shift_left3A_401 = vector.broadcast %shift_left3A_400 : i32 to vector<16xi32>
      %shift_left3A_402 = arith.shli %get3A_399, %shift_left3A_401 : vector<16xi32>
      %bitcast_convert_type3A_403 = tpu.bitcast %shift_left3A_402 : vector<16xi32> -> vector<16xf32>
      %and3A_404 = arith.andi %get3A_399, %broadcast_in_dim3A_181 : vector<16xi32>
      %bitcast_convert_type3A_405 = tpu.bitcast %and3A_404 : vector<16xi32> -> vector<16xf32>
      %get3A_406 = arith.constant 0 : i32
      %get3A_407 = arith.index_cast %get3A_406 : i32 to index
      %get3A_408 = arith.constant 80 : index
      %get3A_409 = tpu.vector_load %arg7[%get3A_407, %get3A_408] {strides = array<i32>} : memref<10x128xi32, #tpu.memory_space<vmem>>, vector<16xi32>,
      %shift_left3A_410 = arith.constant 16 : i32
      %shift_left3A_411 = vector.broadcast %shift_left3A_410 : i32 to vector<16xi32>
      %shift_left3A_412 = arith.shli %get3A_409, %shift_left3A_411 : vector<16xi32>
      %bitcast_convert_type3A_413 = tpu.bitcast %shift_left3A_412 : vector<16xi32> -> vector<16xf32>
      %and3A_414 = arith.andi %get3A_409, %broadcast_in_dim3A_181 : vector<16xi32>
      %bitcast_convert_type3A_415 = tpu.bitcast %and3A_414 : vector<16xi32> -> vector<16xf32>
      %get3A_416 = arith.constant 0 : i32
      %get3A_417 = arith.index_cast %get3A_416 : i32 to index
      %get3A_418 = arith.constant 96 : index
      %get3A_419 = tpu.vector_load %arg7[%get3A_417, %get3A_418] {strides = array<i32>} : memref<10x128xi32, #tpu.memory_space<vmem>>, vector<16xi32>,
      %shift_left3A_420 = arith.constant 16 : i32
      %shift_left3A_421 = vector.broadcast %shift_left3A_420 : i32 to vector<16xi32>
      %shift_left3A_422 = arith.shli %get3A_419, %shift_left3A_421 : vector<16xi32>
      %bitcast_convert_type3A_423 = tpu.bitcast %shift_left3A_422 : vector<16xi32> -> vector<16xf32>
      %and3A_424 = arith.andi %get3A_419, %broadcast_in_dim3A_181 : vector<16xi32>
      %bitcast_convert_type3A_425 = tpu.bitcast %and3A_424 : vector<16xi32> -> vector<16xf32>
      %get3A_426 = arith.constant 0 : i32
      %get3A_427 = arith.index_cast %get3A_426 : i32 to index
      %get3A_428 = arith.constant 112 : index
      %get3A_429 = tpu.vector_load %arg7[%get3A_427, %get3A_428] {strides = array<i32>} : memref<10x128xi32, #tpu.memory_space<vmem>>, vector<16xi32>,
      %shift_left3A_430 = arith.constant 16 : i32
      %shift_left3A_431 = vector.broadcast %shift_left3A_430 : i32 to vector<16xi32>
      %shift_left3A_432 = arith.shli %get3A_429, %shift_left3A_431 : vector<16xi32>
      %bitcast_convert_type3A_433 = tpu.bitcast %shift_left3A_432 : vector<16xi32> -> vector<16xf32>
      %and3A_434 = arith.andi %get3A_429, %broadcast_in_dim3A_181 : vector<16xi32>
      %bitcast_convert_type3A_435 = tpu.bitcast %and3A_434 : vector<16xi32> -> vector<16xf32>
      %add3A_436 = arith.constant 10 : i32
      %add3A_437 = arith.addi %add3A_350, %add3A_436 : i32
      %lt3A = arith.constant 200 : i32
      %lt3A_438 = arith.cmpi slt, %add3A_437, %lt3A : i32
      %convert_element_type3A_439 = arith.extui %lt3A_438 : i1 to i32
      %cond3A_440 = arith.constant 0 : i32
      %cond3A_441 = arith.cmpi ne, %convert_element_type3A_439, %cond3A_440 : i32
      scf.if %cond3A_441 {
        %add3A_1502 = arith.constant 10 : i32
        %add3A_1503 = arith.addi %add3A_350, %add3A_1502 : i32
        %dma_start3A_1504 = arith.constant 0 : i32
        %dma_start3A_1505 = arith.constant 0 : i32
        %dma_start3A_1506 = tpu.memref_slice %arg7[%dma_start3A_1504, %dma_start3A_1505] : memref<10x128xi32, #tpu.memory_space<vmem>> -> memref<1x128xi32, #tpu.memory_space<vmem>>
        %dma_start3A_1507 = tpu.memref_squeeze %dma_start3A_1506 : memref<1x128xi32, #tpu.memory_space<vmem>> -> memref<128xi32, #tpu.memory_space<vmem>>
        %dma_start3A_1508 = arith.constant 0 : i32
        %dma_start3A_1509 = tpu.memref_slice %arg6[%add3A_1503, %dma_start3A_1508] : memref<200x128xi32, #tpu.memory_space<vmem>> -> memref<1x128xi32, #tpu.memory_space<vmem>>
        %dma_start3A_1510 = tpu.memref_squeeze %dma_start3A_1509 : memref<1x128xi32, #tpu.memory_space<vmem>> -> memref<128xi32, #tpu.memory_space<vmem>>
        %dma_start3A_1511 = arith.constant 0 : i32
        %dma_start3A_1512 = tpu.memref_slice %arg10[%dma_start3A_1511] : memref<1000000xi32, #tpu.memory_space<vmem_shared>> -> memref<1000000xi32, #tpu.memory_space<vmem_shared>>
        tpu.enqueue_indirect_dma source(%dma_start3A_1512 : memref<1000000xi32, #tpu.memory_space<vmem_shared>>) target(%dma_start3A_1507 : memref<128xi32, #tpu.memory_space<vmem>>) offsets(%dma_start3A_1510 : memref<128xi32, #tpu.memory_space<vmem>>) semaphore(%arg11 : memref<!tpu.dma_semaphore, #tpu.memory_space<semaphore_mem>>)
      } else {
      }
      %add3A_442 = arith.addf %scan3A_331, %bitcast_convert_type3A : vector<16xf32>
      %add3A_443 = arith.addf %scan3A_332, %bitcast_convert_type3A_365 : vector<16xf32>
      %add3A_444 = arith.addf %scan3A_333, %bitcast_convert_type3A_373 : vector<16xf32>
      %add3A_445 = arith.addf %scan3A_334, %bitcast_convert_type3A_375 : vector<16xf32>
      %add3A_446 = arith.addf %scan3A_335, %bitcast_convert_type3A_383 : vector<16xf32>
      %add3A_447 = arith.addf %scan3A_336, %bitcast_convert_type3A_385 : vector<16xf32>
      %add3A_448 = arith.addf %scan3A_337, %bitcast_convert_type3A_393 : vector<16xf32>
      %add3A_449 = arith.addf %scan3A_338, %bitcast_convert_type3A_395 : vector<16xf32>
      %add3A_450 = arith.addf %scan3A_339, %bitcast_convert_type3A_403 : vector<16xf32>
      %add3A_451 = arith.addf %scan3A_340, %bitcast_convert_type3A_405 : vector<16xf32>
      %add3A_452 = arith.addf %scan3A_341, %bitcast_convert_type3A_413 : vector<16xf32>
      %add3A_453 = arith.addf %scan3A_342, %bitcast_convert_type3A_415 : vector<16xf32>
      %add3A_454 = arith.addf %scan3A_343, %bitcast_convert_type3A_423 : vector<16xf32>
      %add3A_455 = arith.addf %scan3A_344, %bitcast_convert_type3A_425 : vector<16xf32>
      %add3A_456 = arith.addf %scan3A_345, %bitcast_convert_type3A_433 : vector<16xf32>
      %add3A_457 = arith.addf %scan3A_346, %bitcast_convert_type3A_435 : vector<16xf32>
      %mul3A_458 = arith.constant 10 : i32
      %mul3A_459 = arith.muli %scan3A_330, %mul3A_458 : i32
      %add3A_460 = arith.constant 1 : i32
      %add3A_461 = arith.addi %mul3A_459, %add3A_460 : i32
      %dma_wait3A_462 = arith.constant 1 : i32
      %dma_wait3A_463 = arith.constant 0 : i32
      %dma_wait3A_464 = tpu.memref_slice %arg7[%dma_wait3A_462, %dma_wait3A_463] : memref<10x128xi32, #tpu.memory_space<vmem>> -> memref<1x128xi32, #tpu.memory_space<vmem>>
      %dma_wait3A_465 = tpu.memref_squeeze %dma_wait3A_464 : memref<1x128xi32, #tpu.memory_space<vmem>> -> memref<128xi32, #tpu.memory_space<vmem>>
      %dma_wait3A_466 = arith.constant 0 : i32
      %dma_wait3A_467 = tpu.memref_slice %arg6[%add3A_461, %dma_wait3A_466] : memref<200x128xi32, #tpu.memory_space<vmem>> -> memref<1x128xi32, #tpu.memory_space<vmem>>
      %dma_wait3A_468 = tpu.memref_squeeze %dma_wait3A_467 : memref<1x128xi32, #tpu.memory_space<vmem>> -> memref<128xi32, #tpu.memory_space<vmem>>
      %dma_wait3A_469 = arith.constant 0 : i32
      %dma_wait3A_470 = tpu.memref_slice %arg10[%dma_wait3A_469] : memref<1000000xi32, #tpu.memory_space<vmem_shared>> -> memref<1000000xi32, #tpu.memory_space<vmem_shared>>
      tpu.wait_indirect_dma semaphore(%arg12 : memref<!tpu.dma_semaphore, #tpu.memory_space<semaphore_mem>>) src(%dma_wait3A_470 : memref<1000000xi32, #tpu.memory_space<vmem_shared>>) dst(%dma_wait3A_465 : memref<128xi32, #tpu.memory_space<vmem>>)
      %get3A_471 = arith.constant 1 : i32
      %get3A_472 = arith.index_cast %get3A_471 : i32 to index
      %get3A_473 = arith.constant 0 : index
      %get3A_474 = tpu.vector_load %arg7[%get3A_472, %get3A_473] {strides = array<i32>} : memref<10x128xi32, #tpu.memory_space<vmem>>, vector<16xi32>,
      %shift_left3A_475 = arith.constant 16 : i32
      %shift_left3A_476 = vector.broadcast %shift_left3A_475 : i32 to vector<16xi32>
      %shift_left3A_477 = arith.shli %get3A_474, %shift_left3A_476 : vector<16xi32>
      %bitcast_convert_type3A_478 = tpu.bitcast %shift_left3A_477 : vector<16xi32> -> vector<16xf32>
      %and3A_479 = arith.andi %get3A_474, %broadcast_in_dim3A_181 : vector<16xi32>
      %bitcast_convert_type3A_480 = tpu.bitcast %and3A_479 : vector<16xi32> -> vector<16xf32>
      %get3A_481 = arith.constant 1 : i32
      %get3A_482 = arith.index_cast %get3A_481 : i32 to index
      %get3A_483 = arith.constant 16 : index
      %get3A_484 = tpu.vector_load %arg7[%get3A_482, %get3A_483] {strides = array<i32>} : memref<10x128xi32, #tpu.memory_space<vmem>>, vector<16xi32>,
      %shift_left3A_485 = arith.constant 16 : i32
      %shift_left3A_486 = vector.broadcast %shift_left3A_485 : i32 to vector<16xi32>
      %shift_left3A_487 = arith.shli %get3A_484, %shift_left3A_486 : vector<16xi32>
      %bitcast_convert_type3A_488 = tpu.bitcast %shift_left3A_487 : vector<16xi32> -> vector<16xf32>
      %and3A_489 = arith.andi %get3A_484, %broadcast_in_dim3A_181 : vector<16xi32>
      %bitcast_convert_type3A_490 = tpu.bitcast %and3A_489 : vector<16xi32> -> vector<16xf32>
      %get3A_491 = arith.constant 1 : i32
      %get3A_492 = arith.index_cast %get3A_491 : i32 to index
      %get3A_493 = arith.constant 32 : index
      %get3A_494 = tpu.vector_load %arg7[%get3A_492, %get3A_493] {strides = array<i32>} : memref<10x128xi32, #tpu.memory_space<vmem>>, vector<16xi32>,
      %shift_left3A_495 = arith.constant 16 : i32
      %shift_left3A_496 = vector.broadcast %shift_left3A_495 : i32 to vector<16xi32>
      %shift_left3A_497 = arith.shli %get3A_494, %shift_left3A_496 : vector<16xi32>
      %bitcast_convert_type3A_498 = tpu.bitcast %shift_left3A_497 : vector<16xi32> -> vector<16xf32>
      %and3A_499 = arith.andi %get3A_494, %broadcast_in_dim3A_181 : vector<16xi32>
      %bitcast_convert_type3A_500 = tpu.bitcast %and3A_499 : vector<16xi32> -> vector<16xf32>
      %get3A_501 = arith.constant 1 : i32
      %get3A_502 = arith.index_cast %get3A_501 : i32 to index
      %get3A_503 = arith.constant 48 : index
      %get3A_504 = tpu.vector_load %arg7[%get3A_502, %get3A_503] {strides = array<i32>} : memref<10x128xi32, #tpu.memory_space<vmem>>, vector<16xi32>,
      %shift_left3A_505 = arith.constant 16 : i32
      %shift_left3A_506 = vector.broadcast %shift_left3A_505 : i32 to vector<16xi32>
      %shift_left3A_507 = arith.shli %get3A_504, %shift_left3A_506 : vector<16xi32>
      %bitcast_convert_type3A_508 = tpu.bitcast %shift_left3A_507 : vector<16xi32> -> vector<16xf32>
      %and3A_509 = arith.andi %get3A_504, %broadcast_in_dim3A_181 : vector<16xi32>
      %bitcast_convert_type3A_510 = tpu.bitcast %and3A_509 : vector<16xi32> -> vector<16xf32>
      %get3A_511 = arith.constant 1 : i32
      %get3A_512 = arith.index_cast %get3A_511 : i32 to index
      %get3A_513 = arith.constant 64 : index
      %get3A_514 = tpu.vector_load %arg7[%get3A_512, %get3A_513] {strides = array<i32>} : memref<10x128xi32, #tpu.memory_space<vmem>>, vector<16xi32>,
      %shift_left3A_515 = arith.constant 16 : i32
      %shift_left3A_516 = vector.broadcast %shift_left3A_515 : i32 to vector<16xi32>
      %shift_left3A_517 = arith.shli %get3A_514, %shift_left3A_516 : vector<16xi32>
      %bitcast_convert_type3A_518 = tpu.bitcast %shift_left3A_517 : vector<16xi32> -> vector<16xf32>
      %and3A_519 = arith.andi %get3A_514, %broadcast_in_dim3A_181 : vector<16xi32>
      %bitcast_convert_type3A_520 = tpu.bitcast %and3A_519 : vector<16xi32> -> vector<16xf32>
      %get3A_521 = arith.constant 1 : i32
      %get3A_522 = arith.index_cast %get3A_521 : i32 to index
      %get3A_523 = arith.constant 80 : index
      %get3A_524 = tpu.vector_load %arg7[%get3A_522, %get3A_523] {strides = array<i32>} : memref<10x128xi32, #tpu.memory_space<vmem>>, vector<16xi32>,
      %shift_left3A_525 = arith.constant 16 : i32
      %shift_left3A_526 = vector.broadcast %shift_left3A_525 : i32 to vector<16xi32>
      %shift_left3A_527 = arith.shli %get3A_524, %shift_left3A_526 : vector<16xi32>
      %bitcast_convert_type3A_528 = tpu.bitcast %shift_left3A_527 : vector<16xi32> -> vector<16xf32>
      %and3A_529 = arith.andi %get3A_524, %broadcast_in_dim3A_181 : vector<16xi32>
      %bitcast_convert_type3A_530 = tpu.bitcast %and3A_529 : vector<16xi32> -> vector<16xf32>
      %get3A_531 = arith.constant 1 : i32
      %get3A_532 = arith.index_cast %get3A_531 : i32 to index
      %get3A_533 = arith.constant 96 : index
      %get3A_534 = tpu.vector_load %arg7[%get3A_532, %get3A_533] {strides = array<i32>} : memref<10x128xi32, #tpu.memory_space<vmem>>, vector<16xi32>,
      %shift_left3A_535 = arith.constant 16 : i32
      %shift_left3A_536 = vector.broadcast %shift_left3A_535 : i32 to vector<16xi32>
      %shift_left3A_537 = arith.shli %get3A_534, %shift_left3A_536 : vector<16xi32>
      %bitcast_convert_type3A_538 = tpu.bitcast %shift_left3A_537 : vector<16xi32> -> vector<16xf32>
      %and3A_539 = arith.andi %get3A_534, %broadcast_in_dim3A_181 : vector<16xi32>
      %bitcast_convert_type3A_540 = tpu.bitcast %and3A_539 : vector<16xi32> -> vector<16xf32>
      %get3A_541 = arith.constant 1 : i32
      %get3A_542 = arith.index_cast %get3A_541 : i32 to index
      %get3A_543 = arith.constant 112 : index
      %get3A_544 = tpu.vector_load %arg7[%get3A_542, %get3A_543] {strides = array<i32>} : memref<10x128xi32, #tpu.memory_space<vmem>>, vector<16xi32>,
      %shift_left3A_545 = arith.constant 16 : i32
      %shift_left3A_546 = vector.broadcast %shift_left3A_545 : i32 to vector<16xi32>
      %shift_left3A_547 = arith.shli %get3A_544, %shift_left3A_546 : vector<16xi32>
      %bitcast_convert_type3A_548 = tpu.bitcast %shift_left3A_547 : vector<16xi32> -> vector<16xf32>
      %and3A_549 = arith.andi %get3A_544, %broadcast_in_dim3A_181 : vector<16xi32>
      %bitcast_convert_type3A_550 = tpu.bitcast %and3A_549 : vector<16xi32> -> vector<16xf32>
      %add3A_551 = arith.constant 10 : i32
      %add3A_552 = arith.addi %add3A_461, %add3A_551 : i32
      %lt3A_553 = arith.constant 200 : i32
      %lt3A_554 = arith.cmpi slt, %add3A_552, %lt3A_553 : i32
      %convert_element_type3A_555 = arith.extui %lt3A_554 : i1 to i32
      %cond3A_556 = arith.constant 0 : i32
      %cond3A_557 = arith.cmpi ne, %convert_element_type3A_555, %cond3A_556 : i32
      scf.if %cond3A_557 {
        %add3A_1502 = arith.constant 10 : i32
        %add3A_1503 = arith.addi %add3A_461, %add3A_1502 : i32
        %dma_start3A_1504 = arith.constant 1 : i32
        %dma_start3A_1505 = arith.constant 0 : i32
        %dma_start3A_1506 = tpu.memref_slice %arg7[%dma_start3A_1504, %dma_start3A_1505] : memref<10x128xi32, #tpu.memory_space<vmem>> -> memref<1x128xi32, #tpu.memory_space<vmem>>
        %dma_start3A_1507 = tpu.memref_squeeze %dma_start3A_1506 : memref<1x128xi32, #tpu.memory_space<vmem>> -> memref<128xi32, #tpu.memory_space<vmem>>
        %dma_start3A_1508 = arith.constant 0 : i32
        %dma_start3A_1509 = tpu.memref_slice %arg6[%add3A_1503, %dma_start3A_1508] : memref<200x128xi32, #tpu.memory_space<vmem>> -> memref<1x128xi32, #tpu.memory_space<vmem>>
        %dma_start3A_1510 = tpu.memref_squeeze %dma_start3A_1509 : memref<1x128xi32, #tpu.memory_space<vmem>> -> memref<128xi32, #tpu.memory_space<vmem>>
        %dma_start3A_1511 = arith.constant 0 : i32
        %dma_start3A_1512 = tpu.memref_slice %arg10[%dma_start3A_1511] : memref<1000000xi32, #tpu.memory_space<vmem_shared>> -> memref<1000000xi32, #tpu.memory_space<vmem_shared>>
        tpu.enqueue_indirect_dma source(%dma_start3A_1512 : memref<1000000xi32, #tpu.memory_space<vmem_shared>>) target(%dma_start3A_1507 : memref<128xi32, #tpu.memory_space<vmem>>) offsets(%dma_start3A_1510 : memref<128xi32, #tpu.memory_space<vmem>>) semaphore(%arg12 : memref<!tpu.dma_semaphore, #tpu.memory_space<semaphore_mem>>)
      } else {
      }
      %add3A_558 = arith.addf %add3A_442, %bitcast_convert_type3A_478 : vector<16xf32>
      %add3A_559 = arith.addf %add3A_443, %bitcast_convert_type3A_480 : vector<16xf32>
      %add3A_560 = arith.addf %add3A_444, %bitcast_convert_type3A_488 : vector<16xf32>
      %add3A_561 = arith.addf %add3A_445, %bitcast_convert_type3A_490 : vector<16xf32>
      %add3A_562 = arith.addf %add3A_446, %bitcast_convert_type3A_498 : vector<16xf32>
      %add3A_563 = arith.addf %add3A_447, %bitcast_convert_type3A_500 : vector<16xf32>
      %add3A_564 = arith.addf %add3A_448, %bitcast_convert_type3A_508 : vector<16xf32>
      %add3A_565 = arith.addf %add3A_449, %bitcast_convert_type3A_510 : vector<16xf32>
      %add3A_566 = arith.addf %add3A_450, %bitcast_convert_type3A_518 : vector<16xf32>
      %add3A_567 = arith.addf %add3A_451, %bitcast_convert_type3A_520 : vector<16xf32>
      %add3A_568 = arith.addf %add3A_452, %bitcast_convert_type3A_528 : vector<16xf32>
      %add3A_569 = arith.addf %add3A_453, %bitcast_convert_type3A_530 : vector<16xf32>
      %add3A_570 = arith.addf %add3A_454, %bitcast_convert_type3A_538 : vector<16xf32>
      %add3A_571 = arith.addf %add3A_455, %bitcast_convert_type3A_540 : vector<16xf32>
      %add3A_572 = arith.addf %add3A_456, %bitcast_convert_type3A_548 : vector<16xf32>
      %add3A_573 = arith.addf %add3A_457, %bitcast_convert_type3A_550 : vector<16xf32>
      %mul3A_574 = arith.constant 10 : i32
      %mul3A_575 = arith.muli %scan3A_330, %mul3A_574 : i32
      %add3A_576 = arith.constant 2 : i32
      %add3A_577 = arith.addi %mul3A_575, %add3A_576 : i32
      %dma_wait3A_578 = arith.constant 2 : i32
      %dma_wait3A_579 = arith.constant 0 : i32
      %dma_wait3A_580 = tpu.memref_slice %arg7[%dma_wait3A_578, %dma_wait3A_579] : memref<10x128xi32, #tpu.memory_space<vmem>> -> memref<1x128xi32, #tpu.memory_space<vmem>>
      %dma_wait3A_581 = tpu.memref_squeeze %dma_wait3A_580 : memref<1x128xi32, #tpu.memory_space<vmem>> -> memref<128xi32, #tpu.memory_space<vmem>>
      %dma_wait3A_582 = arith.constant 0 : i32
      %dma_wait3A_583 = tpu.memref_slice %arg6[%add3A_577, %dma_wait3A_582] : memref<200x128xi32, #tpu.memory_space<vmem>> -> memref<1x128xi32, #tpu.memory_space<vmem>>
      %dma_wait3A_584 = tpu.memref_squeeze %dma_wait3A_583 : memref<1x128xi32, #tpu.memory_space<vmem>> -> memref<128xi32, #tpu.memory_space<vmem>>
      %dma_wait3A_585 = arith.constant 0 : i32
      %dma_wait3A_586 = tpu.memref_slice %arg10[%dma_wait3A_585] : memref<1000000xi32, #tpu.memory_space<vmem_shared>> -> memref<1000000xi32, #tpu.memory_space<vmem_shared>>
      tpu.wait_indirect_dma semaphore(%arg13 : memref<!tpu.dma_semaphore, #tpu.memory_space<semaphore_mem>>) src(%dma_wait3A_586 : memref<1000000xi32, #tpu.memory_space<vmem_shared>>) dst(%dma_wait3A_581 : memref<128xi32, #tpu.memory_space<vmem>>)
      %get3A_587 = arith.constant 2 : i32
      %get3A_588 = arith.index_cast %get3A_587 : i32 to index
      %get3A_589 = arith.constant 0 : index
      %get3A_590 = tpu.vector_load %arg7[%get3A_588, %get3A_589] {strides = array<i32>} : memref<10x128xi32, #tpu.memory_space<vmem>>, vector<16xi32>,
      %shift_left3A_591 = arith.constant 16 : i32
      %shift_left3A_592 = vector.broadcast %shift_left3A_591 : i32 to vector<16xi32>
      %shift_left3A_593 = arith.shli %get3A_590, %shift_left3A_592 : vector<16xi32>
      %bitcast_convert_type3A_594 = tpu.bitcast %shift_left3A_593 : vector<16xi32> -> vector<16xf32>
      %and3A_595 = arith.andi %get3A_590, %broadcast_in_dim3A_181 : vector<16xi32>
      %bitcast_convert_type3A_596 = tpu.bitcast %and3A_595 : vector<16xi32> -> vector<16xf32>
      %get3A_597 = arith.constant 2 : i32
      %get3A_598 = arith.index_cast %get3A_597 : i32 to index
      %get3A_599 = arith.constant 16 : index
      %get3A_600 = tpu.vector_load %arg7[%get3A_598, %get3A_599] {strides = array<i32>} : memref<10x128xi32, #tpu.memory_space<vmem>>, vector<16xi32>,
      %shift_left3A_601 = arith.constant 16 : i32
      %shift_left3A_602 = vector.broadcast %shift_left3A_601 : i32 to vector<16xi32>
      %shift_left3A_603 = arith.shli %get3A_600, %shift_left3A_602 : vector<16xi32>
      %bitcast_convert_type3A_604 = tpu.bitcast %shift_left3A_603 : vector<16xi32> -> vector<16xf32>
      %and3A_605 = arith.andi %get3A_600, %broadcast_in_dim3A_181 : vector<16xi32>
      %bitcast_convert_type3A_606 = tpu.bitcast %and3A_605 : vector<16xi32> -> vector<16xf32>
      %get3A_607 = arith.constant 2 : i32
      %get3A_608 = arith.index_cast %get3A_607 : i32 to index
      %get3A_609 = arith.constant 32 : index
      %get3A_610 = tpu.vector_load %arg7[%get3A_608, %get3A_609] {strides = array<i32>} : memref<10x128xi32, #tpu.memory_space<vmem>>, vector<16xi32>,
      %shift_left3A_611 = arith.constant 16 : i32
      %shift_left3A_612 = vector.broadcast %shift_left3A_611 : i32 to vector<16xi32>
      %shift_left3A_613 = arith.shli %get3A_610, %shift_left3A_612 : vector<16xi32>
      %bitcast_convert_type3A_614 = tpu.bitcast %shift_left3A_613 : vector<16xi32> -> vector<16xf32>
      %and3A_615 = arith.andi %get3A_610, %broadcast_in_dim3A_181 : vector<16xi32>
      %bitcast_convert_type3A_616 = tpu.bitcast %and3A_615 : vector<16xi32> -> vector<16xf32>
      %get3A_617 = arith.constant 2 : i32
      %get3A_618 = arith.index_cast %get3A_617 : i32 to index
      %get3A_619 = arith.constant 48 : index
      %get3A_620 = tpu.vector_load %arg7[%get3A_618, %get3A_619] {strides = array<i32>} : memref<10x128xi32, #tpu.memory_space<vmem>>, vector<16xi32>,
      %shift_left3A_621 = arith.constant 16 : i32
      %shift_left3A_622 = vector.broadcast %shift_left3A_621 : i32 to vector<16xi32>
      %shift_left3A_623 = arith.shli %get3A_620, %shift_left3A_622 : vector<16xi32>
      %bitcast_convert_type3A_624 = tpu.bitcast %shift_left3A_623 : vector<16xi32> -> vector<16xf32>
      %and3A_625 = arith.andi %get3A_620, %broadcast_in_dim3A_181 : vector<16xi32>
      %bitcast_convert_type3A_626 = tpu.bitcast %and3A_625 : vector<16xi32> -> vector<16xf32>
      %get3A_627 = arith.constant 2 : i32
      %get3A_628 = arith.index_cast %get3A_627 : i32 to index
      %get3A_629 = arith.constant 64 : index
      %get3A_630 = tpu.vector_load %arg7[%get3A_628, %get3A_629] {strides = array<i32>} : memref<10x128xi32, #tpu.memory_space<vmem>>, vector<16xi32>,
      %shift_left3A_631 = arith.constant 16 : i32
      %shift_left3A_632 = vector.broadcast %shift_left3A_631 : i32 to vector<16xi32>
      %shift_left3A_633 = arith.shli %get3A_630, %shift_left3A_632 : vector<16xi32>
      %bitcast_convert_type3A_634 = tpu.bitcast %shift_left3A_633 : vector<16xi32> -> vector<16xf32>
      %and3A_635 = arith.andi %get3A_630, %broadcast_in_dim3A_181 : vector<16xi32>
      %bitcast_convert_type3A_636 = tpu.bitcast %and3A_635 : vector<16xi32> -> vector<16xf32>
      %get3A_637 = arith.constant 2 : i32
      %get3A_638 = arith.index_cast %get3A_637 : i32 to index
      %get3A_639 = arith.constant 80 : index
      %get3A_640 = tpu.vector_load %arg7[%get3A_638, %get3A_639] {strides = array<i32>} : memref<10x128xi32, #tpu.memory_space<vmem>>, vector<16xi32>,
      %shift_left3A_641 = arith.constant 16 : i32
      %shift_left3A_642 = vector.broadcast %shift_left3A_641 : i32 to vector<16xi32>
      %shift_left3A_643 = arith.shli %get3A_640, %shift_left3A_642 : vector<16xi32>
      %bitcast_convert_type3A_644 = tpu.bitcast %shift_left3A_643 : vector<16xi32> -> vector<16xf32>
      %and3A_645 = arith.andi %get3A_640, %broadcast_in_dim3A_181 : vector<16xi32>
      %bitcast_convert_type3A_646 = tpu.bitcast %and3A_645 : vector<16xi32> -> vector<16xf32>
      %get3A_647 = arith.constant 2 : i32
      %get3A_648 = arith.index_cast %get3A_647 : i32 to index
      %get3A_649 = arith.constant 96 : index
      %get3A_650 = tpu.vector_load %arg7[%get3A_648, %get3A_649] {strides = array<i32>} : memref<10x128xi32, #tpu.memory_space<vmem>>, vector<16xi32>,
      %shift_left3A_651 = arith.constant 16 : i32
      %shift_left3A_652 = vector.broadcast %shift_left3A_651 : i32 to vector<16xi32>
      %shift_left3A_653 = arith.shli %get3A_650, %shift_left3A_652 : vector<16xi32>
      %bitcast_convert_type3A_654 = tpu.bitcast %shift_left3A_653 : vector<16xi32> -> vector<16xf32>
      %and3A_655 = arith.andi %get3A_650, %broadcast_in_dim3A_181 : vector<16xi32>
      %bitcast_convert_type3A_656 = tpu.bitcast %and3A_655 : vector<16xi32> -> vector<16xf32>
      %get3A_657 = arith.constant 2 : i32
      %get3A_658 = arith.index_cast %get3A_657 : i32 to index
      %get3A_659 = arith.constant 112 : index
      %get3A_660 = tpu.vector_load %arg7[%get3A_658, %get3A_659] {strides = array<i32>} : memref<10x128xi32, #tpu.memory_space<vmem>>, vector<16xi32>,
      %shift_left3A_661 = arith.constant 16 : i32
      %shift_left3A_662 = vector.broadcast %shift_left3A_661 : i32 to vector<16xi32>
      %shift_left3A_663 = arith.shli %get3A_660, %shift_left3A_662 : vector<16xi32>
      %bitcast_convert_type3A_664 = tpu.bitcast %shift_left3A_663 : vector<16xi32> -> vector<16xf32>
      %and3A_665 = arith.andi %get3A_660, %broadcast_in_dim3A_181 : vector<16xi32>
      %bitcast_convert_type3A_666 = tpu.bitcast %and3A_665 : vector<16xi32> -> vector<16xf32>
      %add3A_667 = arith.constant 10 : i32
      %add3A_668 = arith.addi %add3A_577, %add3A_667 : i32
      %lt3A_669 = arith.constant 200 : i32
      %lt3A_670 = arith.cmpi slt, %add3A_668, %lt3A_669 : i32
      %convert_element_type3A_671 = arith.extui %lt3A_670 : i1 to i32
      %cond3A_672 = arith.constant 0 : i32
      %cond3A_673 = arith.cmpi ne, %convert_element_type3A_671, %cond3A_672 : i32
      scf.if %cond3A_673 {
        %add3A_1502 = arith.constant 10 : i32
        %add3A_1503 = arith.addi %add3A_577, %add3A_1502 : i32
        %dma_start3A_1504 = arith.constant 2 : i32
        %dma_start3A_1505 = arith.constant 0 : i32
        %dma_start3A_1506 = tpu.memref_slice %arg7[%dma_start3A_1504, %dma_start3A_1505] : memref<10x128xi32, #tpu.memory_space<vmem>> -> memref<1x128xi32, #tpu.memory_space<vmem>>
        %dma_start3A_1507 = tpu.memref_squeeze %dma_start3A_1506 : memref<1x128xi32, #tpu.memory_space<vmem>> -> memref<128xi32, #tpu.memory_space<vmem>>
        %dma_start3A_1508 = arith.constant 0 : i32
        %dma_start3A_1509 = tpu.memref_slice %arg6[%add3A_1503, %dma_start3A_1508] : memref<200x128xi32, #tpu.memory_space<vmem>> -> memref<1x128xi32, #tpu.memory_space<vmem>>
        %dma_start3A_1510 = tpu.memref_squeeze %dma_start3A_1509 : memref<1x128xi32, #tpu.memory_space<vmem>> -> memref<128xi32, #tpu.memory_space<vmem>>
        %dma_start3A_1511 = arith.constant 0 : i32
        %dma_start3A_1512 = tpu.memref_slice %arg10[%dma_start3A_1511] : memref<1000000xi32, #tpu.memory_space<vmem_shared>> -> memref<1000000xi32, #tpu.memory_space<vmem_shared>>
        tpu.enqueue_indirect_dma source(%dma_start3A_1512 : memref<1000000xi32, #tpu.memory_space<vmem_shared>>) target(%dma_start3A_1507 : memref<128xi32, #tpu.memory_space<vmem>>) offsets(%dma_start3A_1510 : memref<128xi32, #tpu.memory_space<vmem>>) semaphore(%arg13 : memref<!tpu.dma_semaphore, #tpu.memory_space<semaphore_mem>>)
      } else {
      }
      %add3A_674 = arith.addf %add3A_558, %bitcast_convert_type3A_594 : vector<16xf32>
      %add3A_675 = arith.addf %add3A_559, %bitcast_convert_type3A_596 : vector<16xf32>
      %add3A_676 = arith.addf %add3A_560, %bitcast_convert_type3A_604 : vector<16xf32>
      %add3A_677 = arith.addf %add3A_561, %bitcast_convert_type3A_606 : vector<16xf32>
      %add3A_678 = arith.addf %add3A_562, %bitcast_convert_type3A_614 : vector<16xf32>
      %add3A_679 = arith.addf %add3A_563, %bitcast_convert_type3A_616 : vector<16xf32>
      %add3A_680 = arith.addf %add3A_564, %bitcast_convert_type3A_624 : vector<16xf32>
      %add3A_681 = arith.addf %add3A_565, %bitcast_convert_type3A_626 : vector<16xf32>
      %add3A_682 = arith.addf %add3A_566, %bitcast_convert_type3A_634 : vector<16xf32>
      %add3A_683 = arith.addf %add3A_567, %bitcast_convert_type3A_636 : vector<16xf32>
      %add3A_684 = arith.addf %add3A_568, %bitcast_convert_type3A_644 : vector<16xf32>
      %add3A_685 = arith.addf %add3A_569, %bitcast_convert_type3A_646 : vector<16xf32>
      %add3A_686 = arith.addf %add3A_570, %bitcast_convert_type3A_654 : vector<16xf32>
      %add3A_687 = arith.addf %add3A_571, %bitcast_convert_type3A_656 : vector<16xf32>
      %add3A_688 = arith.addf %add3A_572, %bitcast_convert_type3A_664 : vector<16xf32>
      %add3A_689 = arith.addf %add3A_573, %bitcast_convert_type3A_666 : vector<16xf32>
      %mul3A_690 = arith.constant 10 : i32
      %mul3A_691 = arith.muli %scan3A_330, %mul3A_690 : i32
      %add3A_692 = arith.constant 3 : i32
      %add3A_693 = arith.addi %mul3A_691, %add3A_692 : i32
      %dma_wait3A_694 = arith.constant 3 : i32
      %dma_wait3A_695 = arith.constant 0 : i32
      %dma_wait3A_696 = tpu.memref_slice %arg7[%dma_wait3A_694, %dma_wait3A_695] : memref<10x128xi32, #tpu.memory_space<vmem>> -> memref<1x128xi32, #tpu.memory_space<vmem>>
      %dma_wait3A_697 = tpu.memref_squeeze %dma_wait3A_696 : memref<1x128xi32, #tpu.memory_space<vmem>> -> memref<128xi32, #tpu.memory_space<vmem>>
      %dma_wait3A_698 = arith.constant 0 : i32
      %dma_wait3A_699 = tpu.memref_slice %arg6[%add3A_693, %dma_wait3A_698] : memref<200x128xi32, #tpu.memory_space<vmem>> -> memref<1x128xi32, #tpu.memory_space<vmem>>
      %dma_wait3A_700 = tpu.memref_squeeze %dma_wait3A_699 : memref<1x128xi32, #tpu.memory_space<vmem>> -> memref<128xi32, #tpu.memory_space<vmem>>
      %dma_wait3A_701 = arith.constant 0 : i32
      %dma_wait3A_702 = tpu.memref_slice %arg10[%dma_wait3A_701] : memref<1000000xi32, #tpu.memory_space<vmem_shared>> -> memref<1000000xi32, #tpu.memory_space<vmem_shared>>
      tpu.wait_indirect_dma semaphore(%arg14 : memref<!tpu.dma_semaphore, #tpu.memory_space<semaphore_mem>>) src(%dma_wait3A_702 : memref<1000000xi32, #tpu.memory_space<vmem_shared>>) dst(%dma_wait3A_697 : memref<128xi32, #tpu.memory_space<vmem>>)
      %get3A_703 = arith.constant 3 : i32
      %get3A_704 = arith.index_cast %get3A_703 : i32 to index
      %get3A_705 = arith.constant 0 : index
      %get3A_706 = tpu.vector_load %arg7[%get3A_704, %get3A_705] {strides = array<i32>} : memref<10x128xi32, #tpu.memory_space<vmem>>, vector<16xi32>,
      %shift_left3A_707 = arith.constant 16 : i32
      %shift_left3A_708 = vector.broadcast %shift_left3A_707 : i32 to vector<16xi32>
      %shift_left3A_709 = arith.shli %get3A_706, %shift_left3A_708 : vector<16xi32>
      %bitcast_convert_type3A_710 = tpu.bitcast %shift_left3A_709 : vector<16xi32> -> vector<16xf32>
      %and3A_711 = arith.andi %get3A_706, %broadcast_in_dim3A_181 : vector<16xi32>
      %bitcast_convert_type3A_712 = tpu.bitcast %and3A_711 : vector<16xi32> -> vector<16xf32>
      %get3A_713 = arith.constant 3 : i32
      %get3A_714 = arith.index_cast %get3A_713 : i32 to index
      %get3A_715 = arith.constant 16 : index
      %get3A_716 = tpu.vector_load %arg7[%get3A_714, %get3A_715] {strides = array<i32>} : memref<10x128xi32, #tpu.memory_space<vmem>>, vector<16xi32>,
      %shift_left3A_717 = arith.constant 16 : i32
      %shift_left3A_718 = vector.broadcast %shift_left3A_717 : i32 to vector<16xi32>
      %shift_left3A_719 = arith.shli %get3A_716, %shift_left3A_718 : vector<16xi32>
      %bitcast_convert_type3A_720 = tpu.bitcast %shift_left3A_719 : vector<16xi32> -> vector<16xf32>
      %and3A_721 = arith.andi %get3A_716, %broadcast_in_dim3A_181 : vector<16xi32>
      %bitcast_convert_type3A_722 = tpu.bitcast %and3A_721 : vector<16xi32> -> vector<16xf32>
      %get3A_723 = arith.constant 3 : i32
      %get3A_724 = arith.index_cast %get3A_723 : i32 to index
      %get3A_725 = arith.constant 32 : index
      %get3A_726 = tpu.vector_load %arg7[%get3A_724, %get3A_725] {strides = array<i32>} : memref<10x128xi32, #tpu.memory_space<vmem>>, vector<16xi32>,
      %shift_left3A_727 = arith.constant 16 : i32
      %shift_left3A_728 = vector.broadcast %shift_left3A_727 : i32 to vector<16xi32>
      %shift_left3A_729 = arith.shli %get3A_726, %shift_left3A_728 : vector<16xi32>
      %bitcast_convert_type3A_730 = tpu.bitcast %shift_left3A_729 : vector<16xi32> -> vector<16xf32>
      %and3A_731 = arith.andi %get3A_726, %broadcast_in_dim3A_181 : vector<16xi32>
      %bitcast_convert_type3A_732 = tpu.bitcast %and3A_731 : vector<16xi32> -> vector<16xf32>
      %get3A_733 = arith.constant 3 : i32
      %get3A_734 = arith.index_cast %get3A_733 : i32 to index
      %get3A_735 = arith.constant 48 : index
      %get3A_736 = tpu.vector_load %arg7[%get3A_734, %get3A_735] {strides = array<i32>} : memref<10x128xi32, #tpu.memory_space<vmem>>, vector<16xi32>,
      %shift_left3A_737 = arith.constant 16 : i32
      %shift_left3A_738 = vector.broadcast %shift_left3A_737 : i32 to vector<16xi32>
      %shift_left3A_739 = arith.shli %get3A_736, %shift_left3A_738 : vector<16xi32>
      %bitcast_convert_type3A_740 = tpu.bitcast %shift_left3A_739 : vector<16xi32> -> vector<16xf32>
      %and3A_741 = arith.andi %get3A_736, %broadcast_in_dim3A_181 : vector<16xi32>
      %bitcast_convert_type3A_742 = tpu.bitcast %and3A_741 : vector<16xi32> -> vector<16xf32>
      %get3A_743 = arith.constant 3 : i32
      %get3A_744 = arith.index_cast %get3A_743 : i32 to index
      %get3A_745 = arith.constant 64 : index
      %get3A_746 = tpu.vector_load %arg7[%get3A_744, %get3A_745] {strides = array<i32>} : memref<10x128xi32, #tpu.memory_space<vmem>>, vector<16xi32>,
      %shift_left3A_747 = arith.constant 16 : i32
      %shift_left3A_748 = vector.broadcast %shift_left3A_747 : i32 to vector<16xi32>
      %shift_left3A_749 = arith.shli %get3A_746, %shift_left3A_748 : vector<16xi32>
      %bitcast_convert_type3A_750 = tpu.bitcast %shift_left3A_749 : vector<16xi32> -> vector<16xf32>
      %and3A_751 = arith.andi %get3A_746, %broadcast_in_dim3A_181 : vector<16xi32>
      %bitcast_convert_type3A_752 = tpu.bitcast %and3A_751 : vector<16xi32> -> vector<16xf32>
      %get3A_753 = arith.constant 3 : i32
      %get3A_754 = arith.index_cast %get3A_753 : i32 to index
      %get3A_755 = arith.constant 80 : index
      %get3A_756 = tpu.vector_load %arg7[%get3A_754, %get3A_755] {strides = array<i32>} : memref<10x128xi32, #tpu.memory_space<vmem>>, vector<16xi32>,
      %shift_left3A_757 = arith.constant 16 : i32
      %shift_left3A_758 = vector.broadcast %shift_left3A_757 : i32 to vector<16xi32>
      %shift_left3A_759 = arith.shli %get3A_756, %shift_left3A_758 : vector<16xi32>
      %bitcast_convert_type3A_760 = tpu.bitcast %shift_left3A_759 : vector<16xi32> -> vector<16xf32>
      %and3A_761 = arith.andi %get3A_756, %broadcast_in_dim3A_181 : vector<16xi32>
      %bitcast_convert_type3A_762 = tpu.bitcast %and3A_761 : vector<16xi32> -> vector<16xf32>
      %get3A_763 = arith.constant 3 : i32
      %get3A_764 = arith.index_cast %get3A_763 : i32 to index
      %get3A_765 = arith.constant 96 : index
      %get3A_766 = tpu.vector_load %arg7[%get3A_764, %get3A_765] {strides = array<i32>} : memref<10x128xi32, #tpu.memory_space<vmem>>, vector<16xi32>,
      %shift_left3A_767 = arith.constant 16 : i32
      %shift_left3A_768 = vector.broadcast %shift_left3A_767 : i32 to vector<16xi32>
      %shift_left3A_769 = arith.shli %get3A_766, %shift_left3A_768 : vector<16xi32>
      %bitcast_convert_type3A_770 = tpu.bitcast %shift_left3A_769 : vector<16xi32> -> vector<16xf32>
      %and3A_771 = arith.andi %get3A_766, %broadcast_in_dim3A_181 : vector<16xi32>
      %bitcast_convert_type3A_772 = tpu.bitcast %and3A_771 : vector<16xi32> -> vector<16xf32>
      %get3A_773 = arith.constant 3 : i32
      %get3A_774 = arith.index_cast %get3A_773 : i32 to index
      %get3A_775 = arith.constant 112 : index
      %get3A_776 = tpu.vector_load %arg7[%get3A_774, %get3A_775] {strides = array<i32>} : memref<10x128xi32, #tpu.memory_space<vmem>>, vector<16xi32>,
      %shift_left3A_777 = arith.constant 16 : i32
      %shift_left3A_778 = vector.broadcast %shift_left3A_777 : i32 to vector<16xi32>
      %shift_left3A_779 = arith.shli %get3A_776, %shift_left3A_778 : vector<16xi32>
      %bitcast_convert_type3A_780 = tpu.bitcast %shift_left3A_779 : vector<16xi32> -> vector<16xf32>
      %and3A_781 = arith.andi %get3A_776, %broadcast_in_dim3A_181 : vector<16xi32>
      %bitcast_convert_type3A_782 = tpu.bitcast %and3A_781 : vector<16xi32> -> vector<16xf32>
      %add3A_783 = arith.constant 10 : i32
      %add3A_784 = arith.addi %add3A_693, %add3A_783 : i32
      %lt3A_785 = arith.constant 200 : i32
      %lt3A_786 = arith.cmpi slt, %add3A_784, %lt3A_785 : i32
      %convert_element_type3A_787 = arith.extui %lt3A_786 : i1 to i32
      %cond3A_788 = arith.constant 0 : i32
      %cond3A_789 = arith.cmpi ne, %convert_element_type3A_787, %cond3A_788 : i32
      scf.if %cond3A_789 {
        %add3A_1502 = arith.constant 10 : i32
        %add3A_1503 = arith.addi %add3A_693, %add3A_1502 : i32
        %dma_start3A_1504 = arith.constant 3 : i32
        %dma_start3A_1505 = arith.constant 0 : i32
        %dma_start3A_1506 = tpu.memref_slice %arg7[%dma_start3A_1504, %dma_start3A_1505] : memref<10x128xi32, #tpu.memory_space<vmem>> -> memref<1x128xi32, #tpu.memory_space<vmem>>
        %dma_start3A_1507 = tpu.memref_squeeze %dma_start3A_1506 : memref<1x128xi32, #tpu.memory_space<vmem>> -> memref<128xi32, #tpu.memory_space<vmem>>
        %dma_start3A_1508 = arith.constant 0 : i32
        %dma_start3A_1509 = tpu.memref_slice %arg6[%add3A_1503, %dma_start3A_1508] : memref<200x128xi32, #tpu.memory_space<vmem>> -> memref<1x128xi32, #tpu.memory_space<vmem>>
        %dma_start3A_1510 = tpu.memref_squeeze %dma_start3A_1509 : memref<1x128xi32, #tpu.memory_space<vmem>> -> memref<128xi32, #tpu.memory_space<vmem>>
        %dma_start3A_1511 = arith.constant 0 : i32
        %dma_start3A_1512 = tpu.memref_slice %arg10[%dma_start3A_1511] : memref<1000000xi32, #tpu.memory_space<vmem_shared>> -> memref<1000000xi32, #tpu.memory_space<vmem_shared>>
        tpu.enqueue_indirect_dma source(%dma_start3A_1512 : memref<1000000xi32, #tpu.memory_space<vmem_shared>>) target(%dma_start3A_1507 : memref<128xi32, #tpu.memory_space<vmem>>) offsets(%dma_start3A_1510 : memref<128xi32, #tpu.memory_space<vmem>>) semaphore(%arg14 : memref<!tpu.dma_semaphore, #tpu.memory_space<semaphore_mem>>)
      } else {
      }
      %add3A_790 = arith.addf %add3A_674, %bitcast_convert_type3A_710 : vector<16xf32>
      %add3A_791 = arith.addf %add3A_675, %bitcast_convert_type3A_712 : vector<16xf32>
      %add3A_792 = arith.addf %add3A_676, %bitcast_convert_type3A_720 : vector<16xf32>
      %add3A_793 = arith.addf %add3A_677, %bitcast_convert_type3A_722 : vector<16xf32>
      %add3A_794 = arith.addf %add3A_678, %bitcast_convert_type3A_730 : vector<16xf32>
      %add3A_795 = arith.addf %add3A_679, %bitcast_convert_type3A_732 : vector<16xf32>
      %add3A_796 = arith.addf %add3A_680, %bitcast_convert_type3A_740 : vector<16xf32>
      %add3A_797 = arith.addf %add3A_681, %bitcast_convert_type3A_742 : vector<16xf32>
      %add3A_798 = arith.addf %add3A_682, %bitcast_convert_type3A_750 : vector<16xf32>
      %add3A_799 = arith.addf %add3A_683, %bitcast_convert_type3A_752 : vector<16xf32>
      %add3A_800 = arith.addf %add3A_684, %bitcast_convert_type3A_760 : vector<16xf32>
      %add3A_801 = arith.addf %add3A_685, %bitcast_convert_type3A_762 : vector<16xf32>
      %add3A_802 = arith.addf %add3A_686, %bitcast_convert_type3A_770 : vector<16xf32>
      %add3A_803 = arith.addf %add3A_687, %bitcast_convert_type3A_772 : vector<16xf32>
      %add3A_804 = arith.addf %add3A_688, %bitcast_convert_type3A_780 : vector<16xf32>
      %add3A_805 = arith.addf %add3A_689, %bitcast_convert_type3A_782 : vector<16xf32>
      %mul3A_806 = arith.constant 10 : i32
      %mul3A_807 = arith.muli %scan3A_330, %mul3A_806 : i32
      %add3A_808 = arith.constant 4 : i32
      %add3A_809 = arith.addi %mul3A_807, %add3A_808 : i32
      %dma_wait3A_810 = arith.constant 4 : i32
      %dma_wait3A_811 = arith.constant 0 : i32
      %dma_wait3A_812 = tpu.memref_slice %arg7[%dma_wait3A_810, %dma_wait3A_811] : memref<10x128xi32, #tpu.memory_space<vmem>> -> memref<1x128xi32, #tpu.memory_space<vmem>>
      %dma_wait3A_813 = tpu.memref_squeeze %dma_wait3A_812 : memref<1x128xi32, #tpu.memory_space<vmem>> -> memref<128xi32, #tpu.memory_space<vmem>>
      %dma_wait3A_814 = arith.constant 0 : i32
      %dma_wait3A_815 = tpu.memref_slice %arg6[%add3A_809, %dma_wait3A_814] : memref<200x128xi32, #tpu.memory_space<vmem>> -> memref<1x128xi32, #tpu.memory_space<vmem>>
      %dma_wait3A_816 = tpu.memref_squeeze %dma_wait3A_815 : memref<1x128xi32, #tpu.memory_space<vmem>> -> memref<128xi32, #tpu.memory_space<vmem>>
      %dma_wait3A_817 = arith.constant 0 : i32
      %dma_wait3A_818 = tpu.memref_slice %arg10[%dma_wait3A_817] : memref<1000000xi32, #tpu.memory_space<vmem_shared>> -> memref<1000000xi32, #tpu.memory_space<vmem_shared>>
      tpu.wait_indirect_dma semaphore(%arg15 : memref<!tpu.dma_semaphore, #tpu.memory_space<semaphore_mem>>) src(%dma_wait3A_818 : memref<1000000xi32, #tpu.memory_space<vmem_shared>>) dst(%dma_wait3A_813 : memref<128xi32, #tpu.memory_space<vmem>>)
      %get3A_819 = arith.constant 4 : i32
      %get3A_820 = arith.index_cast %get3A_819 : i32 to index
      %get3A_821 = arith.constant 0 : index
      %get3A_822 = tpu.vector_load %arg7[%get3A_820, %get3A_821] {strides = array<i32>} : memref<10x128xi32, #tpu.memory_space<vmem>>, vector<16xi32>,
      %shift_left3A_823 = arith.constant 16 : i32
      %shift_left3A_824 = vector.broadcast %shift_left3A_823 : i32 to vector<16xi32>
      %shift_left3A_825 = arith.shli %get3A_822, %shift_left3A_824 : vector<16xi32>
      %bitcast_convert_type3A_826 = tpu.bitcast %shift_left3A_825 : vector<16xi32> -> vector<16xf32>
      %and3A_827 = arith.andi %get3A_822, %broadcast_in_dim3A_181 : vector<16xi32>
      %bitcast_convert_type3A_828 = tpu.bitcast %and3A_827 : vector<16xi32> -> vector<16xf32>
      %get3A_829 = arith.constant 4 : i32
      %get3A_830 = arith.index_cast %get3A_829 : i32 to index
      %get3A_831 = arith.constant 16 : index
      %get3A_832 = tpu.vector_load %arg7[%get3A_830, %get3A_831] {strides = array<i32>} : memref<10x128xi32, #tpu.memory_space<vmem>>, vector<16xi32>,
      %shift_left3A_833 = arith.constant 16 : i32
      %shift_left3A_834 = vector.broadcast %shift_left3A_833 : i32 to vector<16xi32>
      %shift_left3A_835 = arith.shli %get3A_832, %shift_left3A_834 : vector<16xi32>
      %bitcast_convert_type3A_836 = tpu.bitcast %shift_left3A_835 : vector<16xi32> -> vector<16xf32>
      %and3A_837 = arith.andi %get3A_832, %broadcast_in_dim3A_181 : vector<16xi32>
      %bitcast_convert_type3A_838 = tpu.bitcast %and3A_837 : vector<16xi32> -> vector<16xf32>
      %get3A_839 = arith.constant 4 : i32
      %get3A_840 = arith.index_cast %get3A_839 : i32 to index
      %get3A_841 = arith.constant 32 : index
      %get3A_842 = tpu.vector_load %arg7[%get3A_840, %get3A_841] {strides = array<i32>} : memref<10x128xi32, #tpu.memory_space<vmem>>, vector<16xi32>,
      %shift_left3A_843 = arith.constant 16 : i32
      %shift_left3A_844 = vector.broadcast %shift_left3A_843 : i32 to vector<16xi32>
      %shift_left3A_845 = arith.shli %get3A_842, %shift_left3A_844 : vector<16xi32>
      %bitcast_convert_type3A_846 = tpu.bitcast %shift_left3A_845 : vector<16xi32> -> vector<16xf32>
      %and3A_847 = arith.andi %get3A_842, %broadcast_in_dim3A_181 : vector<16xi32>
      %bitcast_convert_type3A_848 = tpu.bitcast %and3A_847 : vector<16xi32> -> vector<16xf32>
      %get3A_849 = arith.constant 4 : i32
      %get3A_850 = arith.index_cast %get3A_849 : i32 to index
      %get3A_851 = arith.constant 48 : index
      %get3A_852 = tpu.vector_load %arg7[%get3A_850, %get3A_851] {strides = array<i32>} : memref<10x128xi32, #tpu.memory_space<vmem>>, vector<16xi32>,
      %shift_left3A_853 = arith.constant 16 : i32
      %shift_left3A_854 = vector.broadcast %shift_left3A_853 : i32 to vector<16xi32>
      %shift_left3A_855 = arith.shli %get3A_852, %shift_left3A_854 : vector<16xi32>
      %bitcast_convert_type3A_856 = tpu.bitcast %shift_left3A_855 : vector<16xi32> -> vector<16xf32>
      %and3A_857 = arith.andi %get3A_852, %broadcast_in_dim3A_181 : vector<16xi32>
      %bitcast_convert_type3A_858 = tpu.bitcast %and3A_857 : vector<16xi32> -> vector<16xf32>
      %get3A_859 = arith.constant 4 : i32
      %get3A_860 = arith.index_cast %get3A_859 : i32 to index
      %get3A_861 = arith.constant 64 : index
      %get3A_862 = tpu.vector_load %arg7[%get3A_860, %get3A_861] {strides = array<i32>} : memref<10x128xi32, #tpu.memory_space<vmem>>, vector<16xi32>,
      %shift_left3A_863 = arith.constant 16 : i32
      %shift_left3A_864 = vector.broadcast %shift_left3A_863 : i32 to vector<16xi32>
      %shift_left3A_865 = arith.shli %get3A_862, %shift_left3A_864 : vector<16xi32>
      %bitcast_convert_type3A_866 = tpu.bitcast %shift_left3A_865 : vector<16xi32> -> vector<16xf32>
      %and3A_867 = arith.andi %get3A_862, %broadcast_in_dim3A_181 : vector<16xi32>
      %bitcast_convert_type3A_868 = tpu.bitcast %and3A_867 : vector<16xi32> -> vector<16xf32>
      %get3A_869 = arith.constant 4 : i32
      %get3A_870 = arith.index_cast %get3A_869 : i32 to index
      %get3A_871 = arith.constant 80 : index
      %get3A_872 = tpu.vector_load %arg7[%get3A_870, %get3A_871] {strides = array<i32>} : memref<10x128xi32, #tpu.memory_space<vmem>>, vector<16xi32>,
      %shift_left3A_873 = arith.constant 16 : i32
      %shift_left3A_874 = vector.broadcast %shift_left3A_873 : i32 to vector<16xi32>
      %shift_left3A_875 = arith.shli %get3A_872, %shift_left3A_874 : vector<16xi32>
      %bitcast_convert_type3A_876 = tpu.bitcast %shift_left3A_875 : vector<16xi32> -> vector<16xf32>
      %and3A_877 = arith.andi %get3A_872, %broadcast_in_dim3A_181 : vector<16xi32>
      %bitcast_convert_type3A_878 = tpu.bitcast %and3A_877 : vector<16xi32> -> vector<16xf32>
      %get3A_879 = arith.constant 4 : i32
      %get3A_880 = arith.index_cast %get3A_879 : i32 to index
      %get3A_881 = arith.constant 96 : index
      %get3A_882 = tpu.vector_load %arg7[%get3A_880, %get3A_881] {strides = array<i32>} : memref<10x128xi32, #tpu.memory_space<vmem>>, vector<16xi32>,
      %shift_left3A_883 = arith.constant 16 : i32
      %shift_left3A_884 = vector.broadcast %shift_left3A_883 : i32 to vector<16xi32>
      %shift_left3A_885 = arith.shli %get3A_882, %shift_left3A_884 : vector<16xi32>
      %bitcast_convert_type3A_886 = tpu.bitcast %shift_left3A_885 : vector<16xi32> -> vector<16xf32>
      %and3A_887 = arith.andi %get3A_882, %broadcast_in_dim3A_181 : vector<16xi32>
      %bitcast_convert_type3A_888 = tpu.bitcast %and3A_887 : vector<16xi32> -> vector<16xf32>
      %get3A_889 = arith.constant 4 : i32
      %get3A_890 = arith.index_cast %get3A_889 : i32 to index
      %get3A_891 = arith.constant 112 : index
      %get3A_892 = tpu.vector_load %arg7[%get3A_890, %get3A_891] {strides = array<i32>} : memref<10x128xi32, #tpu.memory_space<vmem>>, vector<16xi32>,
      %shift_left3A_893 = arith.constant 16 : i32
      %shift_left3A_894 = vector.broadcast %shift_left3A_893 : i32 to vector<16xi32>
      %shift_left3A_895 = arith.shli %get3A_892, %shift_left3A_894 : vector<16xi32>
      %bitcast_convert_type3A_896 = tpu.bitcast %shift_left3A_895 : vector<16xi32> -> vector<16xf32>
      %and3A_897 = arith.andi %get3A_892, %broadcast_in_dim3A_181 : vector<16xi32>
      %bitcast_convert_type3A_898 = tpu.bitcast %and3A_897 : vector<16xi32> -> vector<16xf32>
      %add3A_899 = arith.constant 10 : i32
      %add3A_900 = arith.addi %add3A_809, %add3A_899 : i32
      %lt3A_901 = arith.constant 200 : i32
      %lt3A_902 = arith.cmpi slt, %add3A_900, %lt3A_901 : i32
      %convert_element_type3A_903 = arith.extui %lt3A_902 : i1 to i32
      %cond3A_904 = arith.constant 0 : i32
      %cond3A_905 = arith.cmpi ne, %convert_element_type3A_903, %cond3A_904 : i32
      scf.if %cond3A_905 {
        %add3A_1502 = arith.constant 10 : i32
        %add3A_1503 = arith.addi %add3A_809, %add3A_1502 : i32
        %dma_start3A_1504 = arith.constant 4 : i32
        %dma_start3A_1505 = arith.constant 0 : i32
        %dma_start3A_1506 = tpu.memref_slice %arg7[%dma_start3A_1504, %dma_start3A_1505] : memref<10x128xi32, #tpu.memory_space<vmem>> -> memref<1x128xi32, #tpu.memory_space<vmem>>
        %dma_start3A_1507 = tpu.memref_squeeze %dma_start3A_1506 : memref<1x128xi32, #tpu.memory_space<vmem>> -> memref<128xi32, #tpu.memory_space<vmem>>
        %dma_start3A_1508 = arith.constant 0 : i32
        %dma_start3A_1509 = tpu.memref_slice %arg6[%add3A_1503, %dma_start3A_1508] : memref<200x128xi32, #tpu.memory_space<vmem>> -> memref<1x128xi32, #tpu.memory_space<vmem>>
        %dma_start3A_1510 = tpu.memref_squeeze %dma_start3A_1509 : memref<1x128xi32, #tpu.memory_space<vmem>> -> memref<128xi32, #tpu.memory_space<vmem>>
        %dma_start3A_1511 = arith.constant 0 : i32
        %dma_start3A_1512 = tpu.memref_slice %arg10[%dma_start3A_1511] : memref<1000000xi32, #tpu.memory_space<vmem_shared>> -> memref<1000000xi32, #tpu.memory_space<vmem_shared>>
        tpu.enqueue_indirect_dma source(%dma_start3A_1512 : memref<1000000xi32, #tpu.memory_space<vmem_shared>>) target(%dma_start3A_1507 : memref<128xi32, #tpu.memory_space<vmem>>) offsets(%dma_start3A_1510 : memref<128xi32, #tpu.memory_space<vmem>>) semaphore(%arg15 : memref<!tpu.dma_semaphore, #tpu.memory_space<semaphore_mem>>)
      } else {
      }
      %add3A_906 = arith.addf %add3A_790, %bitcast_convert_type3A_826 : vector<16xf32>
      %add3A_907 = arith.addf %add3A_791, %bitcast_convert_type3A_828 : vector<16xf32>
      %add3A_908 = arith.addf %add3A_792, %bitcast_convert_type3A_836 : vector<16xf32>
      %add3A_909 = arith.addf %add3A_793, %bitcast_convert_type3A_838 : vector<16xf32>
      %add3A_910 = arith.addf %add3A_794, %bitcast_convert_type3A_846 : vector<16xf32>
      %add3A_911 = arith.addf %add3A_795, %bitcast_convert_type3A_848 : vector<16xf32>
      %add3A_912 = arith.addf %add3A_796, %bitcast_convert_type3A_856 : vector<16xf32>
      %add3A_913 = arith.addf %add3A_797, %bitcast_convert_type3A_858 : vector<16xf32>
      %add3A_914 = arith.addf %add3A_798, %bitcast_convert_type3A_866 : vector<16xf32>
      %add3A_915 = arith.addf %add3A_799, %bitcast_convert_type3A_868 : vector<16xf32>
      %add3A_916 = arith.addf %add3A_800, %bitcast_convert_type3A_876 : vector<16xf32>
      %add3A_917 = arith.addf %add3A_801, %bitcast_convert_type3A_878 : vector<16xf32>
      %add3A_918 = arith.addf %add3A_802, %bitcast_convert_type3A_886 : vector<16xf32>
      %add3A_919 = arith.addf %add3A_803, %bitcast_convert_type3A_888 : vector<16xf32>
      %add3A_920 = arith.addf %add3A_804, %bitcast_convert_type3A_896 : vector<16xf32>
      %add3A_921 = arith.addf %add3A_805, %bitcast_convert_type3A_898 : vector<16xf32>
      %mul3A_922 = arith.constant 10 : i32
      %mul3A_923 = arith.muli %scan3A_330, %mul3A_922 : i32
      %add3A_924 = arith.constant 5 : i32
      %add3A_925 = arith.addi %mul3A_923, %add3A_924 : i32
      %dma_wait3A_926 = arith.constant 5 : i32
      %dma_wait3A_927 = arith.constant 0 : i32
      %dma_wait3A_928 = tpu.memref_slice %arg7[%dma_wait3A_926, %dma_wait3A_927] : memref<10x128xi32, #tpu.memory_space<vmem>> -> memref<1x128xi32, #tpu.memory_space<vmem>>
      %dma_wait3A_929 = tpu.memref_squeeze %dma_wait3A_928 : memref<1x128xi32, #tpu.memory_space<vmem>> -> memref<128xi32, #tpu.memory_space<vmem>>
      %dma_wait3A_930 = arith.constant 0 : i32
      %dma_wait3A_931 = tpu.memref_slice %arg6[%add3A_925, %dma_wait3A_930] : memref<200x128xi32, #tpu.memory_space<vmem>> -> memref<1x128xi32, #tpu.memory_space<vmem>>
      %dma_wait3A_932 = tpu.memref_squeeze %dma_wait3A_931 : memref<1x128xi32, #tpu.memory_space<vmem>> -> memref<128xi32, #tpu.memory_space<vmem>>
      %dma_wait3A_933 = arith.constant 0 : i32
      %dma_wait3A_934 = tpu.memref_slice %arg10[%dma_wait3A_933] : memref<1000000xi32, #tpu.memory_space<vmem_shared>> -> memref<1000000xi32, #tpu.memory_space<vmem_shared>>
      tpu.wait_indirect_dma semaphore(%arg16 : memref<!tpu.dma_semaphore, #tpu.memory_space<semaphore_mem>>) src(%dma_wait3A_934 : memref<1000000xi32, #tpu.memory_space<vmem_shared>>) dst(%dma_wait3A_929 : memref<128xi32, #tpu.memory_space<vmem>>)
      %get3A_935 = arith.constant 5 : i32
      %get3A_936 = arith.index_cast %get3A_935 : i32 to index
      %get3A_937 = arith.constant 0 : index
      %get3A_938 = tpu.vector_load %arg7[%get3A_936, %get3A_937] {strides = array<i32>} : memref<10x128xi32, #tpu.memory_space<vmem>>, vector<16xi32>,
      %shift_left3A_939 = arith.constant 16 : i32
      %shift_left3A_940 = vector.broadcast %shift_left3A_939 : i32 to vector<16xi32>
      %shift_left3A_941 = arith.shli %get3A_938, %shift_left3A_940 : vector<16xi32>
      %bitcast_convert_type3A_942 = tpu.bitcast %shift_left3A_941 : vector<16xi32> -> vector<16xf32>
      %and3A_943 = arith.andi %get3A_938, %broadcast_in_dim3A_181 : vector<16xi32>
      %bitcast_convert_type3A_944 = tpu.bitcast %and3A_943 : vector<16xi32> -> vector<16xf32>
      %get3A_945 = arith.constant 5 : i32
      %get3A_946 = arith.index_cast %get3A_945 : i32 to index
      %get3A_947 = arith.constant 16 : index
      %get3A_948 = tpu.vector_load %arg7[%get3A_946, %get3A_947] {strides = array<i32>} : memref<10x128xi32, #tpu.memory_space<vmem>>, vector<16xi32>,
      %shift_left3A_949 = arith.constant 16 : i32
      %shift_left3A_950 = vector.broadcast %shift_left3A_949 : i32 to vector<16xi32>
      %shift_left3A_951 = arith.shli %get3A_948, %shift_left3A_950 : vector<16xi32>
      %bitcast_convert_type3A_952 = tpu.bitcast %shift_left3A_951 : vector<16xi32> -> vector<16xf32>
      %and3A_953 = arith.andi %get3A_948, %broadcast_in_dim3A_181 : vector<16xi32>
      %bitcast_convert_type3A_954 = tpu.bitcast %and3A_953 : vector<16xi32> -> vector<16xf32>
      %get3A_955 = arith.constant 5 : i32
      %get3A_956 = arith.index_cast %get3A_955 : i32 to index
      %get3A_957 = arith.constant 32 : index
      %get3A_958 = tpu.vector_load %arg7[%get3A_956, %get3A_957] {strides = array<i32>} : memref<10x128xi32, #tpu.memory_space<vmem>>, vector<16xi32>,
      %shift_left3A_959 = arith.constant 16 : i32
      %shift_left3A_960 = vector.broadcast %shift_left3A_959 : i32 to vector<16xi32>
      %shift_left3A_961 = arith.shli %get3A_958, %shift_left3A_960 : vector<16xi32>
      %bitcast_convert_type3A_962 = tpu.bitcast %shift_left3A_961 : vector<16xi32> -> vector<16xf32>
      %and3A_963 = arith.andi %get3A_958, %broadcast_in_dim3A_181 : vector<16xi32>
      %bitcast_convert_type3A_964 = tpu.bitcast %and3A_963 : vector<16xi32> -> vector<16xf32>
      %get3A_965 = arith.constant 5 : i32
      %get3A_966 = arith.index_cast %get3A_965 : i32 to index
      %get3A_967 = arith.constant 48 : index
      %get3A_968 = tpu.vector_load %arg7[%get3A_966, %get3A_967] {strides = array<i32>} : memref<10x128xi32, #tpu.memory_space<vmem>>, vector<16xi32>,
      %shift_left3A_969 = arith.constant 16 : i32
      %shift_left3A_970 = vector.broadcast %shift_left3A_969 : i32 to vector<16xi32>
      %shift_left3A_971 = arith.shli %get3A_968, %shift_left3A_970 : vector<16xi32>
      %bitcast_convert_type3A_972 = tpu.bitcast %shift_left3A_971 : vector<16xi32> -> vector<16xf32>
      %and3A_973 = arith.andi %get3A_968, %broadcast_in_dim3A_181 : vector<16xi32>
      %bitcast_convert_type3A_974 = tpu.bitcast %and3A_973 : vector<16xi32> -> vector<16xf32>
      %get3A_975 = arith.constant 5 : i32
      %get3A_976 = arith.index_cast %get3A_975 : i32 to index
      %get3A_977 = arith.constant 64 : index
      %get3A_978 = tpu.vector_load %arg7[%get3A_976, %get3A_977] {strides = array<i32>} : memref<10x128xi32, #tpu.memory_space<vmem>>, vector<16xi32>,
      %shift_left3A_979 = arith.constant 16 : i32
      %shift_left3A_980 = vector.broadcast %shift_left3A_979 : i32 to vector<16xi32>
      %shift_left3A_981 = arith.shli %get3A_978, %shift_left3A_980 : vector<16xi32>
      %bitcast_convert_type3A_982 = tpu.bitcast %shift_left3A_981 : vector<16xi32> -> vector<16xf32>
      %and3A_983 = arith.andi %get3A_978, %broadcast_in_dim3A_181 : vector<16xi32>
      %bitcast_convert_type3A_984 = tpu.bitcast %and3A_983 : vector<16xi32> -> vector<16xf32>
      %get3A_985 = arith.constant 5 : i32
      %get3A_986 = arith.index_cast %get3A_985 : i32 to index
      %get3A_987 = arith.constant 80 : index
      %get3A_988 = tpu.vector_load %arg7[%get3A_986, %get3A_987] {strides = array<i32>} : memref<10x128xi32, #tpu.memory_space<vmem>>, vector<16xi32>,
      %shift_left3A_989 = arith.constant 16 : i32
      %shift_left3A_990 = vector.broadcast %shift_left3A_989 : i32 to vector<16xi32>
      %shift_left3A_991 = arith.shli %get3A_988, %shift_left3A_990 : vector<16xi32>
      %bitcast_convert_type3A_992 = tpu.bitcast %shift_left3A_991 : vector<16xi32> -> vector<16xf32>
      %and3A_993 = arith.andi %get3A_988, %broadcast_in_dim3A_181 : vector<16xi32>
      %bitcast_convert_type3A_994 = tpu.bitcast %and3A_993 : vector<16xi32> -> vector<16xf32>
      %get3A_995 = arith.constant 5 : i32
      %get3A_996 = arith.index_cast %get3A_995 : i32 to index
      %get3A_997 = arith.constant 96 : index
      %get3A_998 = tpu.vector_load %arg7[%get3A_996, %get3A_997] {strides = array<i32>} : memref<10x128xi32, #tpu.memory_space<vmem>>, vector<16xi32>,
      %shift_left3A_999 = arith.constant 16 : i32
      %shift_left3A_1000 = vector.broadcast %shift_left3A_999 : i32 to vector<16xi32>
      %shift_left3A_1001 = arith.shli %get3A_998, %shift_left3A_1000 : vector<16xi32>
      %bitcast_convert_type3A_1002 = tpu.bitcast %shift_left3A_1001 : vector<16xi32> -> vector<16xf32>
      %and3A_1003 = arith.andi %get3A_998, %broadcast_in_dim3A_181 : vector<16xi32>
      %bitcast_convert_type3A_1004 = tpu.bitcast %and3A_1003 : vector<16xi32> -> vector<16xf32>
      %get3A_1005 = arith.constant 5 : i32
      %get3A_1006 = arith.index_cast %get3A_1005 : i32 to index
      %get3A_1007 = arith.constant 112 : index
      %get3A_1008 = tpu.vector_load %arg7[%get3A_1006, %get3A_1007] {strides = array<i32>} : memref<10x128xi32, #tpu.memory_space<vmem>>, vector<16xi32>,
      %shift_left3A_1009 = arith.constant 16 : i32
      %shift_left3A_1010 = vector.broadcast %shift_left3A_1009 : i32 to vector<16xi32>
      %shift_left3A_1011 = arith.shli %get3A_1008, %shift_left3A_1010 : vector<16xi32>
      %bitcast_convert_type3A_1012 = tpu.bitcast %shift_left3A_1011 : vector<16xi32> -> vector<16xf32>
      %and3A_1013 = arith.andi %get3A_1008, %broadcast_in_dim3A_181 : vector<16xi32>
      %bitcast_convert_type3A_1014 = tpu.bitcast %and3A_1013 : vector<16xi32> -> vector<16xf32>
      %add3A_1015 = arith.constant 10 : i32
      %add3A_1016 = arith.addi %add3A_925, %add3A_1015 : i32
      %lt3A_1017 = arith.constant 200 : i32
      %lt3A_1018 = arith.cmpi slt, %add3A_1016, %lt3A_1017 : i32
      %convert_element_type3A_1019 = arith.extui %lt3A_1018 : i1 to i32
      %cond3A_1020 = arith.constant 0 : i32
      %cond3A_1021 = arith.cmpi ne, %convert_element_type3A_1019, %cond3A_1020 : i32
      scf.if %cond3A_1021 {
        %add3A_1502 = arith.constant 10 : i32
        %add3A_1503 = arith.addi %add3A_925, %add3A_1502 : i32
        %dma_start3A_1504 = arith.constant 5 : i32
        %dma_start3A_1505 = arith.constant 0 : i32
        %dma_start3A_1506 = tpu.memref_slice %arg7[%dma_start3A_1504, %dma_start3A_1505] : memref<10x128xi32, #tpu.memory_space<vmem>> -> memref<1x128xi32, #tpu.memory_space<vmem>>
        %dma_start3A_1507 = tpu.memref_squeeze %dma_start3A_1506 : memref<1x128xi32, #tpu.memory_space<vmem>> -> memref<128xi32, #tpu.memory_space<vmem>>
        %dma_start3A_1508 = arith.constant 0 : i32
        %dma_start3A_1509 = tpu.memref_slice %arg6[%add3A_1503, %dma_start3A_1508] : memref<200x128xi32, #tpu.memory_space<vmem>> -> memref<1x128xi32, #tpu.memory_space<vmem>>
        %dma_start3A_1510 = tpu.memref_squeeze %dma_start3A_1509 : memref<1x128xi32, #tpu.memory_space<vmem>> -> memref<128xi32, #tpu.memory_space<vmem>>
        %dma_start3A_1511 = arith.constant 0 : i32
        %dma_start3A_1512 = tpu.memref_slice %arg10[%dma_start3A_1511] : memref<1000000xi32, #tpu.memory_space<vmem_shared>> -> memref<1000000xi32, #tpu.memory_space<vmem_shared>>
        tpu.enqueue_indirect_dma source(%dma_start3A_1512 : memref<1000000xi32, #tpu.memory_space<vmem_shared>>) target(%dma_start3A_1507 : memref<128xi32, #tpu.memory_space<vmem>>) offsets(%dma_start3A_1510 : memref<128xi32, #tpu.memory_space<vmem>>) semaphore(%arg16 : memref<!tpu.dma_semaphore, #tpu.memory_space<semaphore_mem>>)
      } else {
      }
      %add3A_1022 = arith.addf %add3A_906, %bitcast_convert_type3A_942 : vector<16xf32>
      %add3A_1023 = arith.addf %add3A_907, %bitcast_convert_type3A_944 : vector<16xf32>
      %add3A_1024 = arith.addf %add3A_908, %bitcast_convert_type3A_952 : vector<16xf32>
      %add3A_1025 = arith.addf %add3A_909, %bitcast_convert_type3A_954 : vector<16xf32>
      %add3A_1026 = arith.addf %add3A_910, %bitcast_convert_type3A_962 : vector<16xf32>
      %add3A_1027 = arith.addf %add3A_911, %bitcast_convert_type3A_964 : vector<16xf32>
      %add3A_1028 = arith.addf %add3A_912, %bitcast_convert_type3A_972 : vector<16xf32>
      %add3A_1029 = arith.addf %add3A_913, %bitcast_convert_type3A_974 : vector<16xf32>
      %add3A_1030 = arith.addf %add3A_914, %bitcast_convert_type3A_982 : vector<16xf32>
      %add3A_1031 = arith.addf %add3A_915, %bitcast_convert_type3A_984 : vector<16xf32>
      %add3A_1032 = arith.addf %add3A_916, %bitcast_convert_type3A_992 : vector<16xf32>
      %add3A_1033 = arith.addf %add3A_917, %bitcast_convert_type3A_994 : vector<16xf32>
      %add3A_1034 = arith.addf %add3A_918, %bitcast_convert_type3A_1002 : vector<16xf32>
      %add3A_1035 = arith.addf %add3A_919, %bitcast_convert_type3A_1004 : vector<16xf32>
      %add3A_1036 = arith.addf %add3A_920, %bitcast_convert_type3A_1012 : vector<16xf32>
      %add3A_1037 = arith.addf %add3A_921, %bitcast_convert_type3A_1014 : vector<16xf32>
      %mul3A_1038 = arith.constant 10 : i32
      %mul3A_1039 = arith.muli %scan3A_330, %mul3A_1038 : i32
      %add3A_1040 = arith.constant 6 : i32
      %add3A_1041 = arith.addi %mul3A_1039, %add3A_1040 : i32
      %dma_wait3A_1042 = arith.constant 6 : i32
      %dma_wait3A_1043 = arith.constant 0 : i32
      %dma_wait3A_1044 = tpu.memref_slice %arg7[%dma_wait3A_1042, %dma_wait3A_1043] : memref<10x128xi32, #tpu.memory_space<vmem>> -> memref<1x128xi32, #tpu.memory_space<vmem>>
      %dma_wait3A_1045 = tpu.memref_squeeze %dma_wait3A_1044 : memref<1x128xi32, #tpu.memory_space<vmem>> -> memref<128xi32, #tpu.memory_space<vmem>>
      %dma_wait3A_1046 = arith.constant 0 : i32
      %dma_wait3A_1047 = tpu.memref_slice %arg6[%add3A_1041, %dma_wait3A_1046] : memref<200x128xi32, #tpu.memory_space<vmem>> -> memref<1x128xi32, #tpu.memory_space<vmem>>
      %dma_wait3A_1048 = tpu.memref_squeeze %dma_wait3A_1047 : memref<1x128xi32, #tpu.memory_space<vmem>> -> memref<128xi32, #tpu.memory_space<vmem>>
      %dma_wait3A_1049 = arith.constant 0 : i32
      %dma_wait3A_1050 = tpu.memref_slice %arg10[%dma_wait3A_1049] : memref<1000000xi32, #tpu.memory_space<vmem_shared>> -> memref<1000000xi32, #tpu.memory_space<vmem_shared>>
      tpu.wait_indirect_dma semaphore(%arg17 : memref<!tpu.dma_semaphore, #tpu.memory_space<semaphore_mem>>) src(%dma_wait3A_1050 : memref<1000000xi32, #tpu.memory_space<vmem_shared>>) dst(%dma_wait3A_1045 : memref<128xi32, #tpu.memory_space<vmem>>)
      %get3A_1051 = arith.constant 6 : i32
      %get3A_1052 = arith.index_cast %get3A_1051 : i32 to index
      %get3A_1053 = arith.constant 0 : index
      %get3A_1054 = tpu.vector_load %arg7[%get3A_1052, %get3A_1053] {strides = array<i32>} : memref<10x128xi32, #tpu.memory_space<vmem>>, vector<16xi32>,
      %shift_left3A_1055 = arith.constant 16 : i32
      %shift_left3A_1056 = vector.broadcast %shift_left3A_1055 : i32 to vector<16xi32>
      %shift_left3A_1057 = arith.shli %get3A_1054, %shift_left3A_1056 : vector<16xi32>
      %bitcast_convert_type3A_1058 = tpu.bitcast %shift_left3A_1057 : vector<16xi32> -> vector<16xf32>
      %and3A_1059 = arith.andi %get3A_1054, %broadcast_in_dim3A_181 : vector<16xi32>
      %bitcast_convert_type3A_1060 = tpu.bitcast %and3A_1059 : vector<16xi32> -> vector<16xf32>
      %get3A_1061 = arith.constant 6 : i32
      %get3A_1062 = arith.index_cast %get3A_1061 : i32 to index
      %get3A_1063 = arith.constant 16 : index
      %get3A_1064 = tpu.vector_load %arg7[%get3A_1062, %get3A_1063] {strides = array<i32>} : memref<10x128xi32, #tpu.memory_space<vmem>>, vector<16xi32>,
      %shift_left3A_1065 = arith.constant 16 : i32
      %shift_left3A_1066 = vector.broadcast %shift_left3A_1065 : i32 to vector<16xi32>
      %shift_left3A_1067 = arith.shli %get3A_1064, %shift_left3A_1066 : vector<16xi32>
      %bitcast_convert_type3A_1068 = tpu.bitcast %shift_left3A_1067 : vector<16xi32> -> vector<16xf32>
      %and3A_1069 = arith.andi %get3A_1064, %broadcast_in_dim3A_181 : vector<16xi32>
      %bitcast_convert_type3A_1070 = tpu.bitcast %and3A_1069 : vector<16xi32> -> vector<16xf32>
      %get3A_1071 = arith.constant 6 : i32
      %get3A_1072 = arith.index_cast %get3A_1071 : i32 to index
      %get3A_1073 = arith.constant 32 : index
      %get3A_1074 = tpu.vector_load %arg7[%get3A_1072, %get3A_1073] {strides = array<i32>} : memref<10x128xi32, #tpu.memory_space<vmem>>, vector<16xi32>,
      %shift_left3A_1075 = arith.constant 16 : i32
      %shift_left3A_1076 = vector.broadcast %shift_left3A_1075 : i32 to vector<16xi32>
      %shift_left3A_1077 = arith.shli %get3A_1074, %shift_left3A_1076 : vector<16xi32>
      %bitcast_convert_type3A_1078 = tpu.bitcast %shift_left3A_1077 : vector<16xi32> -> vector<16xf32>
      %and3A_1079 = arith.andi %get3A_1074, %broadcast_in_dim3A_181 : vector<16xi32>
      %bitcast_convert_type3A_1080 = tpu.bitcast %and3A_1079 : vector<16xi32> -> vector<16xf32>
      %get3A_1081 = arith.constant 6 : i32
      %get3A_1082 = arith.index_cast %get3A_1081 : i32 to index
      %get3A_1083 = arith.constant 48 : index
      %get3A_1084 = tpu.vector_load %arg7[%get3A_1082, %get3A_1083] {strides = array<i32>} : memref<10x128xi32, #tpu.memory_space<vmem>>, vector<16xi32>,
      %shift_left3A_1085 = arith.constant 16 : i32
      %shift_left3A_1086 = vector.broadcast %shift_left3A_1085 : i32 to vector<16xi32>
      %shift_left3A_1087 = arith.shli %get3A_1084, %shift_left3A_1086 : vector<16xi32>
      %bitcast_convert_type3A_1088 = tpu.bitcast %shift_left3A_1087 : vector<16xi32> -> vector<16xf32>
      %and3A_1089 = arith.andi %get3A_1084, %broadcast_in_dim3A_181 : vector<16xi32>
      %bitcast_convert_type3A_1090 = tpu.bitcast %and3A_1089 : vector<16xi32> -> vector<16xf32>
      %get3A_1091 = arith.constant 6 : i32
      %get3A_1092 = arith.index_cast %get3A_1091 : i32 to index
      %get3A_1093 = arith.constant 64 : index
      %get3A_1094 = tpu.vector_load %arg7[%get3A_1092, %get3A_1093] {strides = array<i32>} : memref<10x128xi32, #tpu.memory_space<vmem>>, vector<16xi32>,
      %shift_left3A_1095 = arith.constant 16 : i32
      %shift_left3A_1096 = vector.broadcast %shift_left3A_1095 : i32 to vector<16xi32>
      %shift_left3A_1097 = arith.shli %get3A_1094, %shift_left3A_1096 : vector<16xi32>
      %bitcast_convert_type3A_1098 = tpu.bitcast %shift_left3A_1097 : vector<16xi32> -> vector<16xf32>
      %and3A_1099 = arith.andi %get3A_1094, %broadcast_in_dim3A_181 : vector<16xi32>
      %bitcast_convert_type3A_1100 = tpu.bitcast %and3A_1099 : vector<16xi32> -> vector<16xf32>
      %get3A_1101 = arith.constant 6 : i32
      %get3A_1102 = arith.index_cast %get3A_1101 : i32 to index
      %get3A_1103 = arith.constant 80 : index
      %get3A_1104 = tpu.vector_load %arg7[%get3A_1102, %get3A_1103] {strides = array<i32>} : memref<10x128xi32, #tpu.memory_space<vmem>>, vector<16xi32>,
      %shift_left3A_1105 = arith.constant 16 : i32
      %shift_left3A_1106 = vector.broadcast %shift_left3A_1105 : i32 to vector<16xi32>
      %shift_left3A_1107 = arith.shli %get3A_1104, %shift_left3A_1106 : vector<16xi32>
      %bitcast_convert_type3A_1108 = tpu.bitcast %shift_left3A_1107 : vector<16xi32> -> vector<16xf32>
      %and3A_1109 = arith.andi %get3A_1104, %broadcast_in_dim3A_181 : vector<16xi32>
      %bitcast_convert_type3A_1110 = tpu.bitcast %and3A_1109 : vector<16xi32> -> vector<16xf32>
      %get3A_1111 = arith.constant 6 : i32
      %get3A_1112 = arith.index_cast %get3A_1111 : i32 to index
      %get3A_1113 = arith.constant 96 : index
      %get3A_1114 = tpu.vector_load %arg7[%get3A_1112, %get3A_1113] {strides = array<i32>} : memref<10x128xi32, #tpu.memory_space<vmem>>, vector<16xi32>,
      %shift_left3A_1115 = arith.constant 16 : i32
      %shift_left3A_1116 = vector.broadcast %shift_left3A_1115 : i32 to vector<16xi32>
      %shift_left3A_1117 = arith.shli %get3A_1114, %shift_left3A_1116 : vector<16xi32>
      %bitcast_convert_type3A_1118 = tpu.bitcast %shift_left3A_1117 : vector<16xi32> -> vector<16xf32>
      %and3A_1119 = arith.andi %get3A_1114, %broadcast_in_dim3A_181 : vector<16xi32>
      %bitcast_convert_type3A_1120 = tpu.bitcast %and3A_1119 : vector<16xi32> -> vector<16xf32>
      %get3A_1121 = arith.constant 6 : i32
      %get3A_1122 = arith.index_cast %get3A_1121 : i32 to index
      %get3A_1123 = arith.constant 112 : index
      %get3A_1124 = tpu.vector_load %arg7[%get3A_1122, %get3A_1123] {strides = array<i32>} : memref<10x128xi32, #tpu.memory_space<vmem>>, vector<16xi32>,
      %shift_left3A_1125 = arith.constant 16 : i32
      %shift_left3A_1126 = vector.broadcast %shift_left3A_1125 : i32 to vector<16xi32>
      %shift_left3A_1127 = arith.shli %get3A_1124, %shift_left3A_1126 : vector<16xi32>
      %bitcast_convert_type3A_1128 = tpu.bitcast %shift_left3A_1127 : vector<16xi32> -> vector<16xf32>
      %and3A_1129 = arith.andi %get3A_1124, %broadcast_in_dim3A_181 : vector<16xi32>
      %bitcast_convert_type3A_1130 = tpu.bitcast %and3A_1129 : vector<16xi32> -> vector<16xf32>
      %add3A_1131 = arith.constant 10 : i32
      %add3A_1132 = arith.addi %add3A_1041, %add3A_1131 : i32
      %lt3A_1133 = arith.constant 200 : i32
      %lt3A_1134 = arith.cmpi slt, %add3A_1132, %lt3A_1133 : i32
      %convert_element_type3A_1135 = arith.extui %lt3A_1134 : i1 to i32
      %cond3A_1136 = arith.constant 0 : i32
      %cond3A_1137 = arith.cmpi ne, %convert_element_type3A_1135, %cond3A_1136 : i32
      scf.if %cond3A_1137 {
        %add3A_1502 = arith.constant 10 : i32
        %add3A_1503 = arith.addi %add3A_1041, %add3A_1502 : i32
        %dma_start3A_1504 = arith.constant 6 : i32
        %dma_start3A_1505 = arith.constant 0 : i32
        %dma_start3A_1506 = tpu.memref_slice %arg7[%dma_start3A_1504, %dma_start3A_1505] : memref<10x128xi32, #tpu.memory_space<vmem>> -> memref<1x128xi32, #tpu.memory_space<vmem>>
        %dma_start3A_1507 = tpu.memref_squeeze %dma_start3A_1506 : memref<1x128xi32, #tpu.memory_space<vmem>> -> memref<128xi32, #tpu.memory_space<vmem>>
        %dma_start3A_1508 = arith.constant 0 : i32
        %dma_start3A_1509 = tpu.memref_slice %arg6[%add3A_1503, %dma_start3A_1508] : memref<200x128xi32, #tpu.memory_space<vmem>> -> memref<1x128xi32, #tpu.memory_space<vmem>>
        %dma_start3A_1510 = tpu.memref_squeeze %dma_start3A_1509 : memref<1x128xi32, #tpu.memory_space<vmem>> -> memref<128xi32, #tpu.memory_space<vmem>>
        %dma_start3A_1511 = arith.constant 0 : i32
        %dma_start3A_1512 = tpu.memref_slice %arg10[%dma_start3A_1511] : memref<1000000xi32, #tpu.memory_space<vmem_shared>> -> memref<1000000xi32, #tpu.memory_space<vmem_shared>>
        tpu.enqueue_indirect_dma source(%dma_start3A_1512 : memref<1000000xi32, #tpu.memory_space<vmem_shared>>) target(%dma_start3A_1507 : memref<128xi32, #tpu.memory_space<vmem>>) offsets(%dma_start3A_1510 : memref<128xi32, #tpu.memory_space<vmem>>) semaphore(%arg17 : memref<!tpu.dma_semaphore, #tpu.memory_space<semaphore_mem>>)
      } else {
      }
      %add3A_1138 = arith.addf %add3A_1022, %bitcast_convert_type3A_1058 : vector<16xf32>
      %add3A_1139 = arith.addf %add3A_1023, %bitcast_convert_type3A_1060 : vector<16xf32>
      %add3A_1140 = arith.addf %add3A_1024, %bitcast_convert_type3A_1068 : vector<16xf32>
      %add3A_1141 = arith.addf %add3A_1025, %bitcast_convert_type3A_1070 : vector<16xf32>
      %add3A_1142 = arith.addf %add3A_1026, %bitcast_convert_type3A_1078 : vector<16xf32>
      %add3A_1143 = arith.addf %add3A_1027, %bitcast_convert_type3A_1080 : vector<16xf32>
      %add3A_1144 = arith.addf %add3A_1028, %bitcast_convert_type3A_1088 : vector<16xf32>
      %add3A_1145 = arith.addf %add3A_1029, %bitcast_convert_type3A_1090 : vector<16xf32>
      %add3A_1146 = arith.addf %add3A_1030, %bitcast_convert_type3A_1098 : vector<16xf32>
      %add3A_1147 = arith.addf %add3A_1031, %bitcast_convert_type3A_1100 : vector<16xf32>
      %add3A_1148 = arith.addf %add3A_1032, %bitcast_convert_type3A_1108 : vector<16xf32>
      %add3A_1149 = arith.addf %add3A_1033, %bitcast_convert_type3A_1110 : vector<16xf32>
      %add3A_1150 = arith.addf %add3A_1034, %bitcast_convert_type3A_1118 : vector<16xf32>
      %add3A_1151 = arith.addf %add3A_1035, %bitcast_convert_type3A_1120 : vector<16xf32>
      %add3A_1152 = arith.addf %add3A_1036, %bitcast_convert_type3A_1128 : vector<16xf32>
      %add3A_1153 = arith.addf %add3A_1037, %bitcast_convert_type3A_1130 : vector<16xf32>
      %mul3A_1154 = arith.constant 10 : i32
      %mul3A_1155 = arith.muli %scan3A_330, %mul3A_1154 : i32
      %add3A_1156 = arith.constant 7 : i32
      %add3A_1157 = arith.addi %mul3A_1155, %add3A_1156 : i32
      %dma_wait3A_1158 = arith.constant 7 : i32
      %dma_wait3A_1159 = arith.constant 0 : i32
      %dma_wait3A_1160 = tpu.memref_slice %arg7[%dma_wait3A_1158, %dma_wait3A_1159] : memref<10x128xi32, #tpu.memory_space<vmem>> -> memref<1x128xi32, #tpu.memory_space<vmem>>
      %dma_wait3A_1161 = tpu.memref_squeeze %dma_wait3A_1160 : memref<1x128xi32, #tpu.memory_space<vmem>> -> memref<128xi32, #tpu.memory_space<vmem>>
      %dma_wait3A_1162 = arith.constant 0 : i32
      %dma_wait3A_1163 = tpu.memref_slice %arg6[%add3A_1157, %dma_wait3A_1162] : memref<200x128xi32, #tpu.memory_space<vmem>> -> memref<1x128xi32, #tpu.memory_space<vmem>>
      %dma_wait3A_1164 = tpu.memref_squeeze %dma_wait3A_1163 : memref<1x128xi32, #tpu.memory_space<vmem>> -> memref<128xi32, #tpu.memory_space<vmem>>
      %dma_wait3A_1165 = arith.constant 0 : i32
      %dma_wait3A_1166 = tpu.memref_slice %arg10[%dma_wait3A_1165] : memref<1000000xi32, #tpu.memory_space<vmem_shared>> -> memref<1000000xi32, #tpu.memory_space<vmem_shared>>
      tpu.wait_indirect_dma semaphore(%arg18 : memref<!tpu.dma_semaphore, #tpu.memory_space<semaphore_mem>>) src(%dma_wait3A_1166 : memref<1000000xi32, #tpu.memory_space<vmem_shared>>) dst(%dma_wait3A_1161 : memref<128xi32, #tpu.memory_space<vmem>>)
      %get3A_1167 = arith.constant 7 : i32
      %get3A_1168 = arith.index_cast %get3A_1167 : i32 to index
      %get3A_1169 = arith.constant 0 : index
      %get3A_1170 = tpu.vector_load %arg7[%get3A_1168, %get3A_1169] {strides = array<i32>} : memref<10x128xi32, #tpu.memory_space<vmem>>, vector<16xi32>,
      %shift_left3A_1171 = arith.constant 16 : i32
      %shift_left3A_1172 = vector.broadcast %shift_left3A_1171 : i32 to vector<16xi32>
      %shift_left3A_1173 = arith.shli %get3A_1170, %shift_left3A_1172 : vector<16xi32>
      %bitcast_convert_type3A_1174 = tpu.bitcast %shift_left3A_1173 : vector<16xi32> -> vector<16xf32>
      %and3A_1175 = arith.andi %get3A_1170, %broadcast_in_dim3A_181 : vector<16xi32>
      %bitcast_convert_type3A_1176 = tpu.bitcast %and3A_1175 : vector<16xi32> -> vector<16xf32>
      %get3A_1177 = arith.constant 7 : i32
      %get3A_1178 = arith.index_cast %get3A_1177 : i32 to index
      %get3A_1179 = arith.constant 16 : index
      %get3A_1180 = tpu.vector_load %arg7[%get3A_1178, %get3A_1179] {strides = array<i32>} : memref<10x128xi32, #tpu.memory_space<vmem>>, vector<16xi32>,
      %shift_left3A_1181 = arith.constant 16 : i32
      %shift_left3A_1182 = vector.broadcast %shift_left3A_1181 : i32 to vector<16xi32>
      %shift_left3A_1183 = arith.shli %get3A_1180, %shift_left3A_1182 : vector<16xi32>
      %bitcast_convert_type3A_1184 = tpu.bitcast %shift_left3A_1183 : vector<16xi32> -> vector<16xf32>
      %and3A_1185 = arith.andi %get3A_1180, %broadcast_in_dim3A_181 : vector<16xi32>
      %bitcast_convert_type3A_1186 = tpu.bitcast %and3A_1185 : vector<16xi32> -> vector<16xf32>
      %get3A_1187 = arith.constant 7 : i32
      %get3A_1188 = arith.index_cast %get3A_1187 : i32 to index
      %get3A_1189 = arith.constant 32 : index
      %get3A_1190 = tpu.vector_load %arg7[%get3A_1188, %get3A_1189] {strides = array<i32>} : memref<10x128xi32, #tpu.memory_space<vmem>>, vector<16xi32>,
      %shift_left3A_1191 = arith.constant 16 : i32
      %shift_left3A_1192 = vector.broadcast %shift_left3A_1191 : i32 to vector<16xi32>
      %shift_left3A_1193 = arith.shli %get3A_1190, %shift_left3A_1192 : vector<16xi32>
      %bitcast_convert_type3A_1194 = tpu.bitcast %shift_left3A_1193 : vector<16xi32> -> vector<16xf32>
      %and3A_1195 = arith.andi %get3A_1190, %broadcast_in_dim3A_181 : vector<16xi32>
      %bitcast_convert_type3A_1196 = tpu.bitcast %and3A_1195 : vector<16xi32> -> vector<16xf32>
      %get3A_1197 = arith.constant 7 : i32
      %get3A_1198 = arith.index_cast %get3A_1197 : i32 to index
      %get3A_1199 = arith.constant 48 : index
      %get3A_1200 = tpu.vector_load %arg7[%get3A_1198, %get3A_1199] {strides = array<i32>} : memref<10x128xi32, #tpu.memory_space<vmem>>, vector<16xi32>,
      %shift_left3A_1201 = arith.constant 16 : i32
      %shift_left3A_1202 = vector.broadcast %shift_left3A_1201 : i32 to vector<16xi32>
      %shift_left3A_1203 = arith.shli %get3A_1200, %shift_left3A_1202 : vector<16xi32>
      %bitcast_convert_type3A_1204 = tpu.bitcast %shift_left3A_1203 : vector<16xi32> -> vector<16xf32>
      %and3A_1205 = arith.andi %get3A_1200, %broadcast_in_dim3A_181 : vector<16xi32>
      %bitcast_convert_type3A_1206 = tpu.bitcast %and3A_1205 : vector<16xi32> -> vector<16xf32>
      %get3A_1207 = arith.constant 7 : i32
      %get3A_1208 = arith.index_cast %get3A_1207 : i32 to index
      %get3A_1209 = arith.constant 64 : index
      %get3A_1210 = tpu.vector_load %arg7[%get3A_1208, %get3A_1209] {strides = array<i32>} : memref<10x128xi32, #tpu.memory_space<vmem>>, vector<16xi32>,
      %shift_left3A_1211 = arith.constant 16 : i32
      %shift_left3A_1212 = vector.broadcast %shift_left3A_1211 : i32 to vector<16xi32>
      %shift_left3A_1213 = arith.shli %get3A_1210, %shift_left3A_1212 : vector<16xi32>
      %bitcast_convert_type3A_1214 = tpu.bitcast %shift_left3A_1213 : vector<16xi32> -> vector<16xf32>
      %and3A_1215 = arith.andi %get3A_1210, %broadcast_in_dim3A_181 : vector<16xi32>
      %bitcast_convert_type3A_1216 = tpu.bitcast %and3A_1215 : vector<16xi32> -> vector<16xf32>
      %get3A_1217 = arith.constant 7 : i32
      %get3A_1218 = arith.index_cast %get3A_1217 : i32 to index
      %get3A_1219 = arith.constant 80 : index
      %get3A_1220 = tpu.vector_load %arg7[%get3A_1218, %get3A_1219] {strides = array<i32>} : memref<10x128xi32, #tpu.memory_space<vmem>>, vector<16xi32>,
      %shift_left3A_1221 = arith.constant 16 : i32
      %shift_left3A_1222 = vector.broadcast %shift_left3A_1221 : i32 to vector<16xi32>
      %shift_left3A_1223 = arith.shli %get3A_1220, %shift_left3A_1222 : vector<16xi32>
      %bitcast_convert_type3A_1224 = tpu.bitcast %shift_left3A_1223 : vector<16xi32> -> vector<16xf32>
      %and3A_1225 = arith.andi %get3A_1220, %broadcast_in_dim3A_181 : vector<16xi32>
      %bitcast_convert_type3A_1226 = tpu.bitcast %and3A_1225 : vector<16xi32> -> vector<16xf32>
      %get3A_1227 = arith.constant 7 : i32
      %get3A_1228 = arith.index_cast %get3A_1227 : i32 to index
      %get3A_1229 = arith.constant 96 : index
      %get3A_1230 = tpu.vector_load %arg7[%get3A_1228, %get3A_1229] {strides = array<i32>} : memref<10x128xi32, #tpu.memory_space<vmem>>, vector<16xi32>,
      %shift_left3A_1231 = arith.constant 16 : i32
      %shift_left3A_1232 = vector.broadcast %shift_left3A_1231 : i32 to vector<16xi32>
      %shift_left3A_1233 = arith.shli %get3A_1230, %shift_left3A_1232 : vector<16xi32>
      %bitcast_convert_type3A_1234 = tpu.bitcast %shift_left3A_1233 : vector<16xi32> -> vector<16xf32>
      %and3A_1235 = arith.andi %get3A_1230, %broadcast_in_dim3A_181 : vector<16xi32>
      %bitcast_convert_type3A_1236 = tpu.bitcast %and3A_1235 : vector<16xi32> -> vector<16xf32>
      %get3A_1237 = arith.constant 7 : i32
      %get3A_1238 = arith.index_cast %get3A_1237 : i32 to index
      %get3A_1239 = arith.constant 112 : index
      %get3A_1240 = tpu.vector_load %arg7[%get3A_1238, %get3A_1239] {strides = array<i32>} : memref<10x128xi32, #tpu.memory_space<vmem>>, vector<16xi32>,
      %shift_left3A_1241 = arith.constant 16 : i32
      %shift_left3A_1242 = vector.broadcast %shift_left3A_1241 : i32 to vector<16xi32>
      %shift_left3A_1243 = arith.shli %get3A_1240, %shift_left3A_1242 : vector<16xi32>
      %bitcast_convert_type3A_1244 = tpu.bitcast %shift_left3A_1243 : vector<16xi32> -> vector<16xf32>
      %and3A_1245 = arith.andi %get3A_1240, %broadcast_in_dim3A_181 : vector<16xi32>
      %bitcast_convert_type3A_1246 = tpu.bitcast %and3A_1245 : vector<16xi32> -> vector<16xf32>
      %add3A_1247 = arith.constant 10 : i32
      %add3A_1248 = arith.addi %add3A_1157, %add3A_1247 : i32
      %lt3A_1249 = arith.constant 200 : i32
      %lt3A_1250 = arith.cmpi slt, %add3A_1248, %lt3A_1249 : i32
      %convert_element_type3A_1251 = arith.extui %lt3A_1250 : i1 to i32
      %cond3A_1252 = arith.constant 0 : i32
      %cond3A_1253 = arith.cmpi ne, %convert_element_type3A_1251, %cond3A_1252 : i32
      scf.if %cond3A_1253 {
        %add3A_1502 = arith.constant 10 : i32
        %add3A_1503 = arith.addi %add3A_1157, %add3A_1502 : i32
        %dma_start3A_1504 = arith.constant 7 : i32
        %dma_start3A_1505 = arith.constant 0 : i32
        %dma_start3A_1506 = tpu.memref_slice %arg7[%dma_start3A_1504, %dma_start3A_1505] : memref<10x128xi32, #tpu.memory_space<vmem>> -> memref<1x128xi32, #tpu.memory_space<vmem>>
        %dma_start3A_1507 = tpu.memref_squeeze %dma_start3A_1506 : memref<1x128xi32, #tpu.memory_space<vmem>> -> memref<128xi32, #tpu.memory_space<vmem>>
        %dma_start3A_1508 = arith.constant 0 : i32
        %dma_start3A_1509 = tpu.memref_slice %arg6[%add3A_1503, %dma_start3A_1508] : memref<200x128xi32, #tpu.memory_space<vmem>> -> memref<1x128xi32, #tpu.memory_space<vmem>>
        %dma_start3A_1510 = tpu.memref_squeeze %dma_start3A_1509 : memref<1x128xi32, #tpu.memory_space<vmem>> -> memref<128xi32, #tpu.memory_space<vmem>>
        %dma_start3A_1511 = arith.constant 0 : i32
        %dma_start3A_1512 = tpu.memref_slice %arg10[%dma_start3A_1511] : memref<1000000xi32, #tpu.memory_space<vmem_shared>> -> memref<1000000xi32, #tpu.memory_space<vmem_shared>>
        tpu.enqueue_indirect_dma source(%dma_start3A_1512 : memref<1000000xi32, #tpu.memory_space<vmem_shared>>) target(%dma_start3A_1507 : memref<128xi32, #tpu.memory_space<vmem>>) offsets(%dma_start3A_1510 : memref<128xi32, #tpu.memory_space<vmem>>) semaphore(%arg18 : memref<!tpu.dma_semaphore, #tpu.memory_space<semaphore_mem>>)
      } else {
      }
      %add3A_1254 = arith.addf %add3A_1138, %bitcast_convert_type3A_1174 : vector<16xf32>
      %add3A_1255 = arith.addf %add3A_1139, %bitcast_convert_type3A_1176 : vector<16xf32>
      %add3A_1256 = arith.addf %add3A_1140, %bitcast_convert_type3A_1184 : vector<16xf32>
      %add3A_1257 = arith.addf %add3A_1141, %bitcast_convert_type3A_1186 : vector<16xf32>
      %add3A_1258 = arith.addf %add3A_1142, %bitcast_convert_type3A_1194 : vector<16xf32>
      %add3A_1259 = arith.addf %add3A_1143, %bitcast_convert_type3A_1196 : vector<16xf32>
      %add3A_1260 = arith.addf %add3A_1144, %bitcast_convert_type3A_1204 : vector<16xf32>
      %add3A_1261 = arith.addf %add3A_1145, %bitcast_convert_type3A_1206 : vector<16xf32>
      %add3A_1262 = arith.addf %add3A_1146, %bitcast_convert_type3A_1214 : vector<16xf32>
      %add3A_1263 = arith.addf %add3A_1147, %bitcast_convert_type3A_1216 : vector<16xf32>
      %add3A_1264 = arith.addf %add3A_1148, %bitcast_convert_type3A_1224 : vector<16xf32>
      %add3A_1265 = arith.addf %add3A_1149, %bitcast_convert_type3A_1226 : vector<16xf32>
      %add3A_1266 = arith.addf %add3A_1150, %bitcast_convert_type3A_1234 : vector<16xf32>
      %add3A_1267 = arith.addf %add3A_1151, %bitcast_convert_type3A_1236 : vector<16xf32>
      %add3A_1268 = arith.addf %add3A_1152, %bitcast_convert_type3A_1244 : vector<16xf32>
      %add3A_1269 = arith.addf %add3A_1153, %bitcast_convert_type3A_1246 : vector<16xf32>
      %mul3A_1270 = arith.constant 10 : i32
      %mul3A_1271 = arith.muli %scan3A_330, %mul3A_1270 : i32
      %add3A_1272 = arith.constant 8 : i32
      %add3A_1273 = arith.addi %mul3A_1271, %add3A_1272 : i32
      %dma_wait3A_1274 = arith.constant 8 : i32
      %dma_wait3A_1275 = arith.constant 0 : i32
      %dma_wait3A_1276 = tpu.memref_slice %arg7[%dma_wait3A_1274, %dma_wait3A_1275] : memref<10x128xi32, #tpu.memory_space<vmem>> -> memref<1x128xi32, #tpu.memory_space<vmem>>
      %dma_wait3A_1277 = tpu.memref_squeeze %dma_wait3A_1276 : memref<1x128xi32, #tpu.memory_space<vmem>> -> memref<128xi32, #tpu.memory_space<vmem>>
      %dma_wait3A_1278 = arith.constant 0 : i32
      %dma_wait3A_1279 = tpu.memref_slice %arg6[%add3A_1273, %dma_wait3A_1278] : memref<200x128xi32, #tpu.memory_space<vmem>> -> memref<1x128xi32, #tpu.memory_space<vmem>>
      %dma_wait3A_1280 = tpu.memref_squeeze %dma_wait3A_1279 : memref<1x128xi32, #tpu.memory_space<vmem>> -> memref<128xi32, #tpu.memory_space<vmem>>
      %dma_wait3A_1281 = arith.constant 0 : i32
      %dma_wait3A_1282 = tpu.memref_slice %arg10[%dma_wait3A_1281] : memref<1000000xi32, #tpu.memory_space<vmem_shared>> -> memref<1000000xi32, #tpu.memory_space<vmem_shared>>
      tpu.wait_indirect_dma semaphore(%arg19 : memref<!tpu.dma_semaphore, #tpu.memory_space<semaphore_mem>>) src(%dma_wait3A_1282 : memref<1000000xi32, #tpu.memory_space<vmem_shared>>) dst(%dma_wait3A_1277 : memref<128xi32, #tpu.memory_space<vmem>>)
      %get3A_1283 = arith.constant 8 : i32
      %get3A_1284 = arith.index_cast %get3A_1283 : i32 to index
      %get3A_1285 = arith.constant 0 : index
      %get3A_1286 = tpu.vector_load %arg7[%get3A_1284, %get3A_1285] {strides = array<i32>} : memref<10x128xi32, #tpu.memory_space<vmem>>, vector<16xi32>,
      %shift_left3A_1287 = arith.constant 16 : i32
      %shift_left3A_1288 = vector.broadcast %shift_left3A_1287 : i32 to vector<16xi32>
      %shift_left3A_1289 = arith.shli %get3A_1286, %shift_left3A_1288 : vector<16xi32>
      %bitcast_convert_type3A_1290 = tpu.bitcast %shift_left3A_1289 : vector<16xi32> -> vector<16xf32>
      %and3A_1291 = arith.andi %get3A_1286, %broadcast_in_dim3A_181 : vector<16xi32>
      %bitcast_convert_type3A_1292 = tpu.bitcast %and3A_1291 : vector<16xi32> -> vector<16xf32>
      %get3A_1293 = arith.constant 8 : i32
      %get3A_1294 = arith.index_cast %get3A_1293 : i32 to index
      %get3A_1295 = arith.constant 16 : index
      %get3A_1296 = tpu.vector_load %arg7[%get3A_1294, %get3A_1295] {strides = array<i32>} : memref<10x128xi32, #tpu.memory_space<vmem>>, vector<16xi32>,
      %shift_left3A_1297 = arith.constant 16 : i32
      %shift_left3A_1298 = vector.broadcast %shift_left3A_1297 : i32 to vector<16xi32>
      %shift_left3A_1299 = arith.shli %get3A_1296, %shift_left3A_1298 : vector<16xi32>
      %bitcast_convert_type3A_1300 = tpu.bitcast %shift_left3A_1299 : vector<16xi32> -> vector<16xf32>
      %and3A_1301 = arith.andi %get3A_1296, %broadcast_in_dim3A_181 : vector<16xi32>
      %bitcast_convert_type3A_1302 = tpu.bitcast %and3A_1301 : vector<16xi32> -> vector<16xf32>
      %get3A_1303 = arith.constant 8 : i32
      %get3A_1304 = arith.index_cast %get3A_1303 : i32 to index
      %get3A_1305 = arith.constant 32 : index
      %get3A_1306 = tpu.vector_load %arg7[%get3A_1304, %get3A_1305] {strides = array<i32>} : memref<10x128xi32, #tpu.memory_space<vmem>>, vector<16xi32>,
      %shift_left3A_1307 = arith.constant 16 : i32
      %shift_left3A_1308 = vector.broadcast %shift_left3A_1307 : i32 to vector<16xi32>
      %shift_left3A_1309 = arith.shli %get3A_1306, %shift_left3A_1308 : vector<16xi32>
      %bitcast_convert_type3A_1310 = tpu.bitcast %shift_left3A_1309 : vector<16xi32> -> vector<16xf32>
      %and3A_1311 = arith.andi %get3A_1306, %broadcast_in_dim3A_181 : vector<16xi32>
      %bitcast_convert_type3A_1312 = tpu.bitcast %and3A_1311 : vector<16xi32> -> vector<16xf32>
      %get3A_1313 = arith.constant 8 : i32
      %get3A_1314 = arith.index_cast %get3A_1313 : i32 to index
      %get3A_1315 = arith.constant 48 : index
      %get3A_1316 = tpu.vector_load %arg7[%get3A_1314, %get3A_1315] {strides = array<i32>} : memref<10x128xi32, #tpu.memory_space<vmem>>, vector<16xi32>,
      %shift_left3A_1317 = arith.constant 16 : i32
      %shift_left3A_1318 = vector.broadcast %shift_left3A_1317 : i32 to vector<16xi32>
      %shift_left3A_1319 = arith.shli %get3A_1316, %shift_left3A_1318 : vector<16xi32>
      %bitcast_convert_type3A_1320 = tpu.bitcast %shift_left3A_1319 : vector<16xi32> -> vector<16xf32>
      %and3A_1321 = arith.andi %get3A_1316, %broadcast_in_dim3A_181 : vector<16xi32>
      %bitcast_convert_type3A_1322 = tpu.bitcast %and3A_1321 : vector<16xi32> -> vector<16xf32>
      %get3A_1323 = arith.constant 8 : i32
      %get3A_1324 = arith.index_cast %get3A_1323 : i32 to index
      %get3A_1325 = arith.constant 64 : index
      %get3A_1326 = tpu.vector_load %arg7[%get3A_1324, %get3A_1325] {strides = array<i32>} : memref<10x128xi32, #tpu.memory_space<vmem>>, vector<16xi32>,
      %shift_left3A_1327 = arith.constant 16 : i32
      %shift_left3A_1328 = vector.broadcast %shift_left3A_1327 : i32 to vector<16xi32>
      %shift_left3A_1329 = arith.shli %get3A_1326, %shift_left3A_1328 : vector<16xi32>
      %bitcast_convert_type3A_1330 = tpu.bitcast %shift_left3A_1329 : vector<16xi32> -> vector<16xf32>
      %and3A_1331 = arith.andi %get3A_1326, %broadcast_in_dim3A_181 : vector<16xi32>
      %bitcast_convert_type3A_1332 = tpu.bitcast %and3A_1331 : vector<16xi32> -> vector<16xf32>
      %get3A_1333 = arith.constant 8 : i32
      %get3A_1334 = arith.index_cast %get3A_1333 : i32 to index
      %get3A_1335 = arith.constant 80 : index
      %get3A_1336 = tpu.vector_load %arg7[%get3A_1334, %get3A_1335] {strides = array<i32>} : memref<10x128xi32, #tpu.memory_space<vmem>>, vector<16xi32>,
      %shift_left3A_1337 = arith.constant 16 : i32
      %shift_left3A_1338 = vector.broadcast %shift_left3A_1337 : i32 to vector<16xi32>
      %shift_left3A_1339 = arith.shli %get3A_1336, %shift_left3A_1338 : vector<16xi32>
      %bitcast_convert_type3A_1340 = tpu.bitcast %shift_left3A_1339 : vector<16xi32> -> vector<16xf32>
      %and3A_1341 = arith.andi %get3A_1336, %broadcast_in_dim3A_181 : vector<16xi32>
      %bitcast_convert_type3A_1342 = tpu.bitcast %and3A_1341 : vector<16xi32> -> vector<16xf32>
      %get3A_1343 = arith.constant 8 : i32
      %get3A_1344 = arith.index_cast %get3A_1343 : i32 to index
      %get3A_1345 = arith.constant 96 : index
      %get3A_1346 = tpu.vector_load %arg7[%get3A_1344, %get3A_1345] {strides = array<i32>} : memref<10x128xi32, #tpu.memory_space<vmem>>, vector<16xi32>,
      %shift_left3A_1347 = arith.constant 16 : i32
      %shift_left3A_1348 = vector.broadcast %shift_left3A_1347 : i32 to vector<16xi32>
      %shift_left3A_1349 = arith.shli %get3A_1346, %shift_left3A_1348 : vector<16xi32>
      %bitcast_convert_type3A_1350 = tpu.bitcast %shift_left3A_1349 : vector<16xi32> -> vector<16xf32>
      %and3A_1351 = arith.andi %get3A_1346, %broadcast_in_dim3A_181 : vector<16xi32>
      %bitcast_convert_type3A_1352 = tpu.bitcast %and3A_1351 : vector<16xi32> -> vector<16xf32>
      %get3A_1353 = arith.constant 8 : i32
      %get3A_1354 = arith.index_cast %get3A_1353 : i32 to index
      %get3A_1355 = arith.constant 112 : index
      %get3A_1356 = tpu.vector_load %arg7[%get3A_1354, %get3A_1355] {strides = array<i32>} : memref<10x128xi32, #tpu.memory_space<vmem>>, vector<16xi32>,
      %shift_left3A_1357 = arith.constant 16 : i32
      %shift_left3A_1358 = vector.broadcast %shift_left3A_1357 : i32 to vector<16xi32>
      %shift_left3A_1359 = arith.shli %get3A_1356, %shift_left3A_1358 : vector<16xi32>
      %bitcast_convert_type3A_1360 = tpu.bitcast %shift_left3A_1359 : vector<16xi32> -> vector<16xf32>
      %and3A_1361 = arith.andi %get3A_1356, %broadcast_in_dim3A_181 : vector<16xi32>
      %bitcast_convert_type3A_1362 = tpu.bitcast %and3A_1361 : vector<16xi32> -> vector<16xf32>
      %add3A_1363 = arith.constant 10 : i32
      %add3A_1364 = arith.addi %add3A_1273, %add3A_1363 : i32
      %lt3A_1365 = arith.constant 200 : i32
      %lt3A_1366 = arith.cmpi slt, %add3A_1364, %lt3A_1365 : i32
      %convert_element_type3A_1367 = arith.extui %lt3A_1366 : i1 to i32
      %cond3A_1368 = arith.constant 0 : i32
      %cond3A_1369 = arith.cmpi ne, %convert_element_type3A_1367, %cond3A_1368 : i32
      scf.if %cond3A_1369 {
        %add3A_1502 = arith.constant 10 : i32
        %add3A_1503 = arith.addi %add3A_1273, %add3A_1502 : i32
        %dma_start3A_1504 = arith.constant 8 : i32
        %dma_start3A_1505 = arith.constant 0 : i32
        %dma_start3A_1506 = tpu.memref_slice %arg7[%dma_start3A_1504, %dma_start3A_1505] : memref<10x128xi32, #tpu.memory_space<vmem>> -> memref<1x128xi32, #tpu.memory_space<vmem>>
        %dma_start3A_1507 = tpu.memref_squeeze %dma_start3A_1506 : memref<1x128xi32, #tpu.memory_space<vmem>> -> memref<128xi32, #tpu.memory_space<vmem>>
        %dma_start3A_1508 = arith.constant 0 : i32
        %dma_start3A_1509 = tpu.memref_slice %arg6[%add3A_1503, %dma_start3A_1508] : memref<200x128xi32, #tpu.memory_space<vmem>> -> memref<1x128xi32, #tpu.memory_space<vmem>>
        %dma_start3A_1510 = tpu.memref_squeeze %dma_start3A_1509 : memref<1x128xi32, #tpu.memory_space<vmem>> -> memref<128xi32, #tpu.memory_space<vmem>>
        %dma_start3A_1511 = arith.constant 0 : i32
        %dma_start3A_1512 = tpu.memref_slice %arg10[%dma_start3A_1511] : memref<1000000xi32, #tpu.memory_space<vmem_shared>> -> memref<1000000xi32, #tpu.memory_space<vmem_shared>>
        tpu.enqueue_indirect_dma source(%dma_start3A_1512 : memref<1000000xi32, #tpu.memory_space<vmem_shared>>) target(%dma_start3A_1507 : memref<128xi32, #tpu.memory_space<vmem>>) offsets(%dma_start3A_1510 : memref<128xi32, #tpu.memory_space<vmem>>) semaphore(%arg19 : memref<!tpu.dma_semaphore, #tpu.memory_space<semaphore_mem>>)
      } else {
      }
      %add3A_1370 = arith.addf %add3A_1254, %bitcast_convert_type3A_1290 : vector<16xf32>
      %add3A_1371 = arith.addf %add3A_1255, %bitcast_convert_type3A_1292 : vector<16xf32>
      %add3A_1372 = arith.addf %add3A_1256, %bitcast_convert_type3A_1300 : vector<16xf32>
      %add3A_1373 = arith.addf %add3A_1257, %bitcast_convert_type3A_1302 : vector<16xf32>
      %add3A_1374 = arith.addf %add3A_1258, %bitcast_convert_type3A_1310 : vector<16xf32>
      %add3A_1375 = arith.addf %add3A_1259, %bitcast_convert_type3A_1312 : vector<16xf32>
      %add3A_1376 = arith.addf %add3A_1260, %bitcast_convert_type3A_1320 : vector<16xf32>
      %add3A_1377 = arith.addf %add3A_1261, %bitcast_convert_type3A_1322 : vector<16xf32>
      %add3A_1378 = arith.addf %add3A_1262, %bitcast_convert_type3A_1330 : vector<16xf32>
      %add3A_1379 = arith.addf %add3A_1263, %bitcast_convert_type3A_1332 : vector<16xf32>
      %add3A_1380 = arith.addf %add3A_1264, %bitcast_convert_type3A_1340 : vector<16xf32>
      %add3A_1381 = arith.addf %add3A_1265, %bitcast_convert_type3A_1342 : vector<16xf32>
      %add3A_1382 = arith.addf %add3A_1266, %bitcast_convert_type3A_1350 : vector<16xf32>
      %add3A_1383 = arith.addf %add3A_1267, %bitcast_convert_type3A_1352 : vector<16xf32>
      %add3A_1384 = arith.addf %add3A_1268, %bitcast_convert_type3A_1360 : vector<16xf32>
      %add3A_1385 = arith.addf %add3A_1269, %bitcast_convert_type3A_1362 : vector<16xf32>
      %mul3A_1386 = arith.constant 10 : i32
      %mul3A_1387 = arith.muli %scan3A_330, %mul3A_1386 : i32
      %add3A_1388 = arith.constant 9 : i32
      %add3A_1389 = arith.addi %mul3A_1387, %add3A_1388 : i32
      %dma_wait3A_1390 = arith.constant 9 : i32
      %dma_wait3A_1391 = arith.constant 0 : i32
      %dma_wait3A_1392 = tpu.memref_slice %arg7[%dma_wait3A_1390, %dma_wait3A_1391] : memref<10x128xi32, #tpu.memory_space<vmem>> -> memref<1x128xi32, #tpu.memory_space<vmem>>
      %dma_wait3A_1393 = tpu.memref_squeeze %dma_wait3A_1392 : memref<1x128xi32, #tpu.memory_space<vmem>> -> memref<128xi32, #tpu.memory_space<vmem>>
      %dma_wait3A_1394 = arith.constant 0 : i32
      %dma_wait3A_1395 = tpu.memref_slice %arg6[%add3A_1389, %dma_wait3A_1394] : memref<200x128xi32, #tpu.memory_space<vmem>> -> memref<1x128xi32, #tpu.memory_space<vmem>>
      %dma_wait3A_1396 = tpu.memref_squeeze %dma_wait3A_1395 : memref<1x128xi32, #tpu.memory_space<vmem>> -> memref<128xi32, #tpu.memory_space<vmem>>
      %dma_wait3A_1397 = arith.constant 0 : i32
      %dma_wait3A_1398 = tpu.memref_slice %arg10[%dma_wait3A_1397] : memref<1000000xi32, #tpu.memory_space<vmem_shared>> -> memref<1000000xi32, #tpu.memory_space<vmem_shared>>
      tpu.wait_indirect_dma semaphore(%arg20 : memref<!tpu.dma_semaphore, #tpu.memory_space<semaphore_mem>>) src(%dma_wait3A_1398 : memref<1000000xi32, #tpu.memory_space<vmem_shared>>) dst(%dma_wait3A_1393 : memref<128xi32, #tpu.memory_space<vmem>>)
      %get3A_1399 = arith.constant 9 : i32
      %get3A_1400 = arith.index_cast %get3A_1399 : i32 to index
      %get3A_1401 = arith.constant 0 : index
      %get3A_1402 = tpu.vector_load %arg7[%get3A_1400, %get3A_1401] {strides = array<i32>} : memref<10x128xi32, #tpu.memory_space<vmem>>, vector<16xi32>,
      %shift_left3A_1403 = arith.constant 16 : i32
      %shift_left3A_1404 = vector.broadcast %shift_left3A_1403 : i32 to vector<16xi32>
      %shift_left3A_1405 = arith.shli %get3A_1402, %shift_left3A_1404 : vector<16xi32>
      %bitcast_convert_type3A_1406 = tpu.bitcast %shift_left3A_1405 : vector<16xi32> -> vector<16xf32>
      %and3A_1407 = arith.andi %get3A_1402, %broadcast_in_dim3A_181 : vector<16xi32>
      %bitcast_convert_type3A_1408 = tpu.bitcast %and3A_1407 : vector<16xi32> -> vector<16xf32>
      %get3A_1409 = arith.constant 9 : i32
      %get3A_1410 = arith.index_cast %get3A_1409 : i32 to index
      %get3A_1411 = arith.constant 16 : index
      %get3A_1412 = tpu.vector_load %arg7[%get3A_1410, %get3A_1411] {strides = array<i32>} : memref<10x128xi32, #tpu.memory_space<vmem>>, vector<16xi32>,
      %shift_left3A_1413 = arith.constant 16 : i32
      %shift_left3A_1414 = vector.broadcast %shift_left3A_1413 : i32 to vector<16xi32>
      %shift_left3A_1415 = arith.shli %get3A_1412, %shift_left3A_1414 : vector<16xi32>
      %bitcast_convert_type3A_1416 = tpu.bitcast %shift_left3A_1415 : vector<16xi32> -> vector<16xf32>
      %and3A_1417 = arith.andi %get3A_1412, %broadcast_in_dim3A_181 : vector<16xi32>
      %bitcast_convert_type3A_1418 = tpu.bitcast %and3A_1417 : vector<16xi32> -> vector<16xf32>
      %get3A_1419 = arith.constant 9 : i32
      %get3A_1420 = arith.index_cast %get3A_1419 : i32 to index
      %get3A_1421 = arith.constant 32 : index
      %get3A_1422 = tpu.vector_load %arg7[%get3A_1420, %get3A_1421] {strides = array<i32>} : memref<10x128xi32, #tpu.memory_space<vmem>>, vector<16xi32>,
      %shift_left3A_1423 = arith.constant 16 : i32
      %shift_left3A_1424 = vector.broadcast %shift_left3A_1423 : i32 to vector<16xi32>
      %shift_left3A_1425 = arith.shli %get3A_1422, %shift_left3A_1424 : vector<16xi32>
      %bitcast_convert_type3A_1426 = tpu.bitcast %shift_left3A_1425 : vector<16xi32> -> vector<16xf32>
      %and3A_1427 = arith.andi %get3A_1422, %broadcast_in_dim3A_181 : vector<16xi32>
      %bitcast_convert_type3A_1428 = tpu.bitcast %and3A_1427 : vector<16xi32> -> vector<16xf32>
      %get3A_1429 = arith.constant 9 : i32
      %get3A_1430 = arith.index_cast %get3A_1429 : i32 to index
      %get3A_1431 = arith.constant 48 : index
      %get3A_1432 = tpu.vector_load %arg7[%get3A_1430, %get3A_1431] {strides = array<i32>} : memref<10x128xi32, #tpu.memory_space<vmem>>, vector<16xi32>,
      %shift_left3A_1433 = arith.constant 16 : i32
      %shift_left3A_1434 = vector.broadcast %shift_left3A_1433 : i32 to vector<16xi32>
      %shift_left3A_1435 = arith.shli %get3A_1432, %shift_left3A_1434 : vector<16xi32>
      %bitcast_convert_type3A_1436 = tpu.bitcast %shift_left3A_1435 : vector<16xi32> -> vector<16xf32>
      %and3A_1437 = arith.andi %get3A_1432, %broadcast_in_dim3A_181 : vector<16xi32>
      %bitcast_convert_type3A_1438 = tpu.bitcast %and3A_1437 : vector<16xi32> -> vector<16xf32>
      %get3A_1439 = arith.constant 9 : i32
      %get3A_1440 = arith.index_cast %get3A_1439 : i32 to index
      %get3A_1441 = arith.constant 64 : index
      %get3A_1442 = tpu.vector_load %arg7[%get3A_1440, %get3A_1441] {strides = array<i32>} : memref<10x128xi32, #tpu.memory_space<vmem>>, vector<16xi32>,
      %shift_left3A_1443 = arith.constant 16 : i32
      %shift_left3A_1444 = vector.broadcast %shift_left3A_1443 : i32 to vector<16xi32>
      %shift_left3A_1445 = arith.shli %get3A_1442, %shift_left3A_1444 : vector<16xi32>
      %bitcast_convert_type3A_1446 = tpu.bitcast %shift_left3A_1445 : vector<16xi32> -> vector<16xf32>
      %and3A_1447 = arith.andi %get3A_1442, %broadcast_in_dim3A_181 : vector<16xi32>
      %bitcast_convert_type3A_1448 = tpu.bitcast %and3A_1447 : vector<16xi32> -> vector<16xf32>
      %get3A_1449 = arith.constant 9 : i32
      %get3A_1450 = arith.index_cast %get3A_1449 : i32 to index
      %get3A_1451 = arith.constant 80 : index
      %get3A_1452 = tpu.vector_load %arg7[%get3A_1450, %get3A_1451] {strides = array<i32>} : memref<10x128xi32, #tpu.memory_space<vmem>>, vector<16xi32>,
      %shift_left3A_1453 = arith.constant 16 : i32
      %shift_left3A_1454 = vector.broadcast %shift_left3A_1453 : i32 to vector<16xi32>
      %shift_left3A_1455 = arith.shli %get3A_1452, %shift_left3A_1454 : vector<16xi32>
      %bitcast_convert_type3A_1456 = tpu.bitcast %shift_left3A_1455 : vector<16xi32> -> vector<16xf32>
      %and3A_1457 = arith.andi %get3A_1452, %broadcast_in_dim3A_181 : vector<16xi32>
      %bitcast_convert_type3A_1458 = tpu.bitcast %and3A_1457 : vector<16xi32> -> vector<16xf32>
      %get3A_1459 = arith.constant 9 : i32
      %get3A_1460 = arith.index_cast %get3A_1459 : i32 to index
      %get3A_1461 = arith.constant 96 : index
      %get3A_1462 = tpu.vector_load %arg7[%get3A_1460, %get3A_1461] {strides = array<i32>} : memref<10x128xi32, #tpu.memory_space<vmem>>, vector<16xi32>,
      %shift_left3A_1463 = arith.constant 16 : i32
      %shift_left3A_1464 = vector.broadcast %shift_left3A_1463 : i32 to vector<16xi32>
      %shift_left3A_1465 = arith.shli %get3A_1462, %shift_left3A_1464 : vector<16xi32>
      %bitcast_convert_type3A_1466 = tpu.bitcast %shift_left3A_1465 : vector<16xi32> -> vector<16xf32>
      %and3A_1467 = arith.andi %get3A_1462, %broadcast_in_dim3A_181 : vector<16xi32>
      %bitcast_convert_type3A_1468 = tpu.bitcast %and3A_1467 : vector<16xi32> -> vector<16xf32>
      %get3A_1469 = arith.constant 9 : i32
      %get3A_1470 = arith.index_cast %get3A_1469 : i32 to index
      %get3A_1471 = arith.constant 112 : index
      %get3A_1472 = tpu.vector_load %arg7[%get3A_1470, %get3A_1471] {strides = array<i32>} : memref<10x128xi32, #tpu.memory_space<vmem>>, vector<16xi32>,
      %shift_left3A_1473 = arith.constant 16 : i32
      %shift_left3A_1474 = vector.broadcast %shift_left3A_1473 : i32 to vector<16xi32>
      %shift_left3A_1475 = arith.shli %get3A_1472, %shift_left3A_1474 : vector<16xi32>
      %bitcast_convert_type3A_1476 = tpu.bitcast %shift_left3A_1475 : vector<16xi32> -> vector<16xf32>
      %and3A_1477 = arith.andi %get3A_1472, %broadcast_in_dim3A_181 : vector<16xi32>
      %bitcast_convert_type3A_1478 = tpu.bitcast %and3A_1477 : vector<16xi32> -> vector<16xf32>
      %add3A_1479 = arith.constant 10 : i32
      %add3A_1480 = arith.addi %add3A_1389, %add3A_1479 : i32
      %lt3A_1481 = arith.constant 200 : i32
      %lt3A_1482 = arith.cmpi slt, %add3A_1480, %lt3A_1481 : i32
      %convert_element_type3A_1483 = arith.extui %lt3A_1482 : i1 to i32
      %cond3A_1484 = arith.constant 0 : i32
      %cond3A_1485 = arith.cmpi ne, %convert_element_type3A_1483, %cond3A_1484 : i32
      scf.if %cond3A_1485 {
        %add3A_1502 = arith.constant 10 : i32
        %add3A_1503 = arith.addi %add3A_1389, %add3A_1502 : i32
        %dma_start3A_1504 = arith.constant 9 : i32
        %dma_start3A_1505 = arith.constant 0 : i32
        %dma_start3A_1506 = tpu.memref_slice %arg7[%dma_start3A_1504, %dma_start3A_1505] : memref<10x128xi32, #tpu.memory_space<vmem>> -> memref<1x128xi32, #tpu.memory_space<vmem>>
        %dma_start3A_1507 = tpu.memref_squeeze %dma_start3A_1506 : memref<1x128xi32, #tpu.memory_space<vmem>> -> memref<128xi32, #tpu.memory_space<vmem>>
        %dma_start3A_1508 = arith.constant 0 : i32
        %dma_start3A_1509 = tpu.memref_slice %arg6[%add3A_1503, %dma_start3A_1508] : memref<200x128xi32, #tpu.memory_space<vmem>> -> memref<1x128xi32, #tpu.memory_space<vmem>>
        %dma_start3A_1510 = tpu.memref_squeeze %dma_start3A_1509 : memref<1x128xi32, #tpu.memory_space<vmem>> -> memref<128xi32, #tpu.memory_space<vmem>>
        %dma_start3A_1511 = arith.constant 0 : i32
        %dma_start3A_1512 = tpu.memref_slice %arg10[%dma_start3A_1511] : memref<1000000xi32, #tpu.memory_space<vmem_shared>> -> memref<1000000xi32, #tpu.memory_space<vmem_shared>>
        tpu.enqueue_indirect_dma source(%dma_start3A_1512 : memref<1000000xi32, #tpu.memory_space<vmem_shared>>) target(%dma_start3A_1507 : memref<128xi32, #tpu.memory_space<vmem>>) offsets(%dma_start3A_1510 : memref<128xi32, #tpu.memory_space<vmem>>) semaphore(%arg20 : memref<!tpu.dma_semaphore, #tpu.memory_space<semaphore_mem>>)
      } else {
      }
      %add3A_1486 = arith.addf %add3A_1370, %bitcast_convert_type3A_1406 : vector<16xf32>
      %add3A_1487 = arith.addf %add3A_1371, %bitcast_convert_type3A_1408 : vector<16xf32>
      %add3A_1488 = arith.addf %add3A_1372, %bitcast_convert_type3A_1416 : vector<16xf32>
      %add3A_1489 = arith.addf %add3A_1373, %bitcast_convert_type3A_1418 : vector<16xf32>
      %add3A_1490 = arith.addf %add3A_1374, %bitcast_convert_type3A_1426 : vector<16xf32>
      %add3A_1491 = arith.addf %add3A_1375, %bitcast_convert_type3A_1428 : vector<16xf32>
      %add3A_1492 = arith.addf %add3A_1376, %bitcast_convert_type3A_1436 : vector<16xf32>
      %add3A_1493 = arith.addf %add3A_1377, %bitcast_convert_type3A_1438 : vector<16xf32>
      %add3A_1494 = arith.addf %add3A_1378, %bitcast_convert_type3A_1446 : vector<16xf32>
      %add3A_1495 = arith.addf %add3A_1379, %bitcast_convert_type3A_1448 : vector<16xf32>
      %add3A_1496 = arith.addf %add3A_1380, %bitcast_convert_type3A_1456 : vector<16xf32>
      %add3A_1497 = arith.addf %add3A_1381, %bitcast_convert_type3A_1458 : vector<16xf32>
      %add3A_1498 = arith.addf %add3A_1382, %bitcast_convert_type3A_1466 : vector<16xf32>
      %add3A_1499 = arith.addf %add3A_1383, %bitcast_convert_type3A_1468 : vector<16xf32>
      %add3A_1500 = arith.addf %add3A_1384, %bitcast_convert_type3A_1476 : vector<16xf32>
      %add3A_1501 = arith.addf %add3A_1385, %bitcast_convert_type3A_1478 : vector<16xf32>
      scf.yield %add3A_1486, %add3A_1487, %add3A_1488, %add3A_1489, %add3A_1490, %add3A_1491, %add3A_1492, %add3A_1493, %add3A_1494, %add3A_1495, %add3A_1496, %add3A_1497, %add3A_1498, %add3A_1499, %add3A_1500, %add3A_1501 : vector<16xf32>, vector<16xf32>, vector<16xf32>, vector<16xf32>, vector<16xf32>, vector<16xf32>, vector<16xf32>, vector<16xf32>, vector<16xf32>, vector<16xf32>, vector<16xf32>, vector<16xf32>, vector<16xf32>, vector<16xf32>, vector<16xf32>, vector<16xf32>
    }
    %scan3A_186 = arith.constant 20 : i32
    %get3A = arith.constant 0 : index
    %get3A_187 = tpu.vector_load %arg8[%get3A] {strides = array<i32>} : memref<32xf32, #tpu.memory_space<vmem>>, vector<16xf32>,
    %get3A_188 = arith.constant 16 : index
    %get3A_189 = tpu.vector_load %arg8[%get3A_188] {strides = array<i32>} : memref<32xf32, #tpu.memory_space<vmem>>, vector<16xf32>,
    %iota3A = tpu.iota {dimensions = array<i32: 0>} : vector<16xi32>
    %broadcast_in_dim3A_190 = arith.constant true
    %broadcast_in_dim3A_191 = vector.broadcast %broadcast_in_dim3A_190 : i1 to vector<16xi1>
    %mul3A_192 = arith.constant 2 : i32
    %mul3A_193 = vector.broadcast %mul3A_192 : i32 to vector<16xi32>
    %mul3A_194 = arith.muli %mul3A_193, %iota3A : vector<16xi32>
    %add3A_195 = arith.constant 0 : i32
    %add3A_196 = vector.broadcast %add3A_195 : i32 to vector<16xi32>
    %add3A_197 = arith.addi %add3A_196, %mul3A_194 : vector<16xi32>
    %mul3A_198 = arith.constant 5.000000e-03 : f32
    %mul3A_199 = vector.broadcast %mul3A_198 : f32 to vector<16xf32>
    %mul3A_200 = arith.mulf %scan3A_185#0, %mul3A_199 : vector<16xf32>
    %add3A_201 = arith.addf %mul3A_200, %get3A_187 : vector<16xf32>
    tpu.vector_store_idx %arg9[%add3A_197], %add3A_201 masked %broadcast_in_dim3A_191 : memref<256xf32, #tpu.memory_space<vmem>>[vector<16xi32>], vector<16xf32>, vector<16xi1>
    %add3A_202 = arith.constant 1 : i32
    %add3A_203 = vector.broadcast %add3A_202 : i32 to vector<16xi32>
    %add3A_204 = arith.addi %add3A_197, %add3A_203 : vector<16xi32>
    %mul3A_205 = arith.constant 5.000000e-03 : f32
    %mul3A_206 = vector.broadcast %mul3A_205 : f32 to vector<16xf32>
    %mul3A_207 = arith.mulf %scan3A_185#1, %mul3A_206 : vector<16xf32>
    %add3A_208 = arith.addf %mul3A_207, %get3A_189 : vector<16xf32>
    tpu.vector_store_idx %arg9[%add3A_204], %add3A_208 masked %broadcast_in_dim3A_191 : memref<256xf32, #tpu.memory_space<vmem>>[vector<16xi32>], vector<16xf32>, vector<16xi1>
    %mul3A_209 = arith.constant 2 : i32
    %mul3A_210 = vector.broadcast %mul3A_209 : i32 to vector<16xi32>
    %mul3A_211 = arith.muli %mul3A_210, %iota3A : vector<16xi32>
    %add3A_212 = arith.constant 32 : i32
    %add3A_213 = vector.broadcast %add3A_212 : i32 to vector<16xi32>
    %add3A_214 = arith.addi %add3A_213, %mul3A_211 : vector<16xi32>
    %mul3A_215 = arith.constant 5.000000e-03 : f32
    %mul3A_216 = vector.broadcast %mul3A_215 : f32 to vector<16xf32>
    %mul3A_217 = arith.mulf %scan3A_185#2, %mul3A_216 : vector<16xf32>
    %add3A_218 = arith.addf %mul3A_217, %get3A_187 : vector<16xf32>
    tpu.vector_store_idx %arg9[%add3A_214], %add3A_218 masked %broadcast_in_dim3A_191 : memref<256xf32, #tpu.memory_space<vmem>>[vector<16xi32>], vector<16xf32>, vector<16xi1>
    %add3A_219 = arith.constant 1 : i32
    %add3A_220 = vector.broadcast %add3A_219 : i32 to vector<16xi32>
    %add3A_221 = arith.addi %add3A_214, %add3A_220 : vector<16xi32>
    %mul3A_222 = arith.constant 5.000000e-03 : f32
    %mul3A_223 = vector.broadcast %mul3A_222 : f32 to vector<16xf32>
    %mul3A_224 = arith.mulf %scan3A_185#3, %mul3A_223 : vector<16xf32>
    %add3A_225 = arith.addf %mul3A_224, %get3A_189 : vector<16xf32>
    tpu.vector_store_idx %arg9[%add3A_221], %add3A_225 masked %broadcast_in_dim3A_191 : memref<256xf32, #tpu.memory_space<vmem>>[vector<16xi32>], vector<16xf32>, vector<16xi1>
    %mul3A_226 = arith.constant 2 : i32
    %mul3A_227 = vector.broadcast %mul3A_226 : i32 to vector<16xi32>
    %mul3A_228 = arith.muli %mul3A_227, %iota3A : vector<16xi32>
    %add3A_229 = arith.constant 64 : i32
    %add3A_230 = vector.broadcast %add3A_229 : i32 to vector<16xi32>
    %add3A_231 = arith.addi %add3A_230, %mul3A_228 : vector<16xi32>
    %mul3A_232 = arith.constant 5.000000e-03 : f32
    %mul3A_233 = vector.broadcast %mul3A_232 : f32 to vector<16xf32>
    %mul3A_234 = arith.mulf %scan3A_185#4, %mul3A_233 : vector<16xf32>
    %add3A_235 = arith.addf %mul3A_234, %get3A_187 : vector<16xf32>
    tpu.vector_store_idx %arg9[%add3A_231], %add3A_235 masked %broadcast_in_dim3A_191 : memref<256xf32, #tpu.memory_space<vmem>>[vector<16xi32>], vector<16xf32>, vector<16xi1>
    %add3A_236 = arith.constant 1 : i32
    %add3A_237 = vector.broadcast %add3A_236 : i32 to vector<16xi32>
    %add3A_238 = arith.addi %add3A_231, %add3A_237 : vector<16xi32>
    %mul3A_239 = arith.constant 5.000000e-03 : f32
    %mul3A_240 = vector.broadcast %mul3A_239 : f32 to vector<16xf32>
    %mul3A_241 = arith.mulf %scan3A_185#5, %mul3A_240 : vector<16xf32>
    %add3A_242 = arith.addf %mul3A_241, %get3A_189 : vector<16xf32>
    tpu.vector_store_idx %arg9[%add3A_238], %add3A_242 masked %broadcast_in_dim3A_191 : memref<256xf32, #tpu.memory_space<vmem>>[vector<16xi32>], vector<16xf32>, vector<16xi1>
    %mul3A_243 = arith.constant 2 : i32
    %mul3A_244 = vector.broadcast %mul3A_243 : i32 to vector<16xi32>
    %mul3A_245 = arith.muli %mul3A_244, %iota3A : vector<16xi32>
    %add3A_246 = arith.constant 96 : i32
    %add3A_247 = vector.broadcast %add3A_246 : i32 to vector<16xi32>
    %add3A_248 = arith.addi %add3A_247, %mul3A_245 : vector<16xi32>
    %mul3A_249 = arith.constant 5.000000e-03 : f32
    %mul3A_250 = vector.broadcast %mul3A_249 : f32 to vector<16xf32>
    %mul3A_251 = arith.mulf %scan3A_185#6, %mul3A_250 : vector<16xf32>
    %add3A_252 = arith.addf %mul3A_251, %get3A_187 : vector<16xf32>
    tpu.vector_store_idx %arg9[%add3A_248], %add3A_252 masked %broadcast_in_dim3A_191 : memref<256xf32, #tpu.memory_space<vmem>>[vector<16xi32>], vector<16xf32>, vector<16xi1>
    %add3A_253 = arith.constant 1 : i32
    %add3A_254 = vector.broadcast %add3A_253 : i32 to vector<16xi32>
    %add3A_255 = arith.addi %add3A_248, %add3A_254 : vector<16xi32>
    %mul3A_256 = arith.constant 5.000000e-03 : f32
    %mul3A_257 = vector.broadcast %mul3A_256 : f32 to vector<16xf32>
    %mul3A_258 = arith.mulf %scan3A_185#7, %mul3A_257 : vector<16xf32>
    %add3A_259 = arith.addf %mul3A_258, %get3A_189 : vector<16xf32>
    tpu.vector_store_idx %arg9[%add3A_255], %add3A_259 masked %broadcast_in_dim3A_191 : memref<256xf32, #tpu.memory_space<vmem>>[vector<16xi32>], vector<16xf32>, vector<16xi1>
    %mul3A_260 = arith.constant 2 : i32
    %mul3A_261 = vector.broadcast %mul3A_260 : i32 to vector<16xi32>
    %mul3A_262 = arith.muli %mul3A_261, %iota3A : vector<16xi32>
    %add3A_263 = arith.constant 128 : i32
    %add3A_264 = vector.broadcast %add3A_263 : i32 to vector<16xi32>
    %add3A_265 = arith.addi %add3A_264, %mul3A_262 : vector<16xi32>
    %mul3A_266 = arith.constant 5.000000e-03 : f32
    %mul3A_267 = vector.broadcast %mul3A_266 : f32 to vector<16xf32>
    %mul3A_268 = arith.mulf %scan3A_185#8, %mul3A_267 : vector<16xf32>
    %add3A_269 = arith.addf %mul3A_268, %get3A_187 : vector<16xf32>
    tpu.vector_store_idx %arg9[%add3A_265], %add3A_269 masked %broadcast_in_dim3A_191 : memref<256xf32, #tpu.memory_space<vmem>>[vector<16xi32>], vector<16xf32>, vector<16xi1>
    %add3A_270 = arith.constant 1 : i32
    %add3A_271 = vector.broadcast %add3A_270 : i32 to vector<16xi32>
    %add3A_272 = arith.addi %add3A_265, %add3A_271 : vector<16xi32>
    %mul3A_273 = arith.constant 5.000000e-03 : f32
    %mul3A_274 = vector.broadcast %mul3A_273 : f32 to vector<16xf32>
    %mul3A_275 = arith.mulf %scan3A_185#9, %mul3A_274 : vector<16xf32>
    %add3A_276 = arith.addf %mul3A_275, %get3A_189 : vector<16xf32>
    tpu.vector_store_idx %arg9[%add3A_272], %add3A_276 masked %broadcast_in_dim3A_191 : memref<256xf32, #tpu.memory_space<vmem>>[vector<16xi32>], vector<16xf32>, vector<16xi1>
    %mul3A_277 = arith.constant 2 : i32
    %mul3A_278 = vector.broadcast %mul3A_277 : i32 to vector<16xi32>
    %mul3A_279 = arith.muli %mul3A_278, %iota3A : vector<16xi32>
    %add3A_280 = arith.constant 160 : i32
    %add3A_281 = vector.broadcast %add3A_280 : i32 to vector<16xi32>
    %add3A_282 = arith.addi %add3A_281, %mul3A_279 : vector<16xi32>
    %mul3A_283 = arith.constant 5.000000e-03 : f32
    %mul3A_284 = vector.broadcast %mul3A_283 : f32 to vector<16xf32>
    %mul3A_285 = arith.mulf %scan3A_185#10, %mul3A_284 : vector<16xf32>
    %add3A_286 = arith.addf %mul3A_285, %get3A_187 : vector<16xf32>
    tpu.vector_store_idx %arg9[%add3A_282], %add3A_286 masked %broadcast_in_dim3A_191 : memref<256xf32, #tpu.memory_space<vmem>>[vector<16xi32>], vector<16xf32>, vector<16xi1>
    %add3A_287 = arith.constant 1 : i32
    %add3A_288 = vector.broadcast %add3A_287 : i32 to vector<16xi32>
    %add3A_289 = arith.addi %add3A_282, %add3A_288 : vector<16xi32>
    %mul3A_290 = arith.constant 5.000000e-03 : f32
    %mul3A_291 = vector.broadcast %mul3A_290 : f32 to vector<16xf32>
    %mul3A_292 = arith.mulf %scan3A_185#11, %mul3A_291 : vector<16xf32>
    %add3A_293 = arith.addf %mul3A_292, %get3A_189 : vector<16xf32>
    tpu.vector_store_idx %arg9[%add3A_289], %add3A_293 masked %broadcast_in_dim3A_191 : memref<256xf32, #tpu.memory_space<vmem>>[vector<16xi32>], vector<16xf32>, vector<16xi1>
    %mul3A_294 = arith.constant 2 : i32
    %mul3A_295 = vector.broadcast %mul3A_294 : i32 to vector<16xi32>
    %mul3A_296 = arith.muli %mul3A_295, %iota3A : vector<16xi32>
    %add3A_297 = arith.constant 192 : i32
    %add3A_298 = vector.broadcast %add3A_297 : i32 to vector<16xi32>
    %add3A_299 = arith.addi %add3A_298, %mul3A_296 : vector<16xi32>
    %mul3A_300 = arith.constant 5.000000e-03 : f32
    %mul3A_301 = vector.broadcast %mul3A_300 : f32 to vector<16xf32>
    %mul3A_302 = arith.mulf %scan3A_185#12, %mul3A_301 : vector<16xf32>
    %add3A_303 = arith.addf %mul3A_302, %get3A_187 : vector<16xf32>
    tpu.vector_store_idx %arg9[%add3A_299], %add3A_303 masked %broadcast_in_dim3A_191 : memref<256xf32, #tpu.memory_space<vmem>>[vector<16xi32>], vector<16xf32>, vector<16xi1>
    %add3A_304 = arith.constant 1 : i32
    %add3A_305 = vector.broadcast %add3A_304 : i32 to vector<16xi32>
    %add3A_306 = arith.addi %add3A_299, %add3A_305 : vector<16xi32>
    %mul3A_307 = arith.constant 5.000000e-03 : f32
    %mul3A_308 = vector.broadcast %mul3A_307 : f32 to vector<16xf32>
    %mul3A_309 = arith.mulf %scan3A_185#13, %mul3A_308 : vector<16xf32>
    %add3A_310 = arith.addf %mul3A_309, %get3A_189 : vector<16xf32>
    tpu.vector_store_idx %arg9[%add3A_306], %add3A_310 masked %broadcast_in_dim3A_191 : memref<256xf32, #tpu.memory_space<vmem>>[vector<16xi32>], vector<16xf32>, vector<16xi1>
    %mul3A_311 = arith.constant 2 : i32
    %mul3A_312 = vector.broadcast %mul3A_311 : i32 to vector<16xi32>
    %mul3A_313 = arith.muli %mul3A_312, %iota3A : vector<16xi32>
    %add3A_314 = arith.constant 224 : i32
    %add3A_315 = vector.broadcast %add3A_314 : i32 to vector<16xi32>
    %add3A_316 = arith.addi %add3A_315, %mul3A_313 : vector<16xi32>
    %mul3A_317 = arith.constant 5.000000e-03 : f32
    %mul3A_318 = vector.broadcast %mul3A_317 : f32 to vector<16xf32>
    %mul3A_319 = arith.mulf %scan3A_185#14, %mul3A_318 : vector<16xf32>
    %add3A_320 = arith.addf %mul3A_319, %get3A_187 : vector<16xf32>
    tpu.vector_store_idx %arg9[%add3A_316], %add3A_320 masked %broadcast_in_dim3A_191 : memref<256xf32, #tpu.memory_space<vmem>>[vector<16xi32>], vector<16xf32>, vector<16xi1>
    %add3A_321 = arith.constant 1 : i32
    %add3A_322 = vector.broadcast %add3A_321 : i32 to vector<16xi32>
    %add3A_323 = arith.addi %add3A_316, %add3A_322 : vector<16xi32>
    %mul3A_324 = arith.constant 5.000000e-03 : f32
    %mul3A_325 = vector.broadcast %mul3A_324 : f32 to vector<16xf32>
    %mul3A_326 = arith.mulf %scan3A_185#15, %mul3A_325 : vector<16xf32>
    %add3A_327 = arith.addf %mul3A_326, %get3A_189 : vector<16xf32>
    tpu.vector_store_idx %arg9[%add3A_323], %add3A_327 masked %broadcast_in_dim3A_191 : memref<256xf32, #tpu.memory_space<vmem>>[vector<16xi32>], vector<16xf32>, vector<16xi1>
    %mul3A_328 = arith.constant 2 : i32
    %mul3A_329 = arith.muli %mul3A_2, %mul3A_328 : i32
    "tpu.region"() ({
      %run_scoped3A = tpu.sem_alloc : memref<!tpu.dma_semaphore, #tpu.memory_space<semaphore_mem>>
      %dma_start3A_330 = tpu.memref_slice %arg5[%mul3A_329] : memref<8192xf32, #tpu.memory_space<hbm>> -> memref<256xf32, #tpu.memory_space<hbm>>
      %dma_start3A_331 = tpu.memref_slice %arg5[%mul3A_329] : memref<8192xf32, #tpu.memory_space<hbm>> -> memref<256xf32, #tpu.memory_space<hbm>>
      tpu.enqueue_dma source(%arg9 : memref<256xf32, #tpu.memory_space<vmem>>) target(%dma_start3A_331 : memref<256xf32, #tpu.memory_space<hbm>>) target_semaphore(%run_scoped3A : memref<!tpu.dma_semaphore, #tpu.memory_space<semaphore_mem>>)
      %dma_wait3A = tpu.memref_slice %arg5[%mul3A_329] : memref<8192xf32, #tpu.memory_space<hbm>> -> memref<256xf32, #tpu.memory_space<hbm>>
      %dma_wait3A_332 = tpu.memref_slice %arg5[%mul3A_329] : memref<8192xf32, #tpu.memory_space<hbm>> -> memref<256xf32, #tpu.memory_space<hbm>>
      tpu.wait_dma2 semaphore(%run_scoped3A : memref<!tpu.dma_semaphore, #tpu.memory_space<semaphore_mem>>) src(%arg9 : memref<256xf32, #tpu.memory_space<vmem>>) dst(%dma_wait3A_332 : memref<256xf32, #tpu.memory_space<hbm>>)
      tpu.yield
    }) : () -> ()
    return
  }
}

module attributes {stable_mosaic.version = 14 : i64} {
  func.func @_proj_body(%arg0: i32, %arg1: memref<2x64xf32, #tpu.memory_space<vmem>>, %arg2: memref<64x32768xf32, #tpu.memory_space<vmem>>, %arg3: memref<32768xi32, #tpu.memory_space<vmem>>) attributes {dimension_semantics = [#tpu.dimension_semantics<arbitrary>], iteration_bounds = array<i64: 31>, scalar_prefetch = 0 : i64, scratch_operands = 0 : i64, tpu.core_type = #tpu.core_type<tc>, window_params = [{pipeline_mode = #tpu.pipeline_mode<synchronous>, transform_indices = @transform_0, window_bounds = array<i64: 2, 64>}, {transform_indices = @transform_1, window_bounds = array<i64: 64, 32768>}, {transform_indices = @transform_2, window_bounds = array<i64: 32768>}]} {
    %get3A = arith.constant 0 : index
    %get3A_0 = arith.constant 0 : index
    %get3A_1 = vector.load %arg1[%get3A, %get3A_0] : memref<2x64xf32, #tpu.memory_space<vmem>>, vector<2x64xf32>
    %get3A_2 = arith.constant 0 : index
    %get3A_3 = arith.constant 0 : index
    %get3A_4 = vector.load %arg2[%get3A_2, %get3A_3] : memref<64x32768xf32, #tpu.memory_space<vmem>>, vector<64x32768xf32>
    %dot_general3A = arith.constant dense<0.000000e+00> : vector<2x32768xf32>
    %dot_general3A_5 = tpu.matmul %get3A_1, %get3A_4, %dot_general3A {dimension_numbers = #tpu.dot_dimension_numbers<[1], [0], [0], [1], [0, 0, 1, 1], [], []>, transpose_lhs_hint = false} : vector<2x64xf32>, vector<64x32768xf32>, vector<2x32768xf32> -> vector<2x32768xf32>
    %slice3A = vector.extract_strided_slice %dot_general3A_5 {offsets = [0, 0], sizes = [1, 32768], strides = [1, 1]} : vector<2x32768xf32> to vector<1x32768xf32>
    %squeeze3A = vector.shape_cast %slice3A : vector<1x32768xf32> to vector<32768xf32>
    %convert_element_type3A = arith.truncf %squeeze3A : vector<32768xf32> to vector<32768xbf16>
    %bitcast_convert_type3A = tpu.bitcast %convert_element_type3A : vector<32768xbf16> -> vector<32768xi16>
    %convert_element_type3A_6 = arith.extui %bitcast_convert_type3A : vector<32768xi16> to vector<32768xi32>
    %slice3A_7 = vector.extract_strided_slice %dot_general3A_5 {offsets = [1, 0], sizes = [1, 32768], strides = [1, 1]} : vector<2x32768xf32> to vector<1x32768xf32>
    %squeeze3A_8 = vector.shape_cast %slice3A_7 : vector<1x32768xf32> to vector<32768xf32>
    %convert_element_type3A_9 = arith.truncf %squeeze3A_8 : vector<32768xf32> to vector<32768xbf16>
    %bitcast_convert_type3A_10 = tpu.bitcast %convert_element_type3A_9 : vector<32768xbf16> -> vector<32768xi16>
    %convert_element_type3A_11 = arith.extui %bitcast_convert_type3A_10 : vector<32768xi16> to vector<32768xi32>
    %shift_left3A = arith.constant 16 : i32
    %shift_left3A_12 = vector.broadcast %shift_left3A : i32 to vector<32768xi32>
    %shift_left3A_13 = arith.shli %convert_element_type3A_11, %shift_left3A_12 : vector<32768xi32>
    %or3A = arith.ori %convert_element_type3A_6, %shift_left3A_13 : vector<32768xi32>
    %swap3A = arith.constant 0 : index
    %swap3A_14 = vector.load %arg3[%swap3A] : memref<32768xi32, #tpu.memory_space<vmem>>, vector<32768xi32>
    tpu.vector_store %arg3[%swap3A], %or3A {strides = array<i32>} : memref<32768xi32, #tpu.memory_space<vmem>>, vector<32768xi32>,
    return
  }
  func.func @transform_0(%arg0: i32) -> (i32, i32) {
    %c0_i32 = arith.constant 0 : i32
    %c0_i32_0 = arith.constant 0 : i32
    %c0_i32_1 = arith.constant 0 : i32
    return %c0_i32, %c0_i32_0 : i32, i32
  }
  func.func @transform_1(%arg0: i32) -> (i32, i32) {
    %c0_i32 = arith.constant 0 : i32
    %c0_i32_0 = arith.constant 0 : i32
    return %c0_i32, %arg0 : i32, i32
  }
  func.func @transform_2(%arg0: i32) -> i32 {
    %c0_i32 = arith.constant 0 : i32
    return %arg0 : i32
  }
}

</mosaic_0001>

<sc_bundles>
// kernel: _run.4.cloned.1.call-start
scs
__scs_entry_jumppad:
0x0: {  	(pc) =	sbr.rel $0x88, $3  }
0x1: {  	(tag) =	ssettag $0x0;
	lr =	simm.s32 $0x1  }
0x2: {  	[smem:$0x3F9D] =	sst lr;
	_ =	strace $0xD0000000  }
0x3: {  	_ = 	snop  }
0x4: {  	_ = 	snop  }
0x5: {  	_ = 	snop  }
0x6: {  	_ = 	snop  }
0x7: {  	_ = 	snop  }
__scs_overlays_trampoline_lowered:
0x8: {  	[smem:$0x3FAC] =	sst s0  }
0x9: {  	[smem:$0x3FAD] =	sst s1  }
0xa: {  	[smem:$0x3FAE] =	sst s2  }
0xb: {  	[smem:$0x3FAF] =	sst s3  }
0xc: {  	[smem:$0x3FB0] =	sst s4  }
0xd: {  	[smem:$0x3FB1] =	sst s5  }
0xe: {  	[smem:$0x3FB2] =	sst s6  }
0xf: {  	[smem:$0x3FB3] =	sst s7  }
0x10: {  	[smem:$0x3FB4] =	sst s8  }
0x11: {  	[smem:$0x3FB5] =	sst s9;
	s0 =	simm.s32 @!p0 $0x0  }
0x12: {  	s1 =	sld [smem:$0x3F9B];
	s0 =	simm.s32 @p0 $0x1  }
0x13: {  	[smem:$0x3FB6] =	sst s0;
	s0 =	simm.s32 @!p1 $0x0  }
0x14: {  	s2 =	sld [smem:$0x3F9A];
	s0 =	simm.s32 @p1 $0x1  }
0x15: {  	[smem:$0x3FB7] =	sst s0;
	s0 =	simm.s32 @!p2 $0x0  }
0x16: {  	s3 =	sld [smem:$0x3FDB];
	s0 =	simm.s32 @p2 $0x1  }
0x17: {  	s4 =	simm.s32 $0x1BF5;
	[smem:$0x3FB9] =	sst s0  }
0x18: {  	s0 =	sld [smem:$0x3F9C];
	_ =	swait.ge [sflag:s4], $0x0  }
0x19: {  	s7 =	sld [smem:$0x3F9D]  }
0x1a: {  	s8 =	sadd.s32 $0xFFFFE003, lr  }
0x1b: {  	s9 =	sadd.s32 $0xFFFFFEF7, lr;
	s5 =	simm.s32 $0xFFFFFFFF;
	p2 =	slt.u32 s8, $0xFFFFF086  }
0x1c: {  	p1 =	slt.u32 s9, $0xF7A;
	s5 =	simm.s32 @!p2 $0x0  }
0x1d: {  	s5 =	simm.s32 @p1 $0x1;
	p0 =	seq.s32 s7, s2  }
0x1e: {  	s7 =	smul.u32 @!p0 $0xF7A, s2;
	p2 =	seq.s32 @!p0 s5, $0x0  }
0x1f: {  	s9 =	smul.u32 $0xF7A, s1;
	s8 =	simm.s32 @!p0 $0x1BF5;
	p2 =	por !p2, p0  }
0x20: {  	[sflag:s8] =	ssyncset.s32 @!p0 $0xFFFFF086;
	s6 =	sadd.s32 @!p0 s3, s7;
	s7 =	simm.s32 @!p0 $0x108  }
0x21: {  	s3 =	sadd.s32 s3, s9;
	s6 =	sadd.s32 @!p0 $0x88, s6;
	s7 =	simm.s32 @p2 $0x1082  }
0x22: {  	[simem:s7], [sflag:s8] =	dma.local @!p0 [hbm:s6], $0xF7A  }
0x23: {  	s9 =	sor.u32 $0xD0000000, s2;
	s6 =	simm.s32 $0x108;
	_ =	swait.ge @!p0 [sflag:s8], $0x0  }
0x24: {  	s3 =	sadd.s32 $0x88, s3;
	s6 =	simm.s32 @!p1 $0x1082;
	[sflag:s4] =	ssyncset.s32 $0xFFFFF086  }
0x25: {  	[simem:s6], [sflag:s4] =	dma.local [hbm:s3], $0xF7A  }
0x26: {  	[smem:$0x3F9D] =	sst s1;
	(tag) =	ssettag s2;
	_ =	strace s9  }
0x27: {  	s1 =	sld [smem:$0x3FAD]  }
0x28: {  	s2 =	sld [smem:$0x3FAE]  }
0x29: {  	s4 =	sld [smem:$0x3FB0]  }
0x2a: {  	p0 =	seq.s32 s5, $0x0;
	s5 =	sld [smem:$0x3FB1]  }
0x2b: {  	s6 =	sld [smem:$0x3FB2]  }
0x2c: {  	s7 =	sld [smem:$0x3FB3]  }
0x2d: {  	s3 =	simm.s32 $0x108;
	s8 =	sld [smem:$0x3FB4]  }
0x2e: {  	s3 =	simm.s32 @!p0 $0x1082;
	s9 =	sld [smem:$0x3FB5]  }
0x2f: {  	lr =	sadd.s32 s0, s3;
	s0 =	sld [smem:$0x3FAC]  }
0x30: {  	s3 =	sld [smem:$0x3FAF]  }
0x31: {  	[smem:$0x3FB8] =	sst s10  }
0x32: {  	s10 =	sld [smem:$0x3FB6];
	_ =	sdelay $0x3  }
0x33: {  	p0 =	seq.s32 s10, $0x1;
	s10 =	sld [smem:$0x3FB8];
	_ =	sdelay $0x3  }
0x34: {  	[smem:$0x3FB8] =	sst s10  }
0x35: {  	s10 =	sld [smem:$0x3FB7];
	_ =	sdelay $0x3  }
0x36: {  	p1 =	seq.s32 s10, $0x1;
	s10 =	sld [smem:$0x3FB8];
	_ =	sdelay $0x3  }
0x37: {  	[smem:$0x3FB8] =	sst s10  }
0x38: {  	s10 =	sld [smem:$0x3FB9]  }
0x39: {  	_ = 	snop;
	(pc) =	sbr.ind lr, $3  }
0x3a: {  	_ = 	snop  }
0x3b: {  	_ = 	snop  }
0x3c: {  	p2 =	seq.s32 s10, $0x1;
	s10 =	sld [smem:$0x3FB8]  }
0x3d: {  	_ =	shalt  }
0x3e: {  	_ =	shalt  }
0x3f: {  	_ =	shalt  }
0x40: {  	_ =	shalt  }
0x41: {  	_ =	shalt  }
0x42: {  	_ =	shalt  }
0x43: {  	_ =	shalt  }
0x44: {  	_ =	shalt  }
0x45: {  	_ =	shalt  }
0x46: {  	_ =	shalt  }
0x47: {  	_ =	shalt  }
0x48: {  	_ =	shalt  }
0x49: {  	_ =	shalt  }
0x4a: {  	_ =	shalt  }
0x4b: {  	_ =	shalt  }
0x4c: {  	_ =	shalt  }
0x4d: {  	_ =	shalt  }
0x4e: {  	_ =	shalt  }
0x4f: {  	_ =	shalt  }
0x50: {  	_ =	shalt  }
0x51: {  	_ =	shalt  }
0x52: {  	_ =	shalt  }
0x53: {  	_ =	shalt  }
0x54: {  	_ =	shalt  }
0x55: {  	_ =	shalt  }
0x56: {  	_ =	shalt  }
0x57: {  	_ =	shalt  }
0x58: {  	_ =	shalt  }
0x59: {  	_ =	shalt  }
0x5a: {  	_ =	shalt  }
0x5b: {  	_ =	shalt  }
0x5c: {  	_ =	shalt  }
0x5d: {  	_ =	shalt  }
0x5e: {  	_ =	shalt  }
0x5f: {  	_ =	shalt  }
0x60: {  	_ =	shalt  }
0x61: {  	_ =	shalt  }
0x62: {  	_ =	shalt  }
0x63: {  	_ =	shalt  }
0x64: {  	_ =	shalt  }
0x65: {  	_ =	shalt  }
0x66: {  	_ =	shalt  }
0x67: {  	_ =	shalt  }
0x68: {  	_ =	shalt  }
0x69: {  	_ =	shalt  }
0x6a: {  	_ =	shalt  }
0x6b: {  	_ =	shalt  }
0x6c: {  	_ =	shalt  }
0x6d: {  	_ =	shalt  }
0x6e: {  	_ =	shalt  }
0x6f: {  	_ =	shalt  }
0x70: {  	_ =	shalt  }
0x71: {  	_ =	shalt  }
0x72: {  	_ =	shalt  }
0x73: {  	_ =	shalt  }
0x74: {  	_ =	shalt  }
0x75: {  	_ =	shalt  }
0x76: {  	_ =	shalt  }
0x77: {  	_ =	shalt  }
0x78: {  	_ =	shalt  }
0x79: {  	_ =	shalt  }
0x7a: {  	_ =	shalt  }
0x7b: {  	_ =	shalt  }
0x7c: {  	_ =	shalt  }
0x7d: {  	_ =	shalt  }
0x7e: {  	_ =	shalt  }
0x7f: {  	_ =	shalt  }
0x80: {  	_ =	shalt  }
0x81: {  	_ =	shalt  }
0x82: {  	_ =	shalt  }
0x83: {  	_ =	shalt  }
0x84: {  	_ =	shalt  }
0x85: {  	_ =	shalt  }
0x86: {  	_ =	shalt  }
0x87: {  	_ =	shalt  }
.Lfunc_end0:
.L_simem_size_0:
called_computation_lowered:
.L_overlay_start_0:
0x88: {  	s2 =	sld [smem:$0x3FD9]  }
0x89: {  	s3 =	sld [smem:$0x3FFE];
	_ =	sdelay $0x1  }
0x8a: {  	s1 =	srdreg.scid  }
0x8b: {  	s0 =	sand.u32 $0x1, s1  }
0x8c: {  	s17 =	sshll.u32 s0, $0xA;
	s2 =	sadd.s32 s3, s2  }
0x8d: {  	s2 =	sadd.s32 s2, s17  }
0x8e: {  	[smem:$0x3FC4] =	sst s2  }
0x8f: {  	_ = 	snop  }
0x90: {  	s2 =	sld [smem:$0x3FC6]  }
0x91: {  	s18 =	sld [smem:$0x3FD0];
	(tm) =	ssettm $0x1  }
0x92: {  	s4 =	sld [smem:$0x3FFB];
	_ =	sdelay $0x3  }
0x93: {  	_ =	strace s4  }
0x94: {  	s4 =	sld [smem:$0x3FFC];
	_ =	sdelay $0x3  }
0x95: {  	_ =	strace s4  }
0x96: {  	s4 =	sld [smem:$0x3FFD];
	_ =	sdelay $0x3  }
0x97: {  	_ =	strace s4  }
0x98: {  	_ =	strace $0x8FFFFFFF  }
0x99: {  	s19 =	sld [smem:$0x3FDB];
	_ =	sdelay $0x1  }
0x9a: {  	s5 =	simm.s32 $_scs_section_size  }
0x9b: {  	s6 =	simm.s32 $_size__tile_overlayer_lowered;
	s7 =	simm.s32 $_tile_overlayer_lowered  }
0x9c: {  	s22 =	simm.s32 $0x1BFF;
	s21 =	sshll.u32 s7, $0x1;
	s4 =	sadd.s32 s5, s19  }
0x9d: {  	s8 =	simm.s32 $0x0;
	s20 =	sshll.u32 s6, $0x1;
	s6 =	sadd.s32 s21, s4  }
0x9e: {  	[timem:s8], [sflag:s22] =	dma.local [hbm:s6], s20  }
0x9f: {  	_ =	swait.ge [sflag:s22], s20  }
0xa0: {  	s5 =	ssub.s32 $0x0, s20;
	[sflag:s22] =	ssyncset.done $0x0  }
0xa1: {  	[sflag:s22] =	ssyncadd.s32 s5;
	_ =	sdelay $0x1  }
0xa2: {  	s23 =	simm.s32 $0x1B8B  }
0xa3: {  	_ =	swait.ge [sflag:s23], $0x1  }
0xa4: {  	[sflag:s23] =	ssyncset.done $0x0  }
0xa5: {  	s25 =	simm.s32 $0x1B8E;
	s24 =	sld [smem:$0x3FFE];
	[sflag:s23] =	ssyncadd.s32 $0xFFFFFFFF  }
0xa6: {  	s26 =	simm.s32 $execute0_lowered;
	[smem:$0x3FD2] =	sst s25  }
0xa7: {  	s6 =	sshll.u32 s26, $0x1;
	_ =	strace $0x80000046;
	[dreg:$0x1] =	wrdreg $0xFFFFFFFF  }
0xa8: {  	s28 =	simm.s32 $_size_execute0_lowered;
	s4 =	sadd.s32 s4, s6;
	[dreg:$0x0] =	wrdreg $0x0  }
0xa9: {  	s6 =	sshll.u32 s28, $0x1;
	[dreg:$0x2] =	wrdreg s4  }
0xaa: {  	[dreg:$0x3] =	wrdreg s6  }
0xab: {  	[dreg:$0x4] =	wrdreg $0xC0  }
0xac: {  	_ =	task [dreg:s8], $0x5FFFF  }
0xad: {  	[dreg:$0x1] =	wrdreg $0xFFFFFFFF  }
0xae: {  	[dreg:$0x0] =	wrdreg $0x60  }
0xaf: {  	[dreg:$0x2] =	wrdreg s24  }
0xb0: {  	[dreg:$0x3] =	wrdreg s2  }
0xb1: {  	[dreg:$0x4] =	wrdreg s18  }
0xb2: {  	[dreg:$0x5] =	wrdreg $0x6A200  }
0xb3: {  	[dreg:$0x6] =	wrdreg $0x9  }
0xb4: {  	_ =	task.clear_ibuf [dreg:s8], $0x7FFFF;
	_ =	strace $0x90000046  }
0xb5: {  	s29 =	simm.s32 $0x9;
	_ =	strace $0x80000048  }
0xb6: {  	_ =	swait.ge [sflag:s29], $0x1  }
0xb7: {  	[sflag:s29] =	ssyncadd.s32 $0xFFFFFFFF  }
0xb8: {  	_ =	strace $0x90000048  }
0xb9: {  	_ =	sfence  }
0xba: {  	s30 =	sld [smem:$0x0];
	_ =	sdelay $0x2  }
0xbb: {  	s31 =	sshll.u32 s1, $0xD;
	s1 =	sshrl.u32 s1, $0x2  }
0xbc: {  	s3 =	sand.u32 $0x4000, s31;
	s1 =	sadd.s32 s1, s30  }
0xbd: {  	s0 =	sor.u32 s3, s0;
	s1 =	sshll.u32 s1, $0x11  }
0xbe: {  	s0 =	sor.u32 s1, s0  }
0xbf: {  	s0 =	sadd.s32 $0x8F2B, s0  }
0xc0: {  	[sflag:s0] =	ssyncadd.remote.s32 $0x1  }
0xc1: {  	_ =	sfence.sel $0xFFFF  }
0xc2: {  	[dreg:$0x0] =	wrdreg $0xFFFFFFFF;
	(pc) =	sbr.abs _section_cstart, $3  }
0xc3: {  	[dreg:$0x1] =	wrdreg $0xFFFFFFFF  }
0xc4: {  	_ =	task.clear_ibuf [dreg:s8], $0x2FFFF;
	_ =	strace $0x9FFFFFFF  }
0xc5: {  	(tm) =	ssettm $0x7FFFFFFF  }
tec
execute0_lowered:
.L_overlay_start_1:
0x0: {  	(tag) =	ssettag $0x1  }
0x1: {  	s9 =	stileid.u32  }
0x2: {  	p0 =	sgt.s32 s9, $0x3  }
0x3: {  	p2 =	sgt.s32 @p0 s9, $0x5  }
0x4: {  	p1 =	por !p2, !p0  }
0x5: {  	p3 =	seq.s32 @!p1 s9, $0x6  }
0x6: {  	p4 =	por p2, !p0;
	p1 =	por @p0 !p3, !p2  }
0x7: {  	p5 =	sgt.s32 @!p0 s9, $0x1;
	p4 =	seq.s32 @!p4 s9, $0x4;
	s0 =	simm.s32 @!p1 $0x0  }
0x8: {  	s0 =	simm.s32 @p1 $0x1;
	p1 =	por @p0 p3, !p2;
	p3 =	por p5, p0  }
0x9: {  	[smem:$0x7E9] =	sst s0;
	s0 =	simm.s32 @!p1 $0x0;
	p3 =	seq.s32 @!p3 s9, $0x0  }
0xa: {  	s0 =	simm.s32 @p1 $0x1;
	p1 =	por @p0 !p4, p2;
	s13 =	sld [smem:$0x7E9]  }
0xb: {  	p2 =	por @p0 p4, p2;
	[smem:$0x7EA] =	sst s0;
	s0 =	simm.s32 @!p1 $0x0  }
0xc: {  	p6 =	por @!p0 !p3, p5;
	s0 =	simm.s32 @p1 $0x1;
	p1 =	por !p5, p0  }
0xd: {  	p3 =	por @!p0 p3, p5;
	s14 =	sld [smem:$0x7EA];
	p1 =	seq.s32 @!p1 s9, $0x2  }
0xe: {  	p4 =	por @!p0 !p1, !p5;
	p1 =	por @!p0 p1, !p5;
	p5 =	seq.s32 s13, $0x1  }
0xf: {  	p5 =	por p5, !p0  }
0x10: {  	[smem:$0x7EB] =	sst s0;
	s0 =	simm.s32 @!p5 $0x0  }
0x11: {  	s15 =	sld [smem:$0x7EB];
	s0 =	simm.s32 @p5 $0x1;
	p5 =	seq.s32 s14, $0x1  }
0x12: {  	p5 =	por p5, !p0  }
0x13: {  	[smem:$0x7F2] =	sst s0;
	s0 =	simm.s32 @!p5 $0x0  }
0x14: {  	s0 =	simm.s32 @p5 $0x1;
	p5 =	seq.s32 s15, $0x1  }
0x15: {  	p5 =	por p5, !p0  }
0x16: {  	[smem:$0x7F3] =	sst s0;
	s0 =	simm.s32 @!p5 $0x0  }
0x17: {  	p2 =	por p2, !p0;
	s0 =	simm.s32 @p5 $0x1  }
0x18: {  	[smem:$0x7F4] =	sst s0;
	s0 =	simm.s32 @!p2 $0x0  }
0x19: {  	s16 =	rddreg [dreg:$0x0];
	p4 =	por p4, p0;
	s0 =	simm.s32 @p2 $0x1  }
0x1a: {  	p6 =	por p6, p0;
	[smem:$0x7F5] =	sst s0;
	s0 =	simm.s32 @!p4 $0x0  }
0x1b: {  	p1 =	por p1, p0;
	p2 =	sgt.s32 s9, $0xB;
	s0 =	simm.s32 @p4 $0x1  }
0x1c: {  	p4 =	sgt.s32 @p2 s9, $0xD;
	[smem:$0x7F6] =	sst s0;
	s0 =	simm.s32 @!p1 $0x0  }
0x1d: {  	p0 =	por p3, p0;
	s0 =	simm.s32 @p1 $0x1;
	p1 =	por !p4, !p2  }
0x1e: {  	[smem:$0x7F7] =	sst s0;
	s0 =	simm.s32 @!p0 $0x0;
	p1 =	seq.s32 @!p1 s9, $0xE  }
0x1f: {  	s1 =	rddreg [dreg:$0x2];
	s0 =	simm.s32 @p0 $0x1;
	p0 =	por @p2 !p1, !p4  }
0x20: {  	s5 =	simm.s32 $0x0;
	[smem:$0x7F8] =	sst s0;
	s0 =	simm.s32 @!p0 $0x0  }
0x21: {  	p5 =	por p4, !p2;
	s0 =	simm.s32 @p0 $0x1;
	p0 =	por @p2 p1, !p4  }
0x22: {  	p5 =	seq.s32 @!p5 s9, $0xC;
	[smem:$0x7EC] =	sst s0;
	s0 =	simm.s32 @!p0 $0x0  }
0x23: {  	[smem:$0x7FF] =	sst s5;
	s0 =	simm.s32 @p0 $0x1;
	p0 =	por @p2 !p5, p4  }
0x24: {  	[smem:$0x7ED] =	sst s0;
	s0 =	simm.s32 @!p0 $0x0  }
0x25: {  	s3 =	sld [smem:$0x7EC];
	s0 =	simm.s32 @p0 $0x1  }
0x26: {  	p0 =	por @p2 p5, p4;
	p5 =	sgt.s32 @!p2 s9, $0x9;
	s17 =	sld [smem:$0x7ED]  }
0x27: {  	[smem:$0x7EE] =	sst s0;
	s0 =	simm.s32 @!p0 $0x0;
	p1 =	por p5, p2  }
0x28: {  	s0 =	simm.s32 @p0 $0x1;
	p1 =	seq.s32 @!p1 s9, $0x8;
	s18 =	sld [smem:$0x7EE]  }
0x29: {  	p0 =	por !p5, p2;
	[smem:$0x7EF] =	sst s0;
	p4 =	por @!p2 !p1, p5  }
0x2a: {  	p0 =	seq.s32 @!p0 s9, $0xA;
	p1 =	por @!p2 p1, p5;
	s2 =	simm.s32 @!p4 $0x0  }
0x2b: {  	p3 =	por @!p2 !p0, !p5;
	p0 =	por @!p2 p0, !p5;
	s2 =	simm.s32 @p4 $0x1  }
0x2c: {  	p4 =	seq.s32 s3, $0x1;
	[smem:$0x7F0] =	sst s2;
	s2 =	simm.s32 @!p1 $0x0  }
0x2d: {  	s19 =	sld [smem:$0x7EF];
	s2 =	simm.s32 @p1 $0x1;
	p1 =	por p4, !p2  }
0x2e: {  	p5 =	seq.s32 s17, $0x1;
	s20 =	sld [smem:$0x7F0];
	s3 =	simm.s32 @!p1 $0x0  }
0x2f: {  	[smem:$0x7F1] =	sst s2;
	s3 =	simm.s32 @p1 $0x1;
	p1 =	por p5, !p2  }
0x30: {  	p4 =	seq.s32 s18, $0x1;
	[smem:$0x7F9] =	sst s3;
	s3 =	simm.s32 @!p1 $0x0  }
0x31: {  	s2 =	rddreg [dreg:$0x3];
	s3 =	simm.s32 @p1 $0x1;
	p1 =	por p4, !p2  }
0x32: {  	[smem:$0x7FA] =	sst s3;
	s3 =	simm.s32 @!p1 $0x0  }
0x33: {  	s21 =	sld [smem:$0x7F1];
	s3 =	simm.s32 @p1 $0x1  }
0x34: {  	s7 =	sadd.s32 $0x19800, s16;
	[smem:$0x7FB] =	sst s3  }
0x35: {  	s24 =	sadd.s32 $0x36CC0, s16;
	_ =	strace $0x80000047;
	[dreg:$0x5] =	wrdreg s7  }
0x36: {  	s25 =	sadd.s32 $0x34D80, s16;
	[dreg:$0x6] =	wrdreg s24  }
0x37: {  	s26 =	sadd.s32 $0x32E40, s16;
	[dreg:$0x7] =	wrdreg s25  }
0x38: {  	s28 =	sadd.s32 $0x30F00, s16;
	[dreg:$0x8] =	wrdreg s26  }
0x39: {  	s29 =	sadd.s32 $0x2EFC0, s16;
	[dreg:$0x9] =	wrdreg s28  }
0x3a: {  	s8 =	sadd.s32 $0x2B140, s16;
	[dreg:$0xa] =	wrdreg s29  }
0x3b: {  	s10 =	sadd.s32 $0x29200, s16;
	[dreg:$0xc] =	wrdreg s8  }
0x3c: {  	s11 =	sadd.s32 $0x272C0, s16;
	[dreg:$0xd] =	wrdreg s10  }
0x3d: {  	s12 =	sadd.s32 $0x23440, s16;
	[dreg:$0xe] =	wrdreg s11  }
0x3e: {  	s13 =	sadd.s32 $0x21500, s16;
	[dreg:$0x10] =	wrdreg s12  }
0x3f: {  	s22 =	srdreg.scid;
	s14 =	sadd.s32 $0x1F5C0, s16;
	[dreg:$0x11] =	wrdreg s13  }
0x40: {  	s30 =	simm.s32 $0x400;
	s15 =	sadd.s32 $0x1D680, s16;
	[dreg:$0x12] =	wrdreg s14  }
0x41: {  	s31 =	simm.s32 $0x1;
	s0 =	sadd.s32 $0x1B740, s16;
	[dreg:$0x13] =	wrdreg s15  }
0x42: {  	s4 =	sshll.u32 s9, $0x1;
	s7 =	sadd.s32 $0x2D080, s16;
	[dreg:$0x14] =	wrdreg s0  }
0x43: {  	p5 =	seq.s32 s19, $0x1;
	s8 =	sadd.s32 $0x25380, s16;
	[dreg:$0xb] =	wrdreg s7  }
0x44: {  	p0 =	por p0, p2;
	p4 =	por p5, !p2;
	[dreg:$0xf] =	wrdreg s8  }
0x45: {  	p5 =	por p3, p2;
	p3 =	seq.s32 s20, $0x1;
	s17 =	sld [smem:$0x7F3]  }
0x46: {  	p1 =	por p3, p2;
	p3 =	seq.s32 s21, $0x1;
	s18 =	sld [smem:$0x7F4]  }
0x47: {  	p2 =	por p3, p2;
	s3 =	sand.u32 $0x1, s22;
	s20 =	sld [smem:$0x7F5]  }
0x48: {  	s4 =	sor.u32 s3, s4;
	s3 =	ssub.s32 $0x2, s3;
	s21 =	sld [smem:$0x7F6]  }
0x49: {  	s11 =	simm.s32 $0xB;
	s10 =	simm.s32 $0x6780;
	s24 =	sld [smem:$0x7F7]  }
0x4a: {  	s12 =	simm.s32 $0x6800;
	s23 =	sshll.u32 s4, $0x4;
	s25 =	sld [smem:$0x7F8]  }
0x4b: {  	s13 =	simm.s32 $0x480;
	s5 =	sadd.s32 s23, s16;
	s16 =	sld [smem:$0x7F2]  }
0x4c: {  	s14 =	simm.s32 $0x6880;
	s15 =	simm.s32 $0x2;
	s26 =	sld [smem:$0x7F9]  }
0x4d: {  	s6 =	sshrl.u32 s3, $0x1;
	s7 =	sadd.s32 $0x5DC00, s2;
	s28 =	sld [smem:$0x7FA]  }
0x4e: {  	s29 =	sld [smem:$0x7FB];
	s3 =	ssub.s32 s3, s6;
	p3 =	seq.s32 s16, $0x1  }
0x4f: {  	s6 =	sadd.s32 $0x6D600, s2;
	s0 =	sshrl.u32 @!p3 s7, $0x3;
	p3 =	seq.s32 s17, $0x1  }
0x50: {  	s4 =	sshll.u32 s4, $0x5;
	[dreg:$0x15] =	wrdreg s0;
	s0 =	sshrl.u32 @!p3 s6, $0x3  }
0x51: {  	p3 =	seq.s32 s18, $0x1;
	[dreg:$0x16] =	wrdreg s0;
	s0 =	sadd.s32 $0x3E800, s2  }
0x52: {  	s19 =	sadd.s32 s1, s4;
	s1 =	sadd.s32 $0x1F400, s2;
	s0 =	sshrl.u32 @!p3 s0, $0x3  }
0x53: {  	p3 =	seq.s32 s20, $0x1;
	[dreg:$0x17] =	wrdreg s0;
	s0 =	sadd.s32 $0x4E200, s2  }
0x54: {  	s4 =	simm.s32 $0x0;
	s0 =	sshrl.u32 @!p3 s0, $0x3;
	p3 =	seq.s32 s21, $0x1  }
0x55: {  	s22 =	sadd.s32 $0x800, s5;
	[dreg:$0x18] =	wrdreg s0;
	s0 =	sshrl.u32 @!p3 s1, $0x3  }
0x56: {  	p3 =	seq.s32 s24, $0x1;
	[dreg:$0x19] =	wrdreg s0;
	s0 =	sadd.s32 $0x2EE00, s2  }
0x57: {  	s23 =	smax.u32 s3, $0x1;
	s3 =	simm.s32 $0x3;
	s0 =	sshrl.u32 @!p3 s0, $0x3  }
0x58: {  	s1 =	sadd.s32 $0xFA00, s2;
	p3 =	seq.s32 s25, $0x1;
	[dreg:$0x1a] =	wrdreg s0  }
0x59: {  	s0 =	sadd.s32 $0xDAC00, s2;
	s1 =	sshrl.u32 @!p3 s1, $0x3;
	p3 =	seq.s32 s26, $0x1  }
0x5a: {  	s16 =	simm.s32 $0x4;
	s17 =	simm.s32 $0x5;
	s0 =	sshrl.u32 @!p3 s0, $0x3  }
0x5b: {  	p3 =	seq.s32 s28, $0x1;
	[dreg:$0x1c] =	wrdreg s0;
	s0 =	sadd.s32 $0xEA600, s2  }
0x5c: {  	s18 =	simm.s32 $0x7;
	s20 =	simm.s32 $0x8;
	s0 =	sshrl.u32 @!p3 s0, $0x3  }
0x5d: {  	s21 =	simm.s32 $0x9;
	[dreg:$0x1d] =	wrdreg s0;
	s0 =	sadd.s32 $0xCB200, s2  }
0x5e: {  	[dreg:$0x1b] =	wrdreg s1;
	s1 =	sadd.s32 $0xBB800, s2;
	s0 =	sshrl.u32 @!p4 s0, $0x3  }
0x5f: {  	p3 =	seq.s32 s29, $0x1;
	[dreg:$0x1f] =	wrdreg s0;
	s0 =	sadd.s32 $0x9C400, s2  }
0x60: {  	s24 =	simm.s32 $0x6920;
	s1 =	sshrl.u32 @!p3 s1, $0x3;
	s0 =	sshrl.u32 @!p5 s0, $0x3  }
0x61: {  	p3 =	sgt.s32 s9, $0x7;
	[smem:$0x7FC] =	sst s0;
	s0 =	sadd.s32 $0xABE00, s2  }
0x62: {  	[dreg:$0x1e] =	wrdreg s1;
	s6 =	sshrl.u32 @!p0 s0, $0x3;
	s0 =	sadd.s32 $0x8CA00, s2  }
0x63: {  	s1 =	sadd.s32 $0x7D000, s2;
	s8 =	sshrl.u32 @!p2 s0, $0x3;
	s0 =	simm.s32 @!p3 $0x0  }
0x64: {  	v0 =	vlaneseq.u32;
	s9 =	simm.s32 $0x80;
	s7 =	sshrl.u32 @!p1 s1, $0x3;
	s0 =	simm.s32 @p3 $0x1  }
0x65: {  	v0 =	vmul.u32 $0x2, v0;
	s1 =	simm.s32 $0xA;
	[smem:$0x7FD] =	sst s0;
	s0 =	simm.s32 $0x6  }
.LBB2_1:
0x66: {  	s5 =	sld [smem:$0x7FD];
	_ =	sdelay $0x2  }
0x67: {  	p3 =	seq.s32 s5, $0x1  }
.Ltmp0:
0x68: {  	_ = 	snop;
	(pc) =	sbr.rel @p3 .LBB2_3-.Ltmp0, $1  }
0x69: {  	_ =	sdelay $0x3  }
0x6a: {  	s5 =	sld [smem:$0x7F2];
	_ =	sdelay $0x2  }
0x6b: {  	s25 =	rddreg [dreg:$0xf];
	p3 =	seq.s32 s5, $0x1  }
0x6c: {  	s26 =	rddreg [dreg:$0x15];
	s5 =	simm.s32 @!p3 $0x1D8B  }
0x6d: {  	[spmem:s26], [sflag:s5] =	dma.local @!p3 [hbm:s25], $0x1F40  }
0x6e: {  	s5 =	simm.s32 @!p3 $0xB  }
0x6f: {  	_ =	swait.ge @!p3 [sflag:s5], $0x1F40  }
0x70: {  	s28 =	sld [smem:$0x7F3];
	_ =	sdelay $0x1  }
0x71: {  	[sflag:s5] =	ssyncset.done @!p3 $0x0  }
0x72: {  	s25 =	rddreg [dreg:$0xe];
	[sflag:s5] =	ssyncadd.s32 @!p3 $0xFFFFE0C0;
	p3 =	seq.s32 s28, $0x1  }
0x73: {  	s26 =	rddreg [dreg:$0x16];
	s5 =	simm.s32 @!p3 $0x1DCB  }
0x74: {  	[spmem:s26], [sflag:s5] =	dma.local @!p3 [hbm:s25], $0x1F40  }
0x75: {  	s5 =	simm.s32 @!p3 $0xB  }
0x76: {  	_ =	swait.ge @!p3 [sflag:s5], $0x1F40  }
0x77: {  	s29 =	sld [smem:$0x7F4];
	_ =	sdelay $0x1  }
0x78: {  	[sflag:s5] =	ssyncset.done @!p3 $0x0  }
0x79: {  	s25 =	rddreg [dreg:$0x11];
	[sflag:s5] =	ssyncadd.s32 @!p3 $0xFFFFE0C0;
	p3 =	seq.s32 s29, $0x1  }
0x7a: {  	s26 =	rddreg [dreg:$0x17];
	s5 =	simm.s32 @!p3 $0x1D0B  }
0x7b: {  	[spmem:s26], [sflag:s5] =	dma.local @!p3 [hbm:s25], $0x1F40  }
0x7c: {  	s5 =	simm.s32 @!p3 $0xB  }
0x7d: {  	_ =	swait.ge @!p3 [sflag:s5], $0x1F40  }
0x7e: {  	s25 =	sld [smem:$0x7F5];
	_ =	sdelay $0x1  }
0x7f: {  	[sflag:s5] =	ssyncset.done @!p3 $0x0  }
0x80: {  	s26 =	rddreg [dreg:$0x18];
	[sflag:s5] =	ssyncadd.s32 @!p3 $0xFFFFE0C0;
	p3 =	seq.s32 s25, $0x1  }
0x81: {  	s25 =	rddreg [dreg:$0x10];
	s5 =	simm.s32 @!p3 $0x1D4B  }
0x82: {  	[spmem:s26], [sflag:s5] =	dma.local @!p3 [hbm:s25], $0x1F40  }
0x83: {  	s5 =	simm.s32 @!p3 $0xB  }
0x84: {  	_ =	swait.ge @!p3 [sflag:s5], $0x1F40  }
0x85: {  	s26 =	sld [smem:$0x7F6];
	_ =	sdelay $0x1  }
0x86: {  	[sflag:s5] =	ssyncset.done @!p3 $0x0  }
0x87: {  	s25 =	rddreg [dreg:$0x13];
	[sflag:s5] =	ssyncadd.s32 @!p3 $0xFFFFE0C0;
	p3 =	seq.s32 s26, $0x1  }
0x88: {  	s26 =	rddreg [dreg:$0x19];
	s5 =	simm.s32 @!p3 $0x1C8B  }
0x89: {  	[spmem:s26], [sflag:s5] =	dma.local @!p3 [hbm:s25], $0x1F40  }
0x8a: {  	s5 =	simm.s32 @!p3 $0xB  }
0x8b: {  	_ =	swait.ge @!p3 [sflag:s5], $0x1F40  }
0x8c: {  	s28 =	sld [smem:$0x7F7];
	_ =	sdelay $0x1  }
0x8d: {  	[sflag:s5] =	ssyncset.done @!p3 $0x0  }
0x8e: {  	s25 =	rddreg [dreg:$0x12];
	[sflag:s5] =	ssyncadd.s32 @!p3 $0xFFFFE0C0;
	p3 =	seq.s32 s28, $0x1  }
0x8f: {  	s26 =	rddreg [dreg:$0x1a];
	s5 =	simm.s32 @!p3 $0x1CCB  }
0x90: {  	[spmem:s26], [sflag:s5] =	dma.local @!p3 [hbm:s25], $0x1F40  }
0x91: {  	s5 =	simm.s32 @!p3 $0xB  }
0x92: {  	_ =	swait.ge @!p3 [sflag:s5], $0x1F40  }
0x93: {  	s25 =	simm.s32 @!p6 $0x1C0B;
	[sflag:s5] =	ssyncset.done @!p3 $0x0  }
0x94: {  	s26 =	rddreg [dreg:$0x5];
	[sflag:s5] =	ssyncadd.s32 @!p3 $0xFFFFE0C0;
	s5 =	sshrl.u32 @!p6 s2, $0x3  }
0x95: {  	[spmem:s5], [sflag:s25] =	dma.local @!p6 [hbm:s26], $0x1F40  }
0x96: {  	s5 =	simm.s32 @!p6 $0xB  }
0x97: {  	_ =	swait.ge @!p6 [sflag:s5], $0x1F40  }
0x98: {  	s29 =	sld [smem:$0x7F8];
	_ =	sdelay $0x2  }
0x99: {  	[sflag:s5] =	ssyncset.done @!p6 $0x0;
	s25 =	rddreg [dreg:$0x14];
	p3 =	seq.s32 s29, $0x1  }
0x9a: {  	s26 =	rddreg [dreg:$0x1b];
	[sflag:s5] =	ssyncadd.s32 @!p6 $0xFFFFE0C0;
	s5 =	simm.s32 @!p3 $0x1C4B  }
0x9b: {  	[spmem:s26], [sflag:s5] =	dma.local @!p3 [hbm:s25], $0x1F40  }
.Ltmp1:
0x9c: {  	_ = 	snop;
	(pc) =	sbr.rel .LBB2_4-.Ltmp1, $4  }
0x9d: {  	s5 =	simm.s32 @!p3 $0xB  }
0x9e: {  	_ =	swait.ge @!p3 [sflag:s5], $0x1F40  }
0x9f: {  	[sflag:s5] =	ssyncset.done @!p3 $0x0  }
0xa0: {  	[sflag:s5] =	ssyncadd.s32 @!p3 $0xFFFFE0C0  }
.LBB2_3:
0xa1: {  	s5 =	sld [smem:$0x7F9];
	_ =	sdelay $0x2  }
0xa2: {  	s25 =	rddreg [dreg:$0x7];
	p3 =	seq.s32 s5, $0x1  }
0xa3: {  	s26 =	rddreg [dreg:$0x1c];
	s5 =	simm.s32 @!p3 $0x1F8B  }
0xa4: {  	[spmem:s26], [sflag:s5] =	dma.local @!p3 [hbm:s25], $0x1F40  }
0xa5: {  	s5 =	simm.s32 @!p3 $0xB  }
0xa6: {  	_ =	swait.ge @!p3 [sflag:s5], $0x1F40  }
0xa7: {  	s28 =	sld [smem:$0x7FA];
	_ =	sdelay $0x1  }
0xa8: {  	[sflag:s5] =	ssyncset.done @!p3 $0x0  }
0xa9: {  	s25 =	rddreg [dreg:$0x6];
	[sflag:s5] =	ssyncadd.s32 @!p3 $0xFFFFE0C0;
	p3 =	seq.s32 s28, $0x1  }
0xaa: {  	s26 =	rddreg [dreg:$0x1d];
	s5 =	simm.s32 @!p3 $0x1FCB  }
0xab: {  	[spmem:s26], [sflag:s5] =	dma.local @!p3 [hbm:s25], $0x1388  }
0xac: {  	s5 =	simm.s32 @!p3 $0xB  }
0xad: {  	_ =	swait.ge @!p3 [sflag:s5], $0x1388  }
0xae: {  	s29 =	sld [smem:$0x7FB];
	_ =	sdelay $0x1  }
0xaf: {  	[sflag:s5] =	ssyncset.done @!p3 $0x0  }
0xb0: {  	s25 =	rddreg [dreg:$0x9];
	[sflag:s5] =	ssyncadd.s32 @!p3 $0xFFFFEC78;
	p3 =	seq.s32 s29, $0x1  }
0xb1: {  	s26 =	rddreg [dreg:$0x1e];
	s5 =	simm.s32 @!p3 $0x1F0B  }
0xb2: {  	[spmem:s26], [sflag:s5] =	dma.local @!p3 [hbm:s25], $0x1F40  }
0xb3: {  	s5 =	simm.s32 @!p3 $0xB  }
0xb4: {  	_ =	swait.ge @!p3 [sflag:s5], $0x1F40  }
0xb5: {  	[sflag:s5] =	ssyncset.done @!p3 $0x0;
	s25 =	rddreg [dreg:$0x8]  }
0xb6: {  	s26 =	rddreg [dreg:$0x1f];
	[sflag:s5] =	ssyncadd.s32 @!p3 $0xFFFFE0C0;
	s5 =	simm.s32 @!p4 $0x1F4B  }
0xb7: {  	[spmem:s26], [sflag:s5] =	dma.local @!p4 [hbm:s25], $0x1F40  }
0xb8: {  	s5 =	simm.s32 @!p4 $0xB  }
0xb9: {  	_ =	swait.ge @!p4 [sflag:s5], $0x1F40  }
0xba: {  	s26 =	sld [smem:$0x7FC]  }
0xbb: {  	[sflag:s5] =	ssyncset.done @!p4 $0x0  }
0xbc: {  	s25 =	rddreg [dreg:$0xb];
	[sflag:s5] =	ssyncadd.s32 @!p4 $0xFFFFE0C0;
	s5 =	simm.s32 @!p5 $0x1E8B  }
0xbd: {  	[spmem:s26], [sflag:s5] =	dma.local @!p5 [hbm:s25], $0x1F40  }
0xbe: {  	s5 =	simm.s32 @!p5 $0xB  }
0xbf: {  	_ =	swait.ge @!p5 [sflag:s5], $0x1F40  }
0xc0: {  	[sflag:s5] =	ssyncset.done @!p5 $0x0  }
0xc1: {  	s25 =	rddreg [dreg:$0xa];
	[sflag:s5] =	ssyncadd.s32 @!p5 $0xFFFFE0C0;
	s5 =	simm.s32 @!p0 $0x1ECB  }
0xc2: {  	[spmem:s6], [sflag:s5] =	dma.local @!p0 [hbm:s25], $0x1F40  }
0xc3: {  	s5 =	simm.s32 @!p0 $0xB  }
0xc4: {  	_ =	swait.ge @!p0 [sflag:s5], $0x1F40  }
0xc5: {  	[sflag:s5] =	ssyncset.done @!p0 $0x0  }
0xc6: {  	s25 =	rddreg [dreg:$0xd];
	[sflag:s5] =	ssyncadd.s32 @!p0 $0xFFFFE0C0;
	s5 =	simm.s32 @!p1 $0x1E0B  }
0xc7: {  	[spmem:s7], [sflag:s5] =	dma.local @!p1 [hbm:s25], $0x1F40  }
0xc8: {  	s5 =	simm.s32 @!p1 $0xB  }
0xc9: {  	_ =	swait.ge @!p1 [sflag:s5], $0x1F40  }
0xca: {  	[sflag:s5] =	ssyncset.done @!p1 $0x0  }
0xcb: {  	s25 =	rddreg [dreg:$0xc];
	[sflag:s5] =	ssyncadd.s32 @!p1 $0xFFFFE0C0;
	s5 =	simm.s32 @!p2 $0x1E4B  }
0xcc: {  	[spmem:s8], [sflag:s5] =	dma.local @!p2 [hbm:s25], $0x1F40  }
0xcd: {  	s5 =	simm.s32 @!p2 $0xB  }
0xce: {  	_ =	swait.ge @!p2 [sflag:s5], $0x1F40  }
0xcf: {  	[sflag:s5] =	ssyncset.done @!p2 $0x0  }
0xd0: {  	[sflag:s5] =	ssyncadd.s32 @!p2 $0xFFFFE0C0  }
.LBB2_4:
0xd1: {  	s25 =	simm.s32 $0x0;
	s5 =	simm.s32 $0x1000  }
0xd2: {  	[tilespmem:s25], [sflag:$0xB] =	stream.strided.gather [hbm4b:s22+s9], $0x6400, s5, s9, $0x38;
	[tilespmem:$0x15E48] =	vst v63  }
0xd3: {  	_ =	swait.ge [sflag:s11], $0x6400  }
0xd4: {  	[sflag:s11] =	ssyncset.done $0x0  }
0xd5: {  	[sflag:s11] =	ssyncadd.s32 $0xFFFF9C00  }
0xd6: {  	s26 =	simm.s32 $0x6900;
	s28 =	rddreg [dreg:$0x1]  }
0xd7: {  	[tilespmem:s26], [sflag:$0xB] =	stream.linear.gather [hbm4b:s28+s25], $0x20, $0x38;
	[tilespmem:$0x15E48] =	vst v63  }
0xd8: {  	_ =	swait.ge [sflag:s11], $0x20  }
0xd9: {  	[sflag:s11] =	ssyncset.done $0x0  }
0xda: {  	[sflag:s11] =	ssyncadd.s32 $0xFFFFFFE0  }
0xdb: {  	s29 =	simm.s32 $0x6400;
	[bflag:$0x0] =	sbarrier.arrive $0xFFFF  }
0xdc: {  	[tilespmem:s29], [sflag:$0x1] =	stream.indirect.gather [spmem:s2], $0x1, s25, s9, $0xb8;
	[tilespmem:$0x15E48] =	vst v63  }
0xdd: {  	s26 =	simm.s32 $0x6480  }
0xde: {  	[tilespmem:s26], [sflag:$0x2] =	stream.indirect.gather [spmem:s2], $0x1, s9, s9, $0xb8;
	[tilespmem:$0x15E48] =	vst v63  }
0xdf: {  	s28 =	simm.s32 $0x100;
	s29 =	simm.s32 $0x6500  }
0xe0: {  	[tilespmem:s29], [sflag:$0x3] =	stream.indirect.gather [spmem:s2], $0x1, s28, s9, $0xb8;
	[tilespmem:$0x15E48] =	vst v63  }
0xe1: {  	s28 =	simm.s32 $0x180;
	s29 =	simm.s32 $0x6580  }
0xe2: {  	[tilespmem:s29], [sflag:$0x4] =	stream.indirect.gather [spmem:s2], $0x1, s28, s9, $0xb8;
	[tilespmem:$0x15E48] =	vst v63  }
0xe3: {  	s28 =	simm.s32 $0x200;
	s29 =	simm.s32 $0x6600  }
0xe4: {  	[tilespmem:s29], [sflag:$0x5] =	stream.indirect.gather [spmem:s2], $0x1, s28, s9, $0xb8;
	[tilespmem:$0x15E48] =	vst v63  }
0xe5: {  	s28 =	simm.s32 $0x280;
	s29 =	simm.s32 $0x6680  }
0xe6: {  	[tilespmem:s29], [sflag:$0x6] =	stream.indirect.gather [spmem:s2], $0x1, s28, s9, $0xb8;
	[tilespmem:$0x15E48] =	vst v63  }
0xe7: {  	s26 =	simm.s32 $0x300;
	s28 =	simm.s32 $0x6700  }
0xe8: {  	[tilespmem:s28], [sflag:$0x7] =	stream.indirect.gather [spmem:s2], $0x1, s26, s9, $0xb8;
	[tilespmem:$0x15E48] =	vst v63  }
0xe9: {  	v1 =	vimm.f32 $0.0e+00;
	s29 =	simm.s32 $0x380  }
0xea: {  	v2 =	vimm.f32 $0.0e+00;
	v3 =	vimm.f32 $0.0e+00;
	v4 =	vimm.f32 $0.0e+00;
	[tilespmem:s10], [sflag:$0x8] =	stream.indirect.gather [spmem:s2], $0x1, s29, s9, $0xb8;
	[tilespmem:$0x15E48] =	vst v63  }
0xeb: {  	v5 =	vimm.f32 $0.0e+00;
	v6 =	vimm.f32 $0.0e+00;
	v7 =	vimm.f32 $0.0e+00  }
0xec: {  	v8 =	vimm.f32 $0.0e+00;
	v9 =	vimm.f32 $0.0e+00;
	v10 =	vimm.f32 $0.0e+00;
	[tilespmem:s12], [sflag:$0x9] =	stream.indirect.gather [spmem:s2], $0x1, s30, s9, $0xb8;
	[tilespmem:$0x15E48] =	vst v63  }
0xed: {  	v11 =	vimm.f32 $0.0e+00;
	v12 =	vimm.f32 $0.0e+00;
	v13 =	vimm.f32 $0.0e+00  }
0xee: {  	v14 =	vimm.f32 $0.0e+00;
	v15 =	vimm.f32 $0.0e+00;
	v16 =	vimm.f32 $0.0e+00;
	[tilespmem:s14], [sflag:$0xA] =	stream.indirect.gather [spmem:s2], $0x1, s13, s9, $0xb8;
	[tilespmem:$0x15E48] =	vst v63  }
.LBB2_5:
0xef: {  	_ =	swait.ge [sflag:s31], $0x80  }
0xf0: {  	[sflag:s31] =	ssyncset.done $0x0  }
0xf1: {  	[sflag:s31] =	ssyncadd.s32 $0xFFFFFF80  }
0xf2: {  	v17 =	vld [tilespmem:$0x6400]  }
0xf3: {  	v18 =	vld [tilespmem:$0x6410]  }
0xf4: {  	v19 =	vld [tilespmem:$0x6420]  }
0xf5: {  	v20 =	vld [tilespmem:$0x6430]  }
0xf6: {  	p3 =	seq.s32 s25, $0x17C00;
	v21 =	vld [tilespmem:$0x6440]  }
0xf7: {  	s5 =	sshra.s32 @!p3 s25, $0x2;
	v22 =	vld [tilespmem:$0x6450]  }
0xf8: {  	s26 =	simm.s32 @!p3 $0x80;
	s29 =	simm.s32 @!p3 $0x6400;
	s28 =	sadd.s32 @!p3 $0x500, s5;
	v23 =	vld [tilespmem:$0x6460]  }
0xf9: {  	v24 =	vld [tilespmem:$0x6470];
	[tilespmem:s29], [sflag:$0x1] =	stream.indirect.gather @!p3 [spmem:s2], $0x1, s28, s26, $0xb8;
	v29 =	vshll.u32 v17, $0x10;
	v17 =	vand.u32 $0xFFFF0000, v17;
	v30 =	vshll.u32 v18, $0x10  }
0xfa: {  	_ =	swait.ge [sflag:s15], $0x80;
	v18 =	vand.u32 $0xFFFF0000, v18;
	v32 =	vshll.u32 v19, $0x10;
	v19 =	vand.u32 $0xFFFF0000, v19  }
0xfb: {  	[sflag:s15] =	ssyncset.done $0x0;
	v54 =	vshll.u32 v20, $0x10;
	v20 =	vand.u32 $0xFFFF0000, v20;
	v55 =	vshll.u32 v21, $0x10  }
0xfc: {  	[sflag:s15] =	ssyncadd.s32 $0xFFFFFF80;
	v21 =	vand.u32 $0xFFFF0000, v21;
	v16 =	vadd.f32 v29, v16;
	v15 =	vadd.f32 v17, v15  }
0xfd: {  	v25 =	vld [tilespmem:$0x6480];
	v56 =	vshll.u32 v23, $0x10;
	v14 =	vadd.f32 v30, v14;
	v13 =	vadd.f32 v18, v13  }
0xfe: {  	v26 =	vld [tilespmem:$0x6490];
	v57 =	vand.u32 $0xFFFF0000, v23;
	v12 =	vadd.f32 v32, v12;
	v11 =	vadd.f32 v19, v11  }
0xff: {  	v27 =	vld [tilespmem:$0x64A0];
	v58 =	vshll.u32 v24, $0x10;
	v10 =	vadd.f32 v54, v10;
	v9 =	vadd.f32 v20, v9  }
0x100: {  	v28 =	vld [tilespmem:$0x64B0];
	v59 =	vand.u32 $0xFFFF0000, v24;
	v8 =	vadd.f32 v55, v8;
	v7 =	vadd.f32 v21, v7  }
0x101: {  	v31 =	vld [tilespmem:$0x64C0];
	v19 =	vshll.u32 v22, $0x10;
	v4 =	vadd.f32 v56, v4;
	v3 =	vadd.f32 v57, v3  }
0x102: {  	v53 =	vld [tilespmem:$0x64D0];
	v22 =	vand.u32 $0xFFFF0000, v22;
	v2 =	vadd.f32 v58, v2;
	v1 =	vadd.f32 v59, v1  }
0x103: {  	s28 =	sadd.s32 @!p3 $0x580, s5;
	s29 =	simm.s32 @!p3 $0x6480;
	v17 =	vld [tilespmem:$0x64E0];
	v6 =	vadd.f32 v19, v6;
	v5 =	vadd.f32 v22, v5;
	v62 =	vshll.u32 v25, $0x10  }
0x104: {  	v18 =	vld [tilespmem:$0x64F0];
	[tilespmem:s29], [sflag:$0x2] =	stream.indirect.gather @!p3 [spmem:s2], $0x1, s28, s26, $0xb8;
	v63 =	vand.u32 $0xFFFF0000, v25;
	v36 =	vshll.u32 v26, $0x10;
	v26 =	vand.u32 $0xFFFF0000, v26  }
0x105: {  	_ =	swait.ge [sflag:s3], $0x80;
	v38 =	vshll.u32 v27, $0x10;
	v27 =	vand.u32 $0xFFFF0000, v27;
	v40 =	vshll.u32 v28, $0x10  }
0x106: {  	[sflag:s3] =	ssyncset.done $0x0;
	v28 =	vand.u32 $0xFFFF0000, v28;
	v16 =	vadd.f32 v62, v16;
	v15 =	vadd.f32 v63, v15  }
0x107: {  	[sflag:s3] =	ssyncadd.s32 $0xFFFFFF80;
	v43 =	vshll.u32 v31, $0x10;
	v14 =	vadd.f32 v36, v14;
	v13 =	vadd.f32 v26, v13  }
0x108: {  	v31 =	vand.u32 $0xFFFF0000, v31;
	v19 =	vld [tilespmem:$0x6500];
	v12 =	vadd.f32 v38, v12;
	v11 =	vadd.f32 v27, v11  }
0x109: {  	v45 =	vshll.u32 v53, $0x10;
	v60 =	vld [tilespmem:$0x6510];
	v10 =	vadd.f32 v40, v10;
	v9 =	vadd.f32 v28, v9  }
0x10a: {  	v29 =	vand.u32 $0xFFFF0000, v53;
	v61 =	vld [tilespmem:$0x6520];
	v8 =	vadd.f32 v43, v8;
	v7 =	vadd.f32 v31, v7  }
0x10b: {  	v37 =	vld [tilespmem:$0x6530];
	v6 =	vadd.f32 v45, v6;
	v5 =	vadd.f32 v29, v5  }
0x10c: {  	v39 =	vld [tilespmem:$0x6540];
	v46 =	vshll.u32 v17, $0x10;
	v17 =	vand.u32 $0xFFFF0000, v17;
	v47 =	vshll.u32 v18, $0x10  }
0x10d: {  	v41 =	vld [tilespmem:$0x6550];
	v18 =	vand.u32 $0xFFFF0000, v18;
	v4 =	vadd.f32 v46, v4;
	v3 =	vadd.f32 v17, v3  }
0x10e: {  	s28 =	sadd.s32 @!p3 $0x600, s5;
	s29 =	simm.s32 @!p3 $0x6500;
	v42 =	vld [tilespmem:$0x6560];
	v2 =	vadd.f32 v47, v2;
	v1 =	vadd.f32 v18, v1  }
0x10f: {  	v44 =	vld [tilespmem:$0x6570];
	[tilespmem:s29], [sflag:$0x3] =	stream.indirect.gather @!p3 [spmem:s2], $0x1, s28, s26, $0xb8;
	v48 =	vshll.u32 v19, $0x10;
	v19 =	vand.u32 $0xFFFF0000, v19;
	v49 =	vshll.u32 v60, $0x10  }
0x110: {  	_ =	swait.ge [sflag:s16], $0x80;
	v20 =	vand.u32 $0xFFFF0000, v60;
	v51 =	vshll.u32 v61, $0x10;
	v21 =	vand.u32 $0xFFFF0000, v61  }
0x111: {  	[sflag:s16] =	ssyncset.done $0x0;
	v53 =	vshll.u32 v37, $0x10;
	v25 =	vand.u32 $0xFFFF0000, v37;
	v32 =	vand.u32 $0xFFFF0000, v39  }
0x112: {  	[sflag:s16] =	ssyncadd.s32 $0xFFFFFF80;
	v57 =	vshll.u32 v41, $0x10;
	v16 =	vadd.f32 v48, v16;
	v15 =	vadd.f32 v19, v15  }
0x113: {  	v17 =	vld [tilespmem:$0x6580];
	v23 =	vand.u32 $0xFFFF0000, v41;
	v14 =	vadd.f32 v49, v14;
	v13 =	vadd.f32 v20, v13  }
0x114: {  	v18 =	vld [tilespmem:$0x6590];
	v59 =	vshll.u32 v42, $0x10;
	v12 =	vadd.f32 v51, v12;
	v11 =	vadd.f32 v21, v11  }
0x115: {  	v50 =	vld [tilespmem:$0x65A0];
	v24 =	vand.u32 $0xFFFF0000, v42;
	v10 =	vadd.f32 v53, v10;
	v9 =	vadd.f32 v25, v9  }
0x116: {  	v52 =	vld [tilespmem:$0x65B0];
	v60 =	vand.u32 $0xFFFF0000, v44;
	v7 =	vadd.f32 v32, v7;
	v6 =	vadd.f32 v57, v6  }
0x117: {  	v54 =	vld [tilespmem:$0x65C0];
	v19 =	vshll.u32 v39, $0x10;
	v5 =	vadd.f32 v23, v5;
	v4 =	vadd.f32 v59, v4  }
0x118: {  	v55 =	vld [tilespmem:$0x65D0];
	v3 =	vadd.f32 v24, v3;
	v8 =	vadd.f32 v19, v8;
	v19 =	vshll.u32 v44, $0x10  }
0x119: {  	s28 =	sadd.s32 @!p3 $0x680, s5;
	s29 =	simm.s32 @!p3 $0x6580;
	v56 =	vld [tilespmem:$0x65E0];
	v1 =	vadd.f32 v60, v1;
	v2 =	vadd.f32 v19, v2  }
0x11a: {  	v58 =	vld [tilespmem:$0x65F0];
	[tilespmem:s29], [sflag:$0x4] =	stream.indirect.gather @!p3 [spmem:s2], $0x1, s28, s26, $0xb8;
	v61 =	vshll.u32 v17, $0x10;
	v17 =	vand.u32 $0xFFFF0000, v17;
	v62 =	vshll.u32 v18, $0x10  }
0x11b: {  	_ =	swait.ge [sflag:s17], $0x80;
	v18 =	vand.u32 $0xFFFF0000, v18;
	v36 =	vshll.u32 v50, $0x10;
	v27 =	vand.u32 $0xFFFF0000, v50  }
0x11c: {  	[sflag:s17] =	ssyncset.done $0x0;
	v38 =	vshll.u32 v52, $0x10;
	v29 =	vand.u32 $0xFFFF0000, v52;
	v40 =	vshll.u32 v54, $0x10  }
0x11d: {  	[sflag:s17] =	ssyncadd.s32 $0xFFFFFF80;
	v22 =	vand.u32 $0xFFFF0000, v54;
	v16 =	vadd.f32 v61, v16;
	v15 =	vadd.f32 v17, v15  }
0x11e: {  	v19 =	vld [tilespmem:$0x6600];
	v41 =	vshll.u32 v55, $0x10;
	v14 =	vadd.f32 v62, v14;
	v13 =	vadd.f32 v18, v13  }
0x11f: {  	v63 =	vld [tilespmem:$0x6610];
	v26 =	vand.u32 $0xFFFF0000, v55;
	v12 =	vadd.f32 v36, v12;
	v11 =	vadd.f32 v27, v11  }
0x120: {  	v37 =	vld [tilespmem:$0x6620];
	v43 =	vshll.u32 v56, $0x10;
	v10 =	vadd.f32 v38, v10;
	v9 =	vadd.f32 v29, v9  }
0x121: {  	v39 =	vld [tilespmem:$0x6630];
	v20 =	vand.u32 $0xFFFF0000, v56;
	v8 =	vadd.f32 v40, v8;
	v7 =	vadd.f32 v22, v7  }
0x122: {  	v42 =	vld [tilespmem:$0x6660];
	v45 =	vshll.u32 v58, $0x10;
	v6 =	vadd.f32 v41, v6;
	v5 =	vadd.f32 v26, v5  }
0x123: {  	v44 =	vld [tilespmem:$0x6670];
	v21 =	vand.u32 $0xFFFF0000, v58;
	v4 =	vadd.f32 v43, v4;
	v3 =	vadd.f32 v20, v3  }
0x124: {  	s28 =	sadd.s32 @!p3 $0x700, s5;
	s29 =	simm.s32 @!p3 $0x6600;
	v17 =	vld [tilespmem:$0x6640];
	v2 =	vadd.f32 v45, v2;
	v1 =	vadd.f32 v21, v1  }
0x125: {  	v18 =	vld [tilespmem:$0x6650];
	[tilespmem:s29], [sflag:$0x5] =	stream.indirect.gather @!p3 [spmem:s2], $0x1, s28, s26, $0xb8;
	v46 =	vshll.u32 v19, $0x10;
	v19 =	vand.u32 $0xFFFF0000, v19;
	v47 =	vshll.u32 v63, $0x10  }
0x126: {  	_ =	swait.ge [sflag:s0], $0x80;
	v49 =	vand.u32 $0xFFFF0000, v63;
	v50 =	vshll.u32 v37, $0x10;
	v51 =	vand.u32 $0xFFFF0000, v37  }
0x127: {  	[sflag:s0] =	ssyncset.done $0x0;
	v53 =	vshll.u32 v39, $0x10;
	v16 =	vadd.f32 v46, v16;
	v15 =	vadd.f32 v19, v15  }
0x128: {  	[sflag:s0] =	ssyncadd.s32 $0xFFFFFF80;
	v23 =	vand.u32 $0xFFFF0000, v39;
	v14 =	vadd.f32 v47, v14;
	v13 =	vadd.f32 v49, v13  }
0x129: {  	v59 =	vshll.u32 v42, $0x10;
	v48 =	vld [tilespmem:$0x6680];
	v12 =	vadd.f32 v50, v12;
	v11 =	vadd.f32 v51, v11  }
0x12a: {  	v61 =	vand.u32 $0xFFFF0000, v42;
	v52 =	vld [tilespmem:$0x6690];
	v10 =	vadd.f32 v53, v10;
	v9 =	vadd.f32 v23, v9  }
0x12b: {  	v62 =	vshll.u32 v44, $0x10;
	v55 =	vld [tilespmem:$0x66A0];
	v4 =	vadd.f32 v59, v4;
	v3 =	vadd.f32 v61, v3  }
0x12c: {  	v19 =	vld [tilespmem:$0x66B0];
	v2 =	vadd.f32 v62, v2;
	v54 =	vshll.u32 v17, $0x10;
	v17 =	vand.u32 $0xFFFF0000, v17  }
0x12d: {  	v57 =	vld [tilespmem:$0x66C0];
	v56 =	vshll.u32 v18, $0x10;
	v18 =	vand.u32 $0xFFFF0000, v18;
	v8 =	vadd.f32 v54, v8  }
0x12e: {  	v58 =	vld [tilespmem:$0x66D0];
	v7 =	vadd.f32 v17, v7;
	v5 =	vadd.f32 v18, v5;
	v18 =	vand.u32 $0xFFFF0000, v44  }
0x12f: {  	s28 =	sadd.s32 @!p3 $0x780, s5;
	s29 =	simm.s32 @!p3 $0x6680;
	v60 =	vld [tilespmem:$0x66E0];
	v6 =	vadd.f32 v56, v6;
	v1 =	vadd.f32 v18, v1  }
0x130: {  	v17 =	vld [tilespmem:$0x66F0];
	[tilespmem:s29], [sflag:$0x6] =	stream.indirect.gather @!p3 [spmem:s2], $0x1, s28, s26, $0xb8;
	v18 =	vshll.u32 v48, $0x10;
	v63 =	vand.u32 $0xFFFF0000, v48;
	v33 =	vshll.u32 v52, $0x10  }
0x131: {  	_ =	swait.ge [sflag:s18], $0x80;
	v34 =	vand.u32 $0xFFFF0000, v52;
	v35 =	vshll.u32 v55, $0x10;
	v36 =	vand.u32 $0xFFFF0000, v55  }
0x132: {  	[sflag:s18] =	ssyncset.done $0x0;
	v38 =	vshll.u32 v19, $0x10;
	v19 =	vand.u32 $0xFFFF0000, v19;
	v16 =	vadd.f32 v18, v16  }
0x133: {  	[sflag:s18] =	ssyncadd.s32 $0xFFFFFF80;
	v39 =	vshll.u32 v57, $0x10;
	v15 =	vadd.f32 v63, v15;
	v14 =	vadd.f32 v33, v14  }
0x134: {  	v21 =	vand.u32 $0xFFFF0000, v57;
	v37 =	vld [tilespmem:$0x6700];
	v13 =	vadd.f32 v34, v13;
	v12 =	vadd.f32 v35, v12  }
0x135: {  	v41 =	vshll.u32 v58, $0x10;
	v40 =	vld [tilespmem:$0x6710];
	v11 =	vadd.f32 v36, v11;
	v10 =	vadd.f32 v38, v10  }
0x136: {  	v24 =	vand.u32 $0xFFFF0000, v58;
	v18 =	vld [tilespmem:$0x6720];
	v9 =	vadd.f32 v19, v9;
	v8 =	vadd.f32 v39, v8  }
0x137: {  	v44 =	vshll.u32 v60, $0x10;
	v42 =	vld [tilespmem:$0x6730];
	v7 =	vadd.f32 v21, v7;
	v6 =	vadd.f32 v41, v6  }
0x138: {  	v23 =	vand.u32 $0xFFFF0000, v60;
	v43 =	vld [tilespmem:$0x6740];
	v5 =	vadd.f32 v24, v5;
	v4 =	vadd.f32 v44, v4  }
0x139: {  	v3 =	vadd.f32 v23, v3;
	v46 =	vshll.u32 v17, $0x10;
	v17 =	vand.u32 $0xFFFF0000, v17  }
0x13a: {  	v19 =	vld [tilespmem:$0x6750];
	v2 =	vadd.f32 v46, v2;
	v1 =	vadd.f32 v17, v1  }
0x13b: {  	s28 =	sadd.s32 @!p3 $0x800, s5;
	s29 =	simm.s32 @!p3 $0x6700;
	v45 =	vld [tilespmem:$0x6760];
	v17 =	vshll.u32 v37, $0x10;
	v48 =	vand.u32 $0xFFFF0000, v37;
	v49 =	vshll.u32 v40, $0x10  }
0x13c: {  	v47 =	vld [tilespmem:$0x6770];
	[tilespmem:s29], [sflag:$0x7] =	stream.indirect.gather @!p3 [spmem:s2], $0x1, s28, s26, $0xb8;
	v50 =	vand.u32 $0xFFFF0000, v40;
	v51 =	vshll.u32 v18, $0x10;
	v18 =	vand.u32 $0xFFFF0000, v18  }
0x13d: {  	_ =	swait.ge [sflag:s20], $0x80;
	v52 =	vshll.u32 v42, $0x10;
	v22 =	vand.u32 $0xFFFF0000, v42;
	v53 =	vshll.u32 v43, $0x10  }
0x13e: {  	[sflag:s20] =	ssyncset.done $0x0;
	v25 =	vand.u32 $0xFFFF0000, v43;
	v16 =	vadd.f32 v17, v16;
	v15 =	vadd.f32 v48, v15  }
0x13f: {  	[sflag:s20] =	ssyncadd.s32 $0xFFFFFF80;
	v55 =	vshll.u32 v19, $0x10;
	v14 =	vadd.f32 v49, v14;
	v13 =	vadd.f32 v50, v13  }
0x140: {  	v54 =	vld [tilespmem:$0x6780];
	v19 =	vand.u32 $0xFFFF0000, v19;
	v12 =	vadd.f32 v51, v12;
	v11 =	vadd.f32 v18, v11  }
0x141: {  	v56 =	vld [tilespmem:$0x67A0];
	v57 =	vshll.u32 v45, $0x10;
	v10 =	vadd.f32 v52, v10;
	v9 =	vadd.f32 v22, v9  }
0x142: {  	v58 =	vld [tilespmem:$0x67C0];
	v21 =	vand.u32 $0xFFFF0000, v45;
	v8 =	vadd.f32 v53, v8;
	v7 =	vadd.f32 v25, v7  }
0x143: {  	v59 =	vld [tilespmem:$0x67D0];
	v60 =	vshll.u32 v47, $0x10;
	v6 =	vadd.f32 v55, v6;
	v5 =	vadd.f32 v19, v5  }
0x144: {  	v61 =	vld [tilespmem:$0x67F0];
	v20 =	vand.u32 $0xFFFF0000, v47;
	v4 =	vadd.f32 v57, v4;
	v3 =	vadd.f32 v21, v3  }
0x145: {  	v17 =	vld [tilespmem:$0x6790];
	v2 =	vadd.f32 v60, v2;
	v1 =	vadd.f32 v20, v1  }
0x146: {  	s28 =	sadd.s32 @!p3 $0x880, s5;
	s29 =	simm.s32 @!p3 $0x6780;
	v18 =	vld [tilespmem:$0x67B0];
	v62 =	vshll.u32 v54, $0x10;
	v63 =	vand.u32 $0xFFFF0000, v54;
	v33 =	vshll.u32 v56, $0x10  }
0x147: {  	v19 =	vld [tilespmem:$0x67E0];
	[tilespmem:s29], [sflag:$0x8] =	stream.indirect.gather @!p3 [spmem:s2], $0x1, s28, s26, $0xb8;
	v24 =	vand.u32 $0xFFFF0000, v56;
	v35 =	vshll.u32 v58, $0x10;
	v22 =	vand.u32 $0xFFFF0000, v58  }
0x148: {  	_ =	swait.ge [sflag:s21], $0x80;
	v37 =	vshll.u32 v59, $0x10;
	v16 =	vadd.f32 v62, v16;
	v15 =	vadd.f32 v63, v15  }
0x149: {  	[sflag:s21] =	ssyncset.done $0x0;
	v25 =	vand.u32 $0xFFFF0000, v59;
	v12 =	vadd.f32 v33, v12;
	v11 =	vadd.f32 v24, v11  }
0x14a: {  	[sflag:s21] =	ssyncadd.s32 $0xFFFFFF80;
	v41 =	vshll.u32 v61, $0x10;
	v8 =	vadd.f32 v35, v8;
	v7 =	vadd.f32 v22, v7  }
0x14b: {  	v21 =	vand.u32 $0xFFFF0000, v61;
	v36 =	vld [tilespmem:$0x6800];
	v6 =	vadd.f32 v37, v6;
	v5 =	vadd.f32 v25, v5  }
0x14c: {  	v38 =	vld [tilespmem:$0x6820];
	v2 =	vadd.f32 v41, v2;
	v1 =	vadd.f32 v21, v1;
	v32 =	vshll.u32 v17, $0x10  }
0x14d: {  	v40 =	vld [tilespmem:$0x6840];
	v17 =	vand.u32 $0xFFFF0000, v17;
	v34 =	vshll.u32 v18, $0x10;
	v18 =	vand.u32 $0xFFFF0000, v18  }
0x14e: {  	v42 =	vld [tilespmem:$0x6850];
	v39 =	vshll.u32 v19, $0x10;
	v14 =	vadd.f32 v32, v14;
	v13 =	vadd.f32 v17, v13  }
0x14f: {  	v43 =	vld [tilespmem:$0x6870];
	v19 =	vand.u32 $0xFFFF0000, v19;
	v10 =	vadd.f32 v34, v10;
	v9 =	vadd.f32 v18, v9  }
0x150: {  	v17 =	vld [tilespmem:$0x6810];
	v4 =	vadd.f32 v39, v4;
	v3 =	vadd.f32 v19, v3  }
0x151: {  	s28 =	sadd.s32 @!p3 $0x900, s5;
	s29 =	simm.s32 @!p3 $0x6800;
	v18 =	vld [tilespmem:$0x6830];
	v44 =	vshll.u32 v36, $0x10;
	v20 =	vand.u32 $0xFFFF0000, v36;
	v46 =	vshll.u32 v38, $0x10  }
0x152: {  	v19 =	vld [tilespmem:$0x6860];
	[tilespmem:s29], [sflag:$0x9] =	stream.indirect.gather @!p3 [spmem:s2], $0x1, s28, s26, $0xb8;
	v24 =	vand.u32 $0xFFFF0000, v38;
	v48 =	vshll.u32 v40, $0x10;
	v22 =	vand.u32 $0xFFFF0000, v40  }
0x153: {  	_ =	swait.ge [sflag:s1], $0x80;
	v49 =	vshll.u32 v42, $0x10;
	v16 =	vadd.f32 v44, v16;
	v15 =	vadd.f32 v20, v15  }
0x154: {  	[sflag:s1] =	ssyncset.done $0x0;
	v23 =	vand.u32 $0xFFFF0000, v42;
	v12 =	vadd.f32 v46, v12;
	v11 =	vadd.f32 v24, v11  }
0x155: {  	[sflag:s1] =	ssyncadd.s32 $0xFFFFFF80;
	v53 =	vshll.u32 v43, $0x10;
	v8 =	vadd.f32 v48, v8;
	v7 =	vadd.f32 v22, v7  }
0x156: {  	v21 =	vand.u32 $0xFFFF0000, v43;
	v50 =	vld [tilespmem:$0x6890];
	v6 =	vadd.f32 v49, v6;
	v5 =	vadd.f32 v23, v5  }
0x157: {  	v52 =	vld [tilespmem:$0x68B0];
	v2 =	vadd.f32 v53, v2;
	v1 =	vadd.f32 v21, v1;
	v45 =	vshll.u32 v17, $0x10  }
0x158: {  	v54 =	vld [tilespmem:$0x68C0];
	v17 =	vand.u32 $0xFFFF0000, v17;
	v47 =	vshll.u32 v18, $0x10;
	v18 =	vand.u32 $0xFFFF0000, v18  }
0x159: {  	v51 =	vshll.u32 v19, $0x10;
	v14 =	vadd.f32 v45, v14;
	v13 =	vadd.f32 v17, v13  }
0x15a: {  	v58 =	vld [tilespmem:$0x68E0];
	v19 =	vand.u32 $0xFFFF0000, v19;
	v10 =	vadd.f32 v47, v10;
	v9 =	vadd.f32 v18, v9  }
0x15b: {  	v61 =	vld [tilespmem:$0x68F0];
	v4 =	vadd.f32 v51, v4;
	v3 =	vadd.f32 v19, v3  }
0x15c: {  	v17 =	vld [tilespmem:$0x6880];
	v56 =	vshll.u32 v50, $0x10;
	v24 =	vand.u32 $0xFFFF0000, v50;
	v59 =	vshll.u32 v52, $0x10  }
0x15d: {  	v18 =	vld [tilespmem:$0x68A0];
	v22 =	vand.u32 $0xFFFF0000, v52;
	v60 =	vshll.u32 v54, $0x10;
	v14 =	vadd.f32 v56, v14  }
0x15e: {  	v19 =	vld [tilespmem:$0x68D0];
	v20 =	vand.u32 $0xFFFF0000, v54;
	v13 =	vadd.f32 v24, v13;
	v10 =	vadd.f32 v59, v10  }
0x15f: {  	s25 =	sadd.s32 $0x1400, s25;
	s5 =	sadd.s32 @!p3 $0x980, s5;
	s28 =	simm.s32 @!p3 $0x6880;
	v62 =	vand.u32 $0xFFFF0000, v58;
	v9 =	vadd.f32 v22, v9;
	v8 =	vadd.f32 v60, v8  }
0x160: {  	[tilespmem:s28], [sflag:$0xA] =	stream.indirect.gather @!p3 [spmem:s2], $0x1, s5, s26, $0xb8;
	v63 =	vshll.u32 v61, $0x10;
	v7 =	vadd.f32 v20, v7;
	v3 =	vadd.f32 v62, v3;
	[tilespmem:$0x15E48] =	vst v63  }
0x161: {  	p3 =	sne.s32 s25, $0x19000;
	v2 =	vadd.f32 v63, v2;
	v55 =	vshll.u32 v17, $0x10;
	v17 =	vand.u32 $0xFFFF0000, v17  }
.Ltmp2:
0x162: {  	v57 =	vshll.u32 v18, $0x10;
	v18 =	vand.u32 $0xFFFF0000, v18;
	v16 =	vadd.f32 v55, v16;
	(pc) =	sbr.rel @p3 .LBB2_5-.Ltmp2, $4  }
0x163: {  	v15 =	vadd.f32 v17, v15;
	v17 =	vshll.u32 v19, $0x10;
	v19 =	vand.u32 $0xFFFF0000, v19  }
0x164: {  	v12 =	vadd.f32 v57, v12;
	v11 =	vadd.f32 v18, v11;
	v18 =	vshll.u32 v58, $0x10  }
0x165: {  	v6 =	vadd.f32 v17, v6;
	v5 =	vadd.f32 v19, v5;
	v17 =	vand.u32 $0xFFFF0000, v61  }
0x166: {  	v4 =	vadd.f32 v18, v4;
	v1 =	vadd.f32 v17, v1  }
0x167: {  	v17 =	vld [tilespmem:$0x6900]  }
0x168: {  	v18 =	vld [tilespmem:$0x6910];
	_ =	sdelay $0x1  }
0x169: {  	v16 =	vmul.f32 $4.999999890e-03, v16;
	v19 =	vor.u32 $0x1, v0  }
0x16a: {  	v15 =	vmul.f32 $4.999999890e-03, v15;
	v20 =	vor.u32 $0x20, v0  }
0x16b: {  	v14 =	vmul.f32 $4.999999890e-03, v14;
	v21 =	vor.u32 $0x21, v0;
	v16 =	vadd.f32 v17, v16  }
0x16c: {  	v13 =	vmul.f32 $4.999999890e-03, v13;
	v22 =	vor.u32 $0x40, v0;
	v15 =	vadd.f32 v18, v15  }
0x16d: {  	v12 =	vmul.f32 $4.999999890e-03, v12;
	v53 =	vor.u32 $0x41, v0;
	v14 =	vadd.f32 v17, v14;
	[tilespmem:v0+s24+$0x0] =	vst.idx.msk $0xffff, v16  }
0x16e: {  	v11 =	vmul.f32 $4.999999890e-03, v11;
	v54 =	vor.u32 $0x60, v0;
	v13 =	vadd.f32 v18, v13;
	[tilespmem:v19+s24+$0x0] =	vst.idx.msk $0xffff, v15  }
0x16f: {  	v10 =	vmul.f32 $4.999999890e-03, v10;
	v55 =	vor.u32 $0x61, v0;
	v12 =	vadd.f32 v17, v12;
	[tilespmem:v20+s24+$0x0] =	vst.idx.msk $0xffff, v14  }
0x170: {  	v9 =	vmul.f32 $4.999999890e-03, v9;
	v56 =	vor.u32 $0x80, v0;
	v11 =	vadd.f32 v18, v11;
	[tilespmem:v21+s24+$0x0] =	vst.idx.msk $0xffff, v13  }
0x171: {  	v8 =	vmul.f32 $4.999999890e-03, v8;
	v57 =	vor.u32 $0x81, v0;
	v10 =	vadd.f32 v17, v10;
	[tilespmem:v22+s24+$0x0] =	vst.idx.msk $0xffff, v12  }
0x172: {  	v7 =	vmul.f32 $4.999999890e-03, v7;
	v58 =	vor.u32 $0xA0, v0;
	v9 =	vadd.f32 v18, v9;
	[tilespmem:v53+s24+$0x0] =	vst.idx.msk $0xffff, v11  }
0x173: {  	v6 =	vmul.f32 $4.999999890e-03, v6;
	v59 =	vor.u32 $0xA1, v0;
	v8 =	vadd.f32 v17, v8;
	[tilespmem:v54+s24+$0x0] =	vst.idx.msk $0xffff, v10  }
0x174: {  	v5 =	vmul.f32 $4.999999890e-03, v5;
	v60 =	vor.u32 $0xC0, v0;
	v7 =	vadd.f32 v18, v7;
	[tilespmem:v55+s24+$0x0] =	vst.idx.msk $0xffff, v9  }
0x175: {  	v61 =	vor.u32 $0xC1, v0;
	v4 =	vmul.f32 $4.999999890e-03, v4;
	v6 =	vadd.f32 v17, v6;
	[tilespmem:v56+s24+$0x0] =	vst.idx.msk $0xffff, v8  }
0x176: {  	v3 =	vmul.f32 $4.999999890e-03, v3;
	v62 =	vor.u32 $0xE0, v0;
	v5 =	vadd.f32 v18, v5;
	[tilespmem:v57+s24+$0x0] =	vst.idx.msk $0xffff, v7  }
0x177: {  	v2 =	vmul.f32 $4.999999890e-03, v2;
	v63 =	vor.u32 $0xE1, v0;
	v4 =	vadd.f32 v17, v4;
	[tilespmem:v58+s24+$0x0] =	vst.idx.msk $0xffff, v6  }
0x178: {  	v1 =	vmul.f32 $4.999999890e-03, v1;
	v3 =	vadd.f32 v18, v3;
	[tilespmem:v59+s24+$0x0] =	vst.idx.msk $0xffff, v5  }
0x179: {  	v2 =	vadd.f32 v17, v2;
	[tilespmem:v60+s24+$0x0] =	vst.idx.msk $0xffff, v4  }
0x17a: {  	s4 =	sadd.s32 $0x1, s4;
	v1 =	vadd.f32 v18, v1;
	[tilespmem:v61+s24+$0x0] =	vst.idx.msk $0xffff, v3  }
0x17b: {  	p3 =	sne.s32 s4, s23;
	[tilespmem:v62+s24+$0x0] =	vst.idx.msk $0xffff, v2  }
.Ltmp3:
0x17c: {  	s5 =	simm.s32 $0x0;
	[tilespmem:v63+s24+$0x0] =	vst.idx.msk $0xffff, v1;
	(pc) =	sbr.rel @p3 .LBB2_1-.Ltmp3, $4  }
0x17d: {  	[hbm4b:s19+s5] =	stream.linear.scatter [tilespmem:s24], [sflag:$0xB], $0x100, $0x38;
	[tilespmem:$0x15E48] =	vst v63  }
0x17e: {  	_ =	swait.ge [sflag:s11], $0x100  }
0x17f: {  	[sflag:s11] =	ssyncset.done $0x0  }
0x180: {  	[sflag:s11] =	ssyncadd.s32 $0xFFFFFF00  }
0x181: {  	_ =	sfence.sel $0x180000  }
0x182: {  	[bflag:$0x0] =	sbarrier.arrive $0xFFFF  }
0x183: {  	_ =	strace $0x90000047  }
0x184: {  	s0 =	stileid.u32;
	[bflag:$0x2] =	sbarrier.arrive $0xFFFF  }
0x185: {  	p0 =	sne.s32 s0, $0x0;
	s0 =	rddreg [dreg:$0x4]  }
0x186: {  	s0 =	sadd.s32 @!p0 $0x100000, s0  }
0x187: {  	[sflag:s0] =	ssyncadd.tile.s32 @!p0 $0x1;
	_ =	shalt  }
.Lfunc_end2:
_tile_overlayer_lowered:
.L_overlay_start_2:
0x188: {  	(tag) =	ssettag $0x2  }
0x189: {  	s0 =	rddreg [dreg:$0x0];
	s2 =	stileid.u32  }
0x18a: {  	s1 =	rddreg [dreg:$0x1];
	p0 =	sne.s32 s2, $0x0  }
0x18b: {  	s3 =	rddreg [dreg:$0x2];
	[bflag:$0x3] =	sbarrier.arrive $0xFFFF;
	s2 =	simm.s32 @!p0 $0x1C0B  }
0x18c: {  	[timem:s3], [sflag:s2] =	dma.local @!p0 [hbm:s0], s1  }
0x18d: {  	s0 =	simm.s32 @!p0 $0xB  }
0x18e: {  	_ =	swait.ge @!p0 [sflag:s0], s1  }
0x18f: {  	s1 =	ssub.s32 @!p0 $0x0, s1;
	[sflag:s0] =	ssyncset.done @!p0 $0x0  }
0x190: {  	[sflag:s0] =	ssyncadd.s32 @!p0 s1  }
0x191: {  	[bflag:$0x3] =	sbarrier.arrive $0xFFFF  }
0x192: {  	_ =	shalt  }

</sc_bundles>
